<compile_context>
chip_gen: v7x
topology: tpu7x:2x2x1
jax: 0.10.2.dev20260603
libtpu: 0.0.44.dev20260713+nightly
codegen_flags: <defaults>
</compile_context>

<pallas_src>
import functools

import jax
import jax.numpy as jnp
from jax import lax
from jax.experimental import pallas as pl
from jax.experimental.pallas import tpu as pltpu
from jax.experimental.pallas import tpu_sc as plsc

_N_NODES = 100000
_N_EDGES = 6400000
_SHORT_CUTOFF = 4.0
_LONG_CUTOFF = 12.0
_KEHALF = 7.199822675975274
_ILR2 = 1.0 / (_LONG_CUTOFF * _LONG_CUTOFF)
_TLC = 2.0 / _LONG_CUTOFF

_L = 16
_NC, _NS = 2, 16
_NW = _NC * _NS
_ROWS = _N_EDGES // 128
_R = 16
_CHUNKS = _ROWS // _R
_CH_PER_TILE = -(-_CHUNKS // _NW)
_ACC_N = 100352
_SLICE = _ACC_N // _NS
_ZCH = 1568


@functools.partial(
    pl.kernel,
    out_type=jax.ShapeDtypeStruct((_NC, _ACC_N), jnp.float32),
    mesh=plsc.VectorSubcoreMesh(core_axis_name="c", subcore_axis_name="s"),
    compiler_params=pltpu.CompilerParams(needs_layout_passes=False),
    scratch_types=[
        pltpu.VMEM((_N_NODES,), jnp.float32),
        pltpu.VMEM((_R, 128), jnp.float32),
        pltpu.VMEM((_R, 128), jnp.float32),
        pltpu.VMEM((_R, 128), jnp.int32),
        pltpu.VMEM((_R, 128), jnp.int32),
        pltpu.VMEM((_R, 128), jnp.int32),
        pltpu.VMEM((_R, 128), jnp.int32),
        pltpu.VMEM((_R, 128), jnp.float32),
        pltpu.VMEM((_R, 128), jnp.float32),
        pltpu.VMEM((_ZCH,), jnp.float32),
        pltpu.VMEM_SHARED((_ACC_N,), jnp.float32),
        pltpu.SemaphoreType.DMA,
        pltpu.SemaphoreType.DMA,
        pltpu.SemaphoreType.DMA,
    ],
)
def _sc_electro(q_hbm, d_hbm, ii_hbm, ij_hbm, out_hbm,
                table, db0, db1, iib0, iib1, ijb0, ijb1, eb0, eb1, zb, acc,
                insem0, insem1, scsem):
    c = lax.axis_index("c")
    s = lax.axis_index("s")
    wid = s * _NC + c
    bufs = ((db0, iib0, ijb0, eb0, insem0), (db1, iib1, ijb1, eb1, insem1))

    zeros = jnp.zeros((_L,), jnp.float32)

    @pl.loop(0, _ZCH // _L)
    def _zb(i):
        zb[pl.ds(i * _L, _L)] = zeros

    for t in range(_SLICE // _ZCH):
        pltpu.sync_copy(zb, acc.at[pl.ds(s * _SLICE + t * _ZCH, _ZCH)])

    pltpu.sync_copy(q_hbm, table)
    plsc.subcore_barrier()

    def start_fetch(cidx, buf):
        db, iib, ijb, _, insem = buf
        row0 = cidx * _R
        pltpu.async_copy(d_hbm.at[pl.ds(row0, _R)], db, insem)
        pltpu.async_copy(ii_hbm.at[pl.ds(row0, _R)], iib, insem)
        pltpu.async_copy(ij_hbm.at[pl.ds(row0, _R)], ijb, insem)

    def wait_fetch(cidx, buf):
        db, iib, ijb, _, insem = buf
        row0 = cidx * _R
        pltpu.make_async_copy(d_hbm.at[pl.ds(row0, _R)], db, insem).wait()
        pltpu.make_async_copy(ii_hbm.at[pl.ds(row0, _R)], iib, insem).wait()
        pltpu.make_async_copy(ij_hbm.at[pl.ds(row0, _R)], ijb, insem).wait()

    def compute_chunk(buf):
        db, iib, ijb, eb, _ = buf

        @pl.loop(0, _R)
        def _row(r):
            for col in range(128 // _L):
                sl = pl.ds(col * _L, _L)
                dv = db[r, sl]
                qi = plsc.load_gather(table, [iib[r, sl]])
                qj = plsc.load_gather(table, [ijb[r, sl]])
                d2 = dv * dv + 1.0
                y = plsc.bitcast(
                    jnp.int32(0x5F3759DF) - (plsc.bitcast(d2, jnp.int32) >> 1),
                    jnp.float32)
                y = y * (1.5 - 0.5 * d2 * y * y)
                y = y * (1.5 - 0.5 * d2 * y * y)
                e_ord = 1.0 / dv + dv * _ILR2 - _TLC
                e_sh = y * (1.0 + d2 * _ILR2) - _TLC
                x = dv * (1.0 / _SHORT_CUTOFF)
                x2 = x * x
                sw = 1.0 - (x2 * x) * (10.0 - 15.0 * x + 6.0 * x2)
                sw = jnp.where(dv < _SHORT_CUTOFF, sw, 0.0)
                e = (_KEHALF * qi) * qj * (e_sh + sw * (e_ord - e_sh))
                e = jnp.where(dv <= _LONG_CUTOFF, e, 0.0)
                eb[r, sl] = e
            pltpu.async_copy(eb.at[r], acc.at[iib.at[r]], scsem, add=True)

        @pl.loop(0, _R)
        def _drain(r):
            pltpu.make_async_copy(eb.at[r], acc.at[iib.at[r]], scsem).wait()

    start_fetch(wid, bufs[0])

    @pl.loop(0, _CH_PER_TILE, step=2)
    def _pair(k):
        c0 = wid + k * _NW
        c1 = c0 + _NW
        c2 = c1 + _NW

        @pl.when(c1 < _CHUNKS)
        def _():
            start_fetch(c1, bufs[1])

        wait_fetch(c0, bufs[0])
        compute_chunk(bufs[0])

        @pl.when(c2 < _CHUNKS)
        def _():
            start_fetch(c2, bufs[0])

        @pl.when(c1 < _CHUNKS)
        def _():
            wait_fetch(c1, bufs[1])
            compute_chunk(bufs[1])

    plsc.subcore_barrier()
    pltpu.sync_copy(acc.at[pl.ds(s * _SLICE, _SLICE)],
                    out_hbm.at[c, pl.ds(s * _SLICE, _SLICE)])


def kernel(atomic_charges, distances, idx_i, idx_j):
    d2d = distances.reshape(_ROWS, 128)
    ii2d = idx_i.reshape(_ROWS, 128)
    ij2d = idx_j.reshape(_ROWS, 128)
    partials = _sc_electro(atomic_charges, d2d, ii2d, ij2d)
    return partials[0, :_N_NODES] + partials[1, :_N_NODES]

# --- scband reference (transcript-rebuilt; emitter-appended) ---
"""Pipeline reference for scband-pc-shielded-electrostatics-17609365914540 (READ-ONLY COPY).

The authoritative reference and input builder live on the scoring server;
editing this copy changes nothing except your own understanding.
"""

import jax, jax.numpy as jnp
import numpy as np

N_NODES = 100000
N_EDGES = 6400000
SHORT_CUTOFF = 4.0
LONG_CUTOFF = 12.0
KEHALF = 7.199822675975274


def poly6_cutoff(d, rc):
    # Smooth Poly6 switch function: 1 at d=0, 0 at d>=rc (PhysNet-style).
    x = d / rc
    f = 1.0 - 6.0 * x ** 5 + 15.0 * x ** 4 - 10.0 * x ** 3
    return jnp.where(d < rc, f, jnp.zeros_like(f))


def setup_inputs(seed: int = 0) -> dict:
    key = jax.random.key(seed)
    k1, k2, k3, k4 = jax.random.split(key, 4)
    atomic_charges = jax.random.normal(k1, (N_NODES,), dtype=jnp.float32)
    # distances: uniform in [0.5, 14.0) so some pairs exceed the long-range cutoff
    distances = jax.random.uniform(k2, (N_EDGES,), dtype=jnp.float32, minval=0.5, maxval=14.0)
    idx_i = jnp.sort(jax.random.randint(k3, (N_EDGES,), 0, N_NODES, dtype=jnp.int32))
    idx_j = jax.random.randint(k4, (N_EDGES,), 0, N_NODES, dtype=jnp.int32)
    return {"atomic_charges": atomic_charges, "distances": distances, "idx_i": idx_i, "idx_j": idx_j}


def reference(atomic_charges, distances, idx_i, idx_j):
    # gather per-edge charges
    atomic_charges_i = jnp.take(atomic_charges, idx_i, axis=0)
    atomic_charges_j = jnp.take(atomic_charges, idx_j, axis=0)

    distances_shielded = jnp.sqrt(distances ** 2 + 1.0)

    switch_weights = poly6_cutoff(distances, SHORT_CUTOFF)
    complementary_switch_weights = 1.0 - switch_weights

    lr2 = LONG_CUTOFF ** 2
    # split_distance=True branch
    E_ordinary = 1.0 / distances + distances / lr2 - 2.0 / LONG_CUTOFF
    E_shielded = 1.0 / distances_shielded + distances_shielded / lr2 - 2.0 / LONG_CUTOFF
    E = KEHALF * atomic_charges_i * atomic_charges_j * (
        complementary_switch_weights * E_shielded + switch_weights * E_ordinary
    )
    E = jnp.where(distances <= LONG_CUTOFF, E, jnp.zeros_like(E))

    # segment_sum over idx_i -> per-atom electrostatic energy
    return jax.ops.segment_sum(E, idx_i, num_segments=N_NODES)

if __name__ == "__main__":
    import jax
    _d = setup_inputs()
    print(jax.jit(kernel)(*tuple(_d.values())))

</pallas_src>

<mosaic_0001>
#map = affine_map<(d0, d1) -> (0)>
#map1 = affine_map<(d0, d1) -> (0, 0)>
module attributes {stable_mosaic.version = 14 : i64} {
  func.func @_sc_electro(%arg0: i32, %arg1: i32, %arg2: memref<100000xf32, #tpu.memory_space<hbm>>, %arg3: memref<50000x128xf32, #tpu.memory_space<hbm>>, %arg4: memref<50000x128xi32, #tpu.memory_space<hbm>>, %arg5: memref<50000x128xi32, #tpu.memory_space<hbm>>, %arg6: memref<2x100352xf32, #tpu.memory_space<hbm>>, %arg7: memref<100000xf32, #tpu.memory_space<vmem>>, %arg8: memref<16x128xf32, #tpu.memory_space<vmem>>, %arg9: memref<16x128xf32, #tpu.memory_space<vmem>>, %arg10: memref<16x128xi32, #tpu.memory_space<vmem>>, %arg11: memref<16x128xi32, #tpu.memory_space<vmem>>, %arg12: memref<16x128xi32, #tpu.memory_space<vmem>>, %arg13: memref<16x128xi32, #tpu.memory_space<vmem>>, %arg14: memref<16x128xf32, #tpu.memory_space<vmem>>, %arg15: memref<16x128xf32, #tpu.memory_space<vmem>>, %arg16: memref<1568xf32, #tpu.memory_space<vmem>>, %arg17: memref<100352xf32, #tpu.memory_space<vmem_shared>>, %arg18: memref<!tpu.dma_semaphore, #tpu.memory_space<semaphore_mem>>, %arg19: memref<!tpu.dma_semaphore, #tpu.memory_space<semaphore_mem>>, %arg20: memref<!tpu.dma_semaphore, #tpu.memory_space<semaphore_mem>>) attributes {dimension_semantics = [#tpu.dimension_semantics<core_parallel>, #tpu.dimension_semantics<subcore_parallel>], iteration_bounds = array<i64: 2, 16>, scalar_prefetch = 0 : i64, scratch_operands = 14 : i64, tpu.core_type = #tpu.core_type<sc_vector_subcore>, window_params = [{transform_indices = #map}, {transform_indices = #map1}, {transform_indices = #map1}, {transform_indices = #map1}, {transform_indices = #map1}]} {
    %mul3A = arith.constant 2 : i32
    %mul3A_0 = arith.muli %arg1, %mul3A : i32
    %add3A = arith.addi %mul3A_0, %arg0 : i32
    %broadcast_in_dim3A = arith.constant 0.000000e+00 : f32
    %broadcast_in_dim3A_1 = vector.broadcast %broadcast_in_dim3A : f32 to vector<16xf32>
    %scan3A = arith.constant 0 : i32
    %scan3A_2 = arith.constant 98 : i32
    %scan3A_3 = arith.addi %scan3A, %scan3A_2 : i32
    %scan3A_4 = arith.constant 1 : i32
    scf.for %scan3A_45 = %scan3A to %scan3A_3 step %scan3A_4  : i32 {
      %mul3A_46 = arith.constant 1 : i32
      %mul3A_47 = arith.muli %scan3A_45, %mul3A_46 : i32
      %add3A_48 = arith.constant 0 : i32
      %add3A_49 = arith.addi %add3A_48, %mul3A_47 : i32
      %mul3A_50 = arith.constant 16 : i32
      %mul3A_51 = arith.muli %add3A_49, %mul3A_50 : i32
      %swap3A = arith.index_cast %mul3A_51 : i32 to index
      %swap3A_52 = tpu.vector_load %arg16[%swap3A] {strides = array<i32>} : memref<1568xf32, #tpu.memory_space<vmem>>, vector<16xf32>,
      tpu.vector_store %arg16[%swap3A], %broadcast_in_dim3A_1 {strides = array<i32>} : memref<1568xf32, #tpu.memory_space<vmem>>, vector<16xf32>,
    }
    %scan3A_5 = arith.constant 98 : i32
    %mul3A_6 = arith.constant 6272 : i32
    %mul3A_7 = arith.muli %arg1, %mul3A_6 : i32
    %add3A_8 = arith.constant 0 : i32
    %add3A_9 = arith.addi %mul3A_7, %add3A_8 : i32
    "tpu.region"() ({
      %run_scoped3A = tpu.sem_alloc : memref<!tpu.dma_semaphore, #tpu.memory_space<semaphore_mem>>
      %dma_start3A_45 = tpu.memref_slice %arg17[%add3A_9] : memref<100352xf32, #tpu.memory_space<vmem_shared>> -> memref<1568xf32, #tpu.memory_space<vmem_shared>>
      %dma_start3A_46 = tpu.memref_slice %arg17[%add3A_9] : memref<100352xf32, #tpu.memory_space<vmem_shared>> -> memref<1568xf32, #tpu.memory_space<vmem_shared>>
      tpu.enqueue_dma source(%arg16 : memref<1568xf32, #tpu.memory_space<vmem>>) target(%dma_start3A_46 : memref<1568xf32, #tpu.memory_space<vmem_shared>>) target_semaphore(%run_scoped3A : memref<!tpu.dma_semaphore, #tpu.memory_space<semaphore_mem>>)
      %dma_wait3A = tpu.memref_slice %arg17[%add3A_9] : memref<100352xf32, #tpu.memory_space<vmem_shared>> -> memref<1568xf32, #tpu.memory_space<vmem_shared>>
      %dma_wait3A_47 = tpu.memref_slice %arg17[%add3A_9] : memref<100352xf32, #tpu.memory_space<vmem_shared>> -> memref<1568xf32, #tpu.memory_space<vmem_shared>>
      tpu.wait_dma2 semaphore(%run_scoped3A : memref<!tpu.dma_semaphore, #tpu.memory_space<semaphore_mem>>) src(%arg16 : memref<1568xf32, #tpu.memory_space<vmem>>) dst(%dma_wait3A_47 : memref<1568xf32, #tpu.memory_space<vmem_shared>>)
      tpu.yield
    }) : () -> ()
    %mul3A_10 = arith.constant 6272 : i32
    %mul3A_11 = arith.muli %arg1, %mul3A_10 : i32
    %add3A_12 = arith.constant 1568 : i32
    %add3A_13 = arith.addi %mul3A_11, %add3A_12 : i32
    "tpu.region"() ({
      %run_scoped3A = tpu.sem_alloc : memref<!tpu.dma_semaphore, #tpu.memory_space<semaphore_mem>>
      %dma_start3A_45 = tpu.memref_slice %arg17[%add3A_13] : memref<100352xf32, #tpu.memory_space<vmem_shared>> -> memref<1568xf32, #tpu.memory_space<vmem_shared>>
      %dma_start3A_46 = tpu.memref_slice %arg17[%add3A_13] : memref<100352xf32, #tpu.memory_space<vmem_shared>> -> memref<1568xf32, #tpu.memory_space<vmem_shared>>
      tpu.enqueue_dma source(%arg16 : memref<1568xf32, #tpu.memory_space<vmem>>) target(%dma_start3A_46 : memref<1568xf32, #tpu.memory_space<vmem_shared>>) target_semaphore(%run_scoped3A : memref<!tpu.dma_semaphore, #tpu.memory_space<semaphore_mem>>)
      %dma_wait3A = tpu.memref_slice %arg17[%add3A_13] : memref<100352xf32, #tpu.memory_space<vmem_shared>> -> memref<1568xf32, #tpu.memory_space<vmem_shared>>
      %dma_wait3A_47 = tpu.memref_slice %arg17[%add3A_13] : memref<100352xf32, #tpu.memory_space<vmem_shared>> -> memref<1568xf32, #tpu.memory_space<vmem_shared>>
      tpu.wait_dma2 semaphore(%run_scoped3A : memref<!tpu.dma_semaphore, #tpu.memory_space<semaphore_mem>>) src(%arg16 : memref<1568xf32, #tpu.memory_space<vmem>>) dst(%dma_wait3A_47 : memref<1568xf32, #tpu.memory_space<vmem_shared>>)
      tpu.yield
    }) : () -> ()
    %mul3A_14 = arith.constant 6272 : i32
    %mul3A_15 = arith.muli %arg1, %mul3A_14 : i32
    %add3A_16 = arith.constant 3136 : i32
    %add3A_17 = arith.addi %mul3A_15, %add3A_16 : i32
    "tpu.region"() ({
      %run_scoped3A = tpu.sem_alloc : memref<!tpu.dma_semaphore, #tpu.memory_space<semaphore_mem>>
      %dma_start3A_45 = tpu.memref_slice %arg17[%add3A_17] : memref<100352xf32, #tpu.memory_space<vmem_shared>> -> memref<1568xf32, #tpu.memory_space<vmem_shared>>
      %dma_start3A_46 = tpu.memref_slice %arg17[%add3A_17] : memref<100352xf32, #tpu.memory_space<vmem_shared>> -> memref<1568xf32, #tpu.memory_space<vmem_shared>>
      tpu.enqueue_dma source(%arg16 : memref<1568xf32, #tpu.memory_space<vmem>>) target(%dma_start3A_46 : memref<1568xf32, #tpu.memory_space<vmem_shared>>) target_semaphore(%run_scoped3A : memref<!tpu.dma_semaphore, #tpu.memory_space<semaphore_mem>>)
      %dma_wait3A = tpu.memref_slice %arg17[%add3A_17] : memref<100352xf32, #tpu.memory_space<vmem_shared>> -> memref<1568xf32, #tpu.memory_space<vmem_shared>>
      %dma_wait3A_47 = tpu.memref_slice %arg17[%add3A_17] : memref<100352xf32, #tpu.memory_space<vmem_shared>> -> memref<1568xf32, #tpu.memory_space<vmem_shared>>
      tpu.wait_dma2 semaphore(%run_scoped3A : memref<!tpu.dma_semaphore, #tpu.memory_space<semaphore_mem>>) src(%arg16 : memref<1568xf32, #tpu.memory_space<vmem>>) dst(%dma_wait3A_47 : memref<1568xf32, #tpu.memory_space<vmem_shared>>)
      tpu.yield
    }) : () -> ()
    %mul3A_18 = arith.constant 6272 : i32
    %mul3A_19 = arith.muli %arg1, %mul3A_18 : i32
    %add3A_20 = arith.constant 4704 : i32
    %add3A_21 = arith.addi %mul3A_19, %add3A_20 : i32
    "tpu.region"() ({
      %run_scoped3A = tpu.sem_alloc : memref<!tpu.dma_semaphore, #tpu.memory_space<semaphore_mem>>
      %dma_start3A_45 = tpu.memref_slice %arg17[%add3A_21] : memref<100352xf32, #tpu.memory_space<vmem_shared>> -> memref<1568xf32, #tpu.memory_space<vmem_shared>>
      %dma_start3A_46 = tpu.memref_slice %arg17[%add3A_21] : memref<100352xf32, #tpu.memory_space<vmem_shared>> -> memref<1568xf32, #tpu.memory_space<vmem_shared>>
      tpu.enqueue_dma source(%arg16 : memref<1568xf32, #tpu.memory_space<vmem>>) target(%dma_start3A_46 : memref<1568xf32, #tpu.memory_space<vmem_shared>>) target_semaphore(%run_scoped3A : memref<!tpu.dma_semaphore, #tpu.memory_space<semaphore_mem>>)
      %dma_wait3A = tpu.memref_slice %arg17[%add3A_21] : memref<100352xf32, #tpu.memory_space<vmem_shared>> -> memref<1568xf32, #tpu.memory_space<vmem_shared>>
      %dma_wait3A_47 = tpu.memref_slice %arg17[%add3A_21] : memref<100352xf32, #tpu.memory_space<vmem_shared>> -> memref<1568xf32, #tpu.memory_space<vmem_shared>>
      tpu.wait_dma2 semaphore(%run_scoped3A : memref<!tpu.dma_semaphore, #tpu.memory_space<semaphore_mem>>) src(%arg16 : memref<1568xf32, #tpu.memory_space<vmem>>) dst(%dma_wait3A_47 : memref<1568xf32, #tpu.memory_space<vmem_shared>>)
      tpu.yield
    }) : () -> ()
    "tpu.region"() ({
      %run_scoped3A = tpu.sem_alloc : memref<!tpu.dma_semaphore, #tpu.memory_space<semaphore_mem>>
      tpu.enqueue_dma source(%arg2 : memref<100000xf32, #tpu.memory_space<hbm>>) target(%arg7 : memref<100000xf32, #tpu.memory_space<vmem>>) target_semaphore(%run_scoped3A : memref<!tpu.dma_semaphore, #tpu.memory_space<semaphore_mem>>)
      tpu.wait_dma2 semaphore(%run_scoped3A : memref<!tpu.dma_semaphore, #tpu.memory_space<semaphore_mem>>) src(%arg2 : memref<100000xf32, #tpu.memory_space<hbm>>) dst(%arg7 : memref<100000xf32, #tpu.memory_space<vmem>>)
      tpu.yield
    }) : () -> ()
    %barrier3A = arith.constant 0 : index
    tpu.barrier barrier_id(%barrier3A)
    %mul3A_22 = arith.constant 16 : i32
    %mul3A_23 = arith.muli %add3A, %mul3A_22 : i32
    %dma_start3A = arith.constant 0 : i32
    %dma_start3A_24 = tpu.memref_slice %arg3[%mul3A_23, %dma_start3A] : memref<50000x128xf32, #tpu.memory_space<hbm>> -> memref<16x128xf32, #tpu.memory_space<hbm>>
    %dma_start3A_25 = arith.constant 0 : i32
    %dma_start3A_26 = tpu.memref_slice %arg3[%mul3A_23, %dma_start3A_25] : memref<50000x128xf32, #tpu.memory_space<hbm>> -> memref<16x128xf32, #tpu.memory_space<hbm>>
    tpu.enqueue_dma source(%dma_start3A_26 : memref<16x128xf32, #tpu.memory_space<hbm>>) target(%arg8 : memref<16x128xf32, #tpu.memory_space<vmem>>) target_semaphore(%arg18 : memref<!tpu.dma_semaphore, #tpu.memory_space<semaphore_mem>>)
    %dma_start3A_27 = arith.constant 0 : i32
    %dma_start3A_28 = tpu.memref_slice %arg4[%mul3A_23, %dma_start3A_27] : memref<50000x128xi32, #tpu.memory_space<hbm>> -> memref<16x128xi32, #tpu.memory_space<hbm>>
    %dma_start3A_29 = arith.constant 0 : i32
    %dma_start3A_30 = tpu.memref_slice %arg4[%mul3A_23, %dma_start3A_29] : memref<50000x128xi32, #tpu.memory_space<hbm>> -> memref<16x128xi32, #tpu.memory_space<hbm>>
    tpu.enqueue_dma source(%dma_start3A_30 : memref<16x128xi32, #tpu.memory_space<hbm>>) target(%arg10 : memref<16x128xi32, #tpu.memory_space<vmem>>) target_semaphore(%arg18 : memref<!tpu.dma_semaphore, #tpu.memory_space<semaphore_mem>>)
    %dma_start3A_31 = arith.constant 0 : i32
    %dma_start3A_32 = tpu.memref_slice %arg5[%mul3A_23, %dma_start3A_31] : memref<50000x128xi32, #tpu.memory_space<hbm>> -> memref<16x128xi32, #tpu.memory_space<hbm>>
    %dma_start3A_33 = arith.constant 0 : i32
    %dma_start3A_34 = tpu.memref_slice %arg5[%mul3A_23, %dma_start3A_33] : memref<50000x128xi32, #tpu.memory_space<hbm>> -> memref<16x128xi32, #tpu.memory_space<hbm>>
    tpu.enqueue_dma source(%dma_start3A_34 : memref<16x128xi32, #tpu.memory_space<hbm>>) target(%arg12 : memref<16x128xi32, #tpu.memory_space<vmem>>) target_semaphore(%arg18 : memref<!tpu.dma_semaphore, #tpu.memory_space<semaphore_mem>>)
    %scan3A_35 = arith.constant 0 : i32
    %scan3A_36 = arith.constant 49 : i32
    %scan3A_37 = arith.addi %scan3A_35, %scan3A_36 : i32
    %scan3A_38 = arith.constant 1 : i32
    scf.for %scan3A_45 = %scan3A_35 to %scan3A_37 step %scan3A_38  : i32 {
      %mul3A_46 = arith.constant 2 : i32
      %mul3A_47 = arith.muli %scan3A_45, %mul3A_46 : i32
      %add3A_48 = arith.constant 0 : i32
      %add3A_49 = arith.addi %add3A_48, %mul3A_47 : i32
      %mul3A_50 = arith.constant 32 : i32
      %mul3A_51 = arith.muli %add3A_49, %mul3A_50 : i32
      %add3A_52 = arith.addi %add3A, %mul3A_51 : i32
      %add3A_53 = arith.constant 32 : i32
      %add3A_54 = arith.addi %add3A_52, %add3A_53 : i32
      %add3A_55 = arith.constant 32 : i32
      %add3A_56 = arith.addi %add3A_54, %add3A_55 : i32
      %lt3A = arith.constant 3125 : i32
      %lt3A_57 = arith.cmpi slt, %add3A_54, %lt3A : i32
      %convert_element_type3A = arith.extui %lt3A_57 : i1 to i32
      %cond3A = arith.constant 0 : i32
      %cond3A_58 = arith.cmpi ne, %convert_element_type3A, %cond3A : i32
      scf.if %cond3A_58 {
        %mul3A_92 = arith.constant 16 : i32
        %mul3A_93 = arith.muli %add3A_54, %mul3A_92 : i32
        %dma_start3A_94 = arith.constant 0 : i32
        %dma_start3A_95 = tpu.memref_slice %arg3[%mul3A_93, %dma_start3A_94] : memref<50000x128xf32, #tpu.memory_space<hbm>> -> memref<16x128xf32, #tpu.memory_space<hbm>>
        %dma_start3A_96 = arith.constant 0 : i32
        %dma_start3A_97 = tpu.memref_slice %arg3[%mul3A_93, %dma_start3A_96] : memref<50000x128xf32, #tpu.memory_space<hbm>> -> memref<16x128xf32, #tpu.memory_space<hbm>>
        tpu.enqueue_dma source(%dma_start3A_97 : memref<16x128xf32, #tpu.memory_space<hbm>>) target(%arg9 : memref<16x128xf32, #tpu.memory_space<vmem>>) target_semaphore(%arg19 : memref<!tpu.dma_semaphore, #tpu.memory_space<semaphore_mem>>)
        %dma_start3A_98 = arith.constant 0 : i32
        %dma_start3A_99 = tpu.memref_slice %arg4[%mul3A_93, %dma_start3A_98] : memref<50000x128xi32, #tpu.memory_space<hbm>> -> memref<16x128xi32, #tpu.memory_space<hbm>>
        %dma_start3A_100 = arith.constant 0 : i32
        %dma_start3A_101 = tpu.memref_slice %arg4[%mul3A_93, %dma_start3A_100] : memref<50000x128xi32, #tpu.memory_space<hbm>> -> memref<16x128xi32, #tpu.memory_space<hbm>>
        tpu.enqueue_dma source(%dma_start3A_101 : memref<16x128xi32, #tpu.memory_space<hbm>>) target(%arg11 : memref<16x128xi32, #tpu.memory_space<vmem>>) target_semaphore(%arg19 : memref<!tpu.dma_semaphore, #tpu.memory_space<semaphore_mem>>)
        %dma_start3A_102 = arith.constant 0 : i32
        %dma_start3A_103 = tpu.memref_slice %arg5[%mul3A_93, %dma_start3A_102] : memref<50000x128xi32, #tpu.memory_space<hbm>> -> memref<16x128xi32, #tpu.memory_space<hbm>>
        %dma_start3A_104 = arith.constant 0 : i32
        %dma_start3A_105 = tpu.memref_slice %arg5[%mul3A_93, %dma_start3A_104] : memref<50000x128xi32, #tpu.memory_space<hbm>> -> memref<16x128xi32, #tpu.memory_space<hbm>>
        tpu.enqueue_dma source(%dma_start3A_105 : memref<16x128xi32, #tpu.memory_space<hbm>>) target(%arg13 : memref<16x128xi32, #tpu.memory_space<vmem>>) target_semaphore(%arg19 : memref<!tpu.dma_semaphore, #tpu.memory_space<semaphore_mem>>)
      } else {
      }
      %mul3A_59 = arith.constant 16 : i32
      %mul3A_60 = arith.muli %add3A_52, %mul3A_59 : i32
      %dma_wait3A = arith.constant 0 : i32
      %dma_wait3A_61 = tpu.memref_slice %arg3[%mul3A_60, %dma_wait3A] : memref<50000x128xf32, #tpu.memory_space<hbm>> -> memref<16x128xf32, #tpu.memory_space<hbm>>
      %dma_wait3A_62 = arith.constant 0 : i32
      %dma_wait3A_63 = tpu.memref_slice %arg3[%mul3A_60, %dma_wait3A_62] : memref<50000x128xf32, #tpu.memory_space<hbm>> -> memref<16x128xf32, #tpu.memory_space<hbm>>
      tpu.wait_dma2 semaphore(%arg18 : memref<!tpu.dma_semaphore, #tpu.memory_space<semaphore_mem>>) src(%dma_wait3A_63 : memref<16x128xf32, #tpu.memory_space<hbm>>) dst(%arg8 : memref<16x128xf32, #tpu.memory_space<vmem>>)
      %dma_wait3A_64 = arith.constant 0 : i32
      %dma_wait3A_65 = tpu.memref_slice %arg4[%mul3A_60, %dma_wait3A_64] : memref<50000x128xi32, #tpu.memory_space<hbm>> -> memref<16x128xi32, #tpu.memory_space<hbm>>
      %dma_wait3A_66 = arith.constant 0 : i32
      %dma_wait3A_67 = tpu.memref_slice %arg4[%mul3A_60, %dma_wait3A_66] : memref<50000x128xi32, #tpu.memory_space<hbm>> -> memref<16x128xi32, #tpu.memory_space<hbm>>
      tpu.wait_dma2 semaphore(%arg18 : memref<!tpu.dma_semaphore, #tpu.memory_space<semaphore_mem>>) src(%dma_wait3A_67 : memref<16x128xi32, #tpu.memory_space<hbm>>) dst(%arg10 : memref<16x128xi32, #tpu.memory_space<vmem>>)
      %dma_wait3A_68 = arith.constant 0 : i32
      %dma_wait3A_69 = tpu.memref_slice %arg5[%mul3A_60, %dma_wait3A_68] : memref<50000x128xi32, #tpu.memory_space<hbm>> -> memref<16x128xi32, #tpu.memory_space<hbm>>
      %dma_wait3A_70 = arith.constant 0 : i32
      %dma_wait3A_71 = tpu.memref_slice %arg5[%mul3A_60, %dma_wait3A_70] : memref<50000x128xi32, #tpu.memory_space<hbm>> -> memref<16x128xi32, #tpu.memory_space<hbm>>
      tpu.wait_dma2 semaphore(%arg18 : memref<!tpu.dma_semaphore, #tpu.memory_space<semaphore_mem>>) src(%dma_wait3A_71 : memref<16x128xi32, #tpu.memory_space<hbm>>) dst(%arg12 : memref<16x128xi32, #tpu.memory_space<vmem>>)
      %scan3A_72 = arith.constant 0 : i32
      %scan3A_73 = arith.constant 16 : i32
      %scan3A_74 = arith.addi %scan3A_72, %scan3A_73 : i32
      %scan3A_75 = arith.constant 1 : i32
      scf.for %scan3A_92 = %scan3A_72 to %scan3A_74 step %scan3A_75  : i32 {
        %mul3A_93 = arith.constant 1 : i32
        %mul3A_94 = arith.muli %scan3A_92, %mul3A_93 : i32
        %add3A_95 = arith.constant 0 : i32
        %add3A_96 = arith.addi %add3A_95, %mul3A_94 : i32
        %get3A = arith.index_cast %add3A_96 : i32 to index
        %get3A_97 = arith.constant 0 : index
        %get3A_98 = tpu.vector_load %arg8[%get3A, %get3A_97] {strides = array<i32>} : memref<16x128xf32, #tpu.memory_space<vmem>>, vector<16xf32>,
        %get3A_99 = arith.index_cast %add3A_96 : i32 to index
        %get3A_100 = arith.constant 0 : index
        %get3A_101 = tpu.vector_load %arg10[%get3A_99, %get3A_100] {strides = array<i32>} : memref<16x128xi32, #tpu.memory_space<vmem>>, vector<16xi32>,
        %gather3A = tpu.vector_load_idx %arg7[%get3A_101] : memref<100000xf32, #tpu.memory_space<vmem>>[vector<16xi32>], vector<16xf32>,
        %get3A_102 = arith.index_cast %add3A_96 : i32 to index
        %get3A_103 = arith.constant 0 : index
        %get3A_104 = tpu.vector_load %arg12[%get3A_102, %get3A_103] {strides = array<i32>} : memref<16x128xi32, #tpu.memory_space<vmem>>, vector<16xi32>,
        %gather3A_105 = tpu.vector_load_idx %arg7[%get3A_104] : memref<100000xf32, #tpu.memory_space<vmem>>[vector<16xi32>], vector<16xf32>,
        %mul3A_106 = arith.mulf %get3A_98, %get3A_98 : vector<16xf32>
        %add3A_107 = arith.constant 1.000000e+00 : f32
        %add3A_108 = vector.broadcast %add3A_107 : f32 to vector<16xf32>
        %add3A_109 = arith.addf %mul3A_106, %add3A_108 : vector<16xf32>
        %bitcast3A = vector.bitcast %add3A_109 : vector<16xf32> to vector<16xi32>
        %shift_right_arithmetic3A = arith.constant 1 : i32
        %shift_right_arithmetic3A_110 = vector.broadcast %shift_right_arithmetic3A : i32 to vector<16xi32>
        %shift_right_arithmetic3A_111 = arith.shrsi %bitcast3A, %shift_right_arithmetic3A_110 : vector<16xi32>
        %sub3A = arith.constant 1597463007 : i32
        %sub3A_112 = vector.broadcast %sub3A : i32 to vector<16xi32>
        %sub3A_113 = arith.subi %sub3A_112, %shift_right_arithmetic3A_111 : vector<16xi32>
        %bitcast3A_114 = vector.bitcast %sub3A_113 : vector<16xi32> to vector<16xf32>
        %mul3A_115 = arith.constant 5.000000e-01 : f32
        %mul3A_116 = vector.broadcast %mul3A_115 : f32 to vector<16xf32>
        %mul3A_117 = arith.mulf %mul3A_116, %add3A_109 : vector<16xf32>
        %mul3A_118 = arith.mulf %mul3A_117, %bitcast3A_114 : vector<16xf32>
        %mul3A_119 = arith.mulf %mul3A_118, %bitcast3A_114 : vector<16xf32>
        %sub3A_120 = arith.constant 1.500000e+00 : f32
        %sub3A_121 = vector.broadcast %sub3A_120 : f32 to vector<16xf32>
        %sub3A_122 = arith.subf %sub3A_121, %mul3A_119 : vector<16xf32>
        %mul3A_123 = arith.mulf %bitcast3A_114, %sub3A_122 : vector<16xf32>
        %mul3A_124 = arith.constant 5.000000e-01 : f32
        %mul3A_125 = vector.broadcast %mul3A_124 : f32 to vector<16xf32>
        %mul3A_126 = arith.mulf %mul3A_125, %add3A_109 : vector<16xf32>
        %mul3A_127 = arith.mulf %mul3A_126, %mul3A_123 : vector<16xf32>
        %mul3A_128 = arith.mulf %mul3A_127, %mul3A_123 : vector<16xf32>
        %sub3A_129 = arith.constant 1.500000e+00 : f32
        %sub3A_130 = vector.broadcast %sub3A_129 : f32 to vector<16xf32>
        %sub3A_131 = arith.subf %sub3A_130, %mul3A_128 : vector<16xf32>
        %mul3A_132 = arith.mulf %mul3A_123, %sub3A_131 : vector<16xf32>
        %div3A = arith.constant 1.000000e+00 : f32
        %div3A_133 = vector.broadcast %div3A : f32 to vector<16xf32>
        %div3A_134 = arith.divf %div3A_133, %get3A_98 : vector<16xf32>
        %mul3A_135 = arith.constant 0.0069444445 : f32
        %mul3A_136 = vector.broadcast %mul3A_135 : f32 to vector<16xf32>
        %mul3A_137 = arith.mulf %get3A_98, %mul3A_136 : vector<16xf32>
        %add3A_138 = arith.addf %div3A_134, %mul3A_137 : vector<16xf32>
        %sub3A_139 = arith.constant 0.166666672 : f32
        %sub3A_140 = vector.broadcast %sub3A_139 : f32 to vector<16xf32>
        %sub3A_141 = arith.subf %add3A_138, %sub3A_140 : vector<16xf32>
        %mul3A_142 = arith.constant 0.0069444445 : f32
        %mul3A_143 = vector.broadcast %mul3A_142 : f32 to vector<16xf32>
        %mul3A_144 = arith.mulf %add3A_109, %mul3A_143 : vector<16xf32>
        %add3A_145 = arith.constant 1.000000e+00 : f32
        %add3A_146 = vector.broadcast %add3A_145 : f32 to vector<16xf32>
        %add3A_147 = arith.addf %add3A_146, %mul3A_144 : vector<16xf32>
        %mul3A_148 = arith.mulf %mul3A_132, %add3A_147 : vector<16xf32>
        %sub3A_149 = arith.constant 0.166666672 : f32
        %sub3A_150 = vector.broadcast %sub3A_149 : f32 to vector<16xf32>
        %sub3A_151 = arith.subf %mul3A_148, %sub3A_150 : vector<16xf32>
        %mul3A_152 = arith.constant 2.500000e-01 : f32
        %mul3A_153 = vector.broadcast %mul3A_152 : f32 to vector<16xf32>
        %mul3A_154 = arith.mulf %get3A_98, %mul3A_153 : vector<16xf32>
        %mul3A_155 = arith.mulf %mul3A_154, %mul3A_154 : vector<16xf32>
        %mul3A_156 = arith.mulf %mul3A_155, %mul3A_154 : vector<16xf32>
        %mul3A_157 = arith.constant 1.500000e+01 : f32
        %mul3A_158 = vector.broadcast %mul3A_157 : f32 to vector<16xf32>
        %mul3A_159 = arith.mulf %mul3A_158, %mul3A_154 : vector<16xf32>
        %sub3A_160 = arith.constant 1.000000e+01 : f32
        %sub3A_161 = vector.broadcast %sub3A_160 : f32 to vector<16xf32>
        %sub3A_162 = arith.subf %sub3A_161, %mul3A_159 : vector<16xf32>
        %mul3A_163 = arith.constant 6.000000e+00 : f32
        %mul3A_164 = vector.broadcast %mul3A_163 : f32 to vector<16xf32>
        %mul3A_165 = arith.mulf %mul3A_164, %mul3A_155 : vector<16xf32>
        %add3A_166 = arith.addf %sub3A_162, %mul3A_165 : vector<16xf32>
        %mul3A_167 = arith.mulf %mul3A_156, %add3A_166 : vector<16xf32>
        %sub3A_168 = arith.constant 1.000000e+00 : f32
        %sub3A_169 = vector.broadcast %sub3A_168 : f32 to vector<16xf32>
        %sub3A_170 = arith.subf %sub3A_169, %mul3A_167 : vector<16xf32>
        %lt3A_171 = arith.constant 4.000000e+00 : f32
        %lt3A_172 = vector.broadcast %lt3A_171 : f32 to vector<16xf32>
        %lt3A_173 = arith.cmpf olt, %get3A_98, %lt3A_172 : vector<16xf32>
        %jit3A = arith.constant 0.000000e+00 : f32
        %broadcast_in_dim3A_174 = vector.broadcast %jit3A : f32 to vector<16xf32>
        %select_n3A = arith.select %lt3A_173, %sub3A_170, %broadcast_in_dim3A_174 : vector<16xi1>, vector<16xf32>
        %mul3A_175 = arith.constant 7.1998229 : f32
        %mul3A_176 = vector.broadcast %mul3A_175 : f32 to vector<16xf32>
        %mul3A_177 = arith.mulf %mul3A_176, %gather3A : vector<16xf32>
        %mul3A_178 = arith.mulf %mul3A_177, %gather3A_105 : vector<16xf32>
        %sub3A_179 = arith.subf %sub3A_141, %sub3A_151 : vector<16xf32>
        %mul3A_180 = arith.mulf %select_n3A, %sub3A_179 : vector<16xf32>
        %add3A_181 = arith.addf %sub3A_151, %mul3A_180 : vector<16xf32>
        %mul3A_182 = arith.mulf %mul3A_178, %add3A_181 : vector<16xf32>
        %le3A = arith.constant 1.200000e+01 : f32
        %le3A_183 = vector.broadcast %le3A : f32 to vector<16xf32>
        %le3A_184 = arith.cmpf ole, %get3A_98, %le3A_183 : vector<16xf32>
        %jit3A_185 = arith.constant 0.000000e+00 : f32
        %broadcast_in_dim3A_186 = vector.broadcast %jit3A_185 : f32 to vector<16xf32>
        %select_n3A_187 = arith.select %le3A_184, %mul3A_182, %broadcast_in_dim3A_186 : vector<16xi1>, vector<16xf32>
        %swap3A = arith.index_cast %add3A_96 : i32 to index
        %swap3A_188 = arith.constant 0 : index
        %swap3A_189 = tpu.vector_load %arg14[%swap3A, %swap3A_188] {strides = array<i32>} : memref<16x128xf32, #tpu.memory_space<vmem>>, vector<16xf32>,
        tpu.vector_store %arg14[%swap3A, %swap3A_188], %select_n3A_187 {strides = array<i32>} : memref<16x128xf32, #tpu.memory_space<vmem>>, vector<16xf32>,
        %get3A_190 = arith.index_cast %add3A_96 : i32 to index
        %get3A_191 = arith.constant 16 : index
        %get3A_192 = tpu.vector_load %arg8[%get3A_190, %get3A_191] {strides = array<i32>} : memref<16x128xf32, #tpu.memory_space<vmem>>, vector<16xf32>,
        %get3A_193 = arith.index_cast %add3A_96 : i32 to index
        %get3A_194 = arith.constant 16 : index
        %get3A_195 = tpu.vector_load %arg10[%get3A_193, %get3A_194] {strides = array<i32>} : memref<16x128xi32, #tpu.memory_space<vmem>>, vector<16xi32>,
        %gather3A_196 = tpu.vector_load_idx %arg7[%get3A_195] : memref<100000xf32, #tpu.memory_space<vmem>>[vector<16xi32>], vector<16xf32>,
        %get3A_197 = arith.index_cast %add3A_96 : i32 to index
        %get3A_198 = arith.constant 16 : index
        %get3A_199 = tpu.vector_load %arg12[%get3A_197, %get3A_198] {strides = array<i32>} : memref<16x128xi32, #tpu.memory_space<vmem>>, vector<16xi32>,
        %gather3A_200 = tpu.vector_load_idx %arg7[%get3A_199] : memref<100000xf32, #tpu.memory_space<vmem>>[vector<16xi32>], vector<16xf32>,
        %mul3A_201 = arith.mulf %get3A_192, %get3A_192 : vector<16xf32>
        %add3A_202 = arith.constant 1.000000e+00 : f32
        %add3A_203 = vector.broadcast %add3A_202 : f32 to vector<16xf32>
        %add3A_204 = arith.addf %mul3A_201, %add3A_203 : vector<16xf32>
        %bitcast3A_205 = vector.bitcast %add3A_204 : vector<16xf32> to vector<16xi32>
        %shift_right_arithmetic3A_206 = arith.constant 1 : i32
        %shift_right_arithmetic3A_207 = vector.broadcast %shift_right_arithmetic3A_206 : i32 to vector<16xi32>
        %shift_right_arithmetic3A_208 = arith.shrsi %bitcast3A_205, %shift_right_arithmetic3A_207 : vector<16xi32>
        %sub3A_209 = arith.constant 1597463007 : i32
        %sub3A_210 = vector.broadcast %sub3A_209 : i32 to vector<16xi32>
        %sub3A_211 = arith.subi %sub3A_210, %shift_right_arithmetic3A_208 : vector<16xi32>
        %bitcast3A_212 = vector.bitcast %sub3A_211 : vector<16xi32> to vector<16xf32>
        %mul3A_213 = arith.constant 5.000000e-01 : f32
        %mul3A_214 = vector.broadcast %mul3A_213 : f32 to vector<16xf32>
        %mul3A_215 = arith.mulf %mul3A_214, %add3A_204 : vector<16xf32>
        %mul3A_216 = arith.mulf %mul3A_215, %bitcast3A_212 : vector<16xf32>
        %mul3A_217 = arith.mulf %mul3A_216, %bitcast3A_212 : vector<16xf32>
        %sub3A_218 = arith.constant 1.500000e+00 : f32
        %sub3A_219 = vector.broadcast %sub3A_218 : f32 to vector<16xf32>
        %sub3A_220 = arith.subf %sub3A_219, %mul3A_217 : vector<16xf32>
        %mul3A_221 = arith.mulf %bitcast3A_212, %sub3A_220 : vector<16xf32>
        %mul3A_222 = arith.constant 5.000000e-01 : f32
        %mul3A_223 = vector.broadcast %mul3A_222 : f32 to vector<16xf32>
        %mul3A_224 = arith.mulf %mul3A_223, %add3A_204 : vector<16xf32>
        %mul3A_225 = arith.mulf %mul3A_224, %mul3A_221 : vector<16xf32>
        %mul3A_226 = arith.mulf %mul3A_225, %mul3A_221 : vector<16xf32>
        %sub3A_227 = arith.constant 1.500000e+00 : f32
        %sub3A_228 = vector.broadcast %sub3A_227 : f32 to vector<16xf32>
        %sub3A_229 = arith.subf %sub3A_228, %mul3A_226 : vector<16xf32>
        %mul3A_230 = arith.mulf %mul3A_221, %sub3A_229 : vector<16xf32>
        %div3A_231 = arith.constant 1.000000e+00 : f32
        %div3A_232 = vector.broadcast %div3A_231 : f32 to vector<16xf32>
        %div3A_233 = arith.divf %div3A_232, %get3A_192 : vector<16xf32>
        %mul3A_234 = arith.constant 0.0069444445 : f32
        %mul3A_235 = vector.broadcast %mul3A_234 : f32 to vector<16xf32>
        %mul3A_236 = arith.mulf %get3A_192, %mul3A_235 : vector<16xf32>
        %add3A_237 = arith.addf %div3A_233, %mul3A_236 : vector<16xf32>
        %sub3A_238 = arith.constant 0.166666672 : f32
        %sub3A_239 = vector.broadcast %sub3A_238 : f32 to vector<16xf32>
        %sub3A_240 = arith.subf %add3A_237, %sub3A_239 : vector<16xf32>
        %mul3A_241 = arith.constant 0.0069444445 : f32
        %mul3A_242 = vector.broadcast %mul3A_241 : f32 to vector<16xf32>
        %mul3A_243 = arith.mulf %add3A_204, %mul3A_242 : vector<16xf32>
        %add3A_244 = arith.constant 1.000000e+00 : f32
        %add3A_245 = vector.broadcast %add3A_244 : f32 to vector<16xf32>
        %add3A_246 = arith.addf %add3A_245, %mul3A_243 : vector<16xf32>
        %mul3A_247 = arith.mulf %mul3A_230, %add3A_246 : vector<16xf32>
        %sub3A_248 = arith.constant 0.166666672 : f32
        %sub3A_249 = vector.broadcast %sub3A_248 : f32 to vector<16xf32>
        %sub3A_250 = arith.subf %mul3A_247, %sub3A_249 : vector<16xf32>
        %mul3A_251 = arith.constant 2.500000e-01 : f32
        %mul3A_252 = vector.broadcast %mul3A_251 : f32 to vector<16xf32>
        %mul3A_253 = arith.mulf %get3A_192, %mul3A_252 : vector<16xf32>
        %mul3A_254 = arith.mulf %mul3A_253, %mul3A_253 : vector<16xf32>
        %mul3A_255 = arith.mulf %mul3A_254, %mul3A_253 : vector<16xf32>
        %mul3A_256 = arith.constant 1.500000e+01 : f32
        %mul3A_257 = vector.broadcast %mul3A_256 : f32 to vector<16xf32>
        %mul3A_258 = arith.mulf %mul3A_257, %mul3A_253 : vector<16xf32>
        %sub3A_259 = arith.constant 1.000000e+01 : f32
        %sub3A_260 = vector.broadcast %sub3A_259 : f32 to vector<16xf32>
        %sub3A_261 = arith.subf %sub3A_260, %mul3A_258 : vector<16xf32>
        %mul3A_262 = arith.constant 6.000000e+00 : f32
        %mul3A_263 = vector.broadcast %mul3A_262 : f32 to vector<16xf32>
        %mul3A_264 = arith.mulf %mul3A_263, %mul3A_254 : vector<16xf32>
        %add3A_265 = arith.addf %sub3A_261, %mul3A_264 : vector<16xf32>
        %mul3A_266 = arith.mulf %mul3A_255, %add3A_265 : vector<16xf32>
        %sub3A_267 = arith.constant 1.000000e+00 : f32
        %sub3A_268 = vector.broadcast %sub3A_267 : f32 to vector<16xf32>
        %sub3A_269 = arith.subf %sub3A_268, %mul3A_266 : vector<16xf32>
        %lt3A_270 = arith.constant 4.000000e+00 : f32
        %lt3A_271 = vector.broadcast %lt3A_270 : f32 to vector<16xf32>
        %lt3A_272 = arith.cmpf olt, %get3A_192, %lt3A_271 : vector<16xf32>
        %jit3A_273 = arith.constant 0.000000e+00 : f32
        %broadcast_in_dim3A_274 = vector.broadcast %jit3A_273 : f32 to vector<16xf32>
        %select_n3A_275 = arith.select %lt3A_272, %sub3A_269, %broadcast_in_dim3A_274 : vector<16xi1>, vector<16xf32>
        %mul3A_276 = arith.constant 7.1998229 : f32
        %mul3A_277 = vector.broadcast %mul3A_276 : f32 to vector<16xf32>
        %mul3A_278 = arith.mulf %mul3A_277, %gather3A_196 : vector<16xf32>
        %mul3A_279 = arith.mulf %mul3A_278, %gather3A_200 : vector<16xf32>
        %sub3A_280 = arith.subf %sub3A_240, %sub3A_250 : vector<16xf32>
        %mul3A_281 = arith.mulf %select_n3A_275, %sub3A_280 : vector<16xf32>
        %add3A_282 = arith.addf %sub3A_250, %mul3A_281 : vector<16xf32>
        %mul3A_283 = arith.mulf %mul3A_279, %add3A_282 : vector<16xf32>
        %le3A_284 = arith.constant 1.200000e+01 : f32
        %le3A_285 = vector.broadcast %le3A_284 : f32 to vector<16xf32>
        %le3A_286 = arith.cmpf ole, %get3A_192, %le3A_285 : vector<16xf32>
        %jit3A_287 = arith.constant 0.000000e+00 : f32
        %broadcast_in_dim3A_288 = vector.broadcast %jit3A_287 : f32 to vector<16xf32>
        %select_n3A_289 = arith.select %le3A_286, %mul3A_283, %broadcast_in_dim3A_288 : vector<16xi1>, vector<16xf32>
        %swap3A_290 = arith.index_cast %add3A_96 : i32 to index
        %swap3A_291 = arith.constant 16 : index
        %swap3A_292 = tpu.vector_load %arg14[%swap3A_290, %swap3A_291] {strides = array<i32>} : memref<16x128xf32, #tpu.memory_space<vmem>>, vector<16xf32>,
        tpu.vector_store %arg14[%swap3A_290, %swap3A_291], %select_n3A_289 {strides = array<i32>} : memref<16x128xf32, #tpu.memory_space<vmem>>, vector<16xf32>,
        %get3A_293 = arith.index_cast %add3A_96 : i32 to index
        %get3A_294 = arith.constant 32 : index
        %get3A_295 = tpu.vector_load %arg8[%get3A_293, %get3A_294] {strides = array<i32>} : memref<16x128xf32, #tpu.memory_space<vmem>>, vector<16xf32>,
        %get3A_296 = arith.index_cast %add3A_96 : i32 to index
        %get3A_297 = arith.constant 32 : index
        %get3A_298 = tpu.vector_load %arg10[%get3A_296, %get3A_297] {strides = array<i32>} : memref<16x128xi32, #tpu.memory_space<vmem>>, vector<16xi32>,
        %gather3A_299 = tpu.vector_load_idx %arg7[%get3A_298] : memref<100000xf32, #tpu.memory_space<vmem>>[vector<16xi32>], vector<16xf32>,
        %get3A_300 = arith.index_cast %add3A_96 : i32 to index
        %get3A_301 = arith.constant 32 : index
        %get3A_302 = tpu.vector_load %arg12[%get3A_300, %get3A_301] {strides = array<i32>} : memref<16x128xi32, #tpu.memory_space<vmem>>, vector<16xi32>,
        %gather3A_303 = tpu.vector_load_idx %arg7[%get3A_302] : memref<100000xf32, #tpu.memory_space<vmem>>[vector<16xi32>], vector<16xf32>,
        %mul3A_304 = arith.mulf %get3A_295, %get3A_295 : vector<16xf32>
        %add3A_305 = arith.constant 1.000000e+00 : f32
        %add3A_306 = vector.broadcast %add3A_305 : f32 to vector<16xf32>
        %add3A_307 = arith.addf %mul3A_304, %add3A_306 : vector<16xf32>
        %bitcast3A_308 = vector.bitcast %add3A_307 : vector<16xf32> to vector<16xi32>
        %shift_right_arithmetic3A_309 = arith.constant 1 : i32
        %shift_right_arithmetic3A_310 = vector.broadcast %shift_right_arithmetic3A_309 : i32 to vector<16xi32>
        %shift_right_arithmetic3A_311 = arith.shrsi %bitcast3A_308, %shift_right_arithmetic3A_310 : vector<16xi32>
        %sub3A_312 = arith.constant 1597463007 : i32
        %sub3A_313 = vector.broadcast %sub3A_312 : i32 to vector<16xi32>
        %sub3A_314 = arith.subi %sub3A_313, %shift_right_arithmetic3A_311 : vector<16xi32>
        %bitcast3A_315 = vector.bitcast %sub3A_314 : vector<16xi32> to vector<16xf32>
        %mul3A_316 = arith.constant 5.000000e-01 : f32
        %mul3A_317 = vector.broadcast %mul3A_316 : f32 to vector<16xf32>
        %mul3A_318 = arith.mulf %mul3A_317, %add3A_307 : vector<16xf32>
        %mul3A_319 = arith.mulf %mul3A_318, %bitcast3A_315 : vector<16xf32>
        %mul3A_320 = arith.mulf %mul3A_319, %bitcast3A_315 : vector<16xf32>
        %sub3A_321 = arith.constant 1.500000e+00 : f32
        %sub3A_322 = vector.broadcast %sub3A_321 : f32 to vector<16xf32>
        %sub3A_323 = arith.subf %sub3A_322, %mul3A_320 : vector<16xf32>
        %mul3A_324 = arith.mulf %bitcast3A_315, %sub3A_323 : vector<16xf32>
        %mul3A_325 = arith.constant 5.000000e-01 : f32
        %mul3A_326 = vector.broadcast %mul3A_325 : f32 to vector<16xf32>
        %mul3A_327 = arith.mulf %mul3A_326, %add3A_307 : vector<16xf32>
        %mul3A_328 = arith.mulf %mul3A_327, %mul3A_324 : vector<16xf32>
        %mul3A_329 = arith.mulf %mul3A_328, %mul3A_324 : vector<16xf32>
        %sub3A_330 = arith.constant 1.500000e+00 : f32
        %sub3A_331 = vector.broadcast %sub3A_330 : f32 to vector<16xf32>
        %sub3A_332 = arith.subf %sub3A_331, %mul3A_329 : vector<16xf32>
        %mul3A_333 = arith.mulf %mul3A_324, %sub3A_332 : vector<16xf32>
        %div3A_334 = arith.constant 1.000000e+00 : f32
        %div3A_335 = vector.broadcast %div3A_334 : f32 to vector<16xf32>
        %div3A_336 = arith.divf %div3A_335, %get3A_295 : vector<16xf32>
        %mul3A_337 = arith.constant 0.0069444445 : f32
        %mul3A_338 = vector.broadcast %mul3A_337 : f32 to vector<16xf32>
        %mul3A_339 = arith.mulf %get3A_295, %mul3A_338 : vector<16xf32>
        %add3A_340 = arith.addf %div3A_336, %mul3A_339 : vector<16xf32>
        %sub3A_341 = arith.constant 0.166666672 : f32
        %sub3A_342 = vector.broadcast %sub3A_341 : f32 to vector<16xf32>
        %sub3A_343 = arith.subf %add3A_340, %sub3A_342 : vector<16xf32>
        %mul3A_344 = arith.constant 0.0069444445 : f32
        %mul3A_345 = vector.broadcast %mul3A_344 : f32 to vector<16xf32>
        %mul3A_346 = arith.mulf %add3A_307, %mul3A_345 : vector<16xf32>
        %add3A_347 = arith.constant 1.000000e+00 : f32
        %add3A_348 = vector.broadcast %add3A_347 : f32 to vector<16xf32>
        %add3A_349 = arith.addf %add3A_348, %mul3A_346 : vector<16xf32>
        %mul3A_350 = arith.mulf %mul3A_333, %add3A_349 : vector<16xf32>
        %sub3A_351 = arith.constant 0.166666672 : f32
        %sub3A_352 = vector.broadcast %sub3A_351 : f32 to vector<16xf32>
        %sub3A_353 = arith.subf %mul3A_350, %sub3A_352 : vector<16xf32>
        %mul3A_354 = arith.constant 2.500000e-01 : f32
        %mul3A_355 = vector.broadcast %mul3A_354 : f32 to vector<16xf32>
        %mul3A_356 = arith.mulf %get3A_295, %mul3A_355 : vector<16xf32>
        %mul3A_357 = arith.mulf %mul3A_356, %mul3A_356 : vector<16xf32>
        %mul3A_358 = arith.mulf %mul3A_357, %mul3A_356 : vector<16xf32>
        %mul3A_359 = arith.constant 1.500000e+01 : f32
        %mul3A_360 = vector.broadcast %mul3A_359 : f32 to vector<16xf32>
        %mul3A_361 = arith.mulf %mul3A_360, %mul3A_356 : vector<16xf32>
        %sub3A_362 = arith.constant 1.000000e+01 : f32
        %sub3A_363 = vector.broadcast %sub3A_362 : f32 to vector<16xf32>
        %sub3A_364 = arith.subf %sub3A_363, %mul3A_361 : vector<16xf32>
        %mul3A_365 = arith.constant 6.000000e+00 : f32
        %mul3A_366 = vector.broadcast %mul3A_365 : f32 to vector<16xf32>
        %mul3A_367 = arith.mulf %mul3A_366, %mul3A_357 : vector<16xf32>
        %add3A_368 = arith.addf %sub3A_364, %mul3A_367 : vector<16xf32>
        %mul3A_369 = arith.mulf %mul3A_358, %add3A_368 : vector<16xf32>
        %sub3A_370 = arith.constant 1.000000e+00 : f32
        %sub3A_371 = vector.broadcast %sub3A_370 : f32 to vector<16xf32>
        %sub3A_372 = arith.subf %sub3A_371, %mul3A_369 : vector<16xf32>
        %lt3A_373 = arith.constant 4.000000e+00 : f32
        %lt3A_374 = vector.broadcast %lt3A_373 : f32 to vector<16xf32>
        %lt3A_375 = arith.cmpf olt, %get3A_295, %lt3A_374 : vector<16xf32>
        %jit3A_376 = arith.constant 0.000000e+00 : f32
        %broadcast_in_dim3A_377 = vector.broadcast %jit3A_376 : f32 to vector<16xf32>
        %select_n3A_378 = arith.select %lt3A_375, %sub3A_372, %broadcast_in_dim3A_377 : vector<16xi1>, vector<16xf32>
        %mul3A_379 = arith.constant 7.1998229 : f32
        %mul3A_380 = vector.broadcast %mul3A_379 : f32 to vector<16xf32>
        %mul3A_381 = arith.mulf %mul3A_380, %gather3A_299 : vector<16xf32>
        %mul3A_382 = arith.mulf %mul3A_381, %gather3A_303 : vector<16xf32>
        %sub3A_383 = arith.subf %sub3A_343, %sub3A_353 : vector<16xf32>
        %mul3A_384 = arith.mulf %select_n3A_378, %sub3A_383 : vector<16xf32>
        %add3A_385 = arith.addf %sub3A_353, %mul3A_384 : vector<16xf32>
        %mul3A_386 = arith.mulf %mul3A_382, %add3A_385 : vector<16xf32>
        %le3A_387 = arith.constant 1.200000e+01 : f32
        %le3A_388 = vector.broadcast %le3A_387 : f32 to vector<16xf32>
        %le3A_389 = arith.cmpf ole, %get3A_295, %le3A_388 : vector<16xf32>
        %jit3A_390 = arith.constant 0.000000e+00 : f32
        %broadcast_in_dim3A_391 = vector.broadcast %jit3A_390 : f32 to vector<16xf32>
        %select_n3A_392 = arith.select %le3A_389, %mul3A_386, %broadcast_in_dim3A_391 : vector<16xi1>, vector<16xf32>
        %swap3A_393 = arith.index_cast %add3A_96 : i32 to index
        %swap3A_394 = arith.constant 32 : index
        %swap3A_395 = tpu.vector_load %arg14[%swap3A_393, %swap3A_394] {strides = array<i32>} : memref<16x128xf32, #tpu.memory_space<vmem>>, vector<16xf32>,
        tpu.vector_store %arg14[%swap3A_393, %swap3A_394], %select_n3A_392 {strides = array<i32>} : memref<16x128xf32, #tpu.memory_space<vmem>>, vector<16xf32>,
        %get3A_396 = arith.index_cast %add3A_96 : i32 to index
        %get3A_397 = arith.constant 48 : index
        %get3A_398 = tpu.vector_load %arg8[%get3A_396, %get3A_397] {strides = array<i32>} : memref<16x128xf32, #tpu.memory_space<vmem>>, vector<16xf32>,
        %get3A_399 = arith.index_cast %add3A_96 : i32 to index
        %get3A_400 = arith.constant 48 : index
        %get3A_401 = tpu.vector_load %arg10[%get3A_399, %get3A_400] {strides = array<i32>} : memref<16x128xi32, #tpu.memory_space<vmem>>, vector<16xi32>,
        %gather3A_402 = tpu.vector_load_idx %arg7[%get3A_401] : memref<100000xf32, #tpu.memory_space<vmem>>[vector<16xi32>], vector<16xf32>,
        %get3A_403 = arith.index_cast %add3A_96 : i32 to index
        %get3A_404 = arith.constant 48 : index
        %get3A_405 = tpu.vector_load %arg12[%get3A_403, %get3A_404] {strides = array<i32>} : memref<16x128xi32, #tpu.memory_space<vmem>>, vector<16xi32>,
        %gather3A_406 = tpu.vector_load_idx %arg7[%get3A_405] : memref<100000xf32, #tpu.memory_space<vmem>>[vector<16xi32>], vector<16xf32>,
        %mul3A_407 = arith.mulf %get3A_398, %get3A_398 : vector<16xf32>
        %add3A_408 = arith.constant 1.000000e+00 : f32
        %add3A_409 = vector.broadcast %add3A_408 : f32 to vector<16xf32>
        %add3A_410 = arith.addf %mul3A_407, %add3A_409 : vector<16xf32>
        %bitcast3A_411 = vector.bitcast %add3A_410 : vector<16xf32> to vector<16xi32>
        %shift_right_arithmetic3A_412 = arith.constant 1 : i32
        %shift_right_arithmetic3A_413 = vector.broadcast %shift_right_arithmetic3A_412 : i32 to vector<16xi32>
        %shift_right_arithmetic3A_414 = arith.shrsi %bitcast3A_411, %shift_right_arithmetic3A_413 : vector<16xi32>
        %sub3A_415 = arith.constant 1597463007 : i32
        %sub3A_416 = vector.broadcast %sub3A_415 : i32 to vector<16xi32>
        %sub3A_417 = arith.subi %sub3A_416, %shift_right_arithmetic3A_414 : vector<16xi32>
        %bitcast3A_418 = vector.bitcast %sub3A_417 : vector<16xi32> to vector<16xf32>
        %mul3A_419 = arith.constant 5.000000e-01 : f32
        %mul3A_420 = vector.broadcast %mul3A_419 : f32 to vector<16xf32>
        %mul3A_421 = arith.mulf %mul3A_420, %add3A_410 : vector<16xf32>
        %mul3A_422 = arith.mulf %mul3A_421, %bitcast3A_418 : vector<16xf32>
        %mul3A_423 = arith.mulf %mul3A_422, %bitcast3A_418 : vector<16xf32>
        %sub3A_424 = arith.constant 1.500000e+00 : f32
        %sub3A_425 = vector.broadcast %sub3A_424 : f32 to vector<16xf32>
        %sub3A_426 = arith.subf %sub3A_425, %mul3A_423 : vector<16xf32>
        %mul3A_427 = arith.mulf %bitcast3A_418, %sub3A_426 : vector<16xf32>
        %mul3A_428 = arith.constant 5.000000e-01 : f32
        %mul3A_429 = vector.broadcast %mul3A_428 : f32 to vector<16xf32>
        %mul3A_430 = arith.mulf %mul3A_429, %add3A_410 : vector<16xf32>
        %mul3A_431 = arith.mulf %mul3A_430, %mul3A_427 : vector<16xf32>
        %mul3A_432 = arith.mulf %mul3A_431, %mul3A_427 : vector<16xf32>
        %sub3A_433 = arith.constant 1.500000e+00 : f32
        %sub3A_434 = vector.broadcast %sub3A_433 : f32 to vector<16xf32>
        %sub3A_435 = arith.subf %sub3A_434, %mul3A_432 : vector<16xf32>
        %mul3A_436 = arith.mulf %mul3A_427, %sub3A_435 : vector<16xf32>
        %div3A_437 = arith.constant 1.000000e+00 : f32
        %div3A_438 = vector.broadcast %div3A_437 : f32 to vector<16xf32>
        %div3A_439 = arith.divf %div3A_438, %get3A_398 : vector<16xf32>
        %mul3A_440 = arith.constant 0.0069444445 : f32
        %mul3A_441 = vector.broadcast %mul3A_440 : f32 to vector<16xf32>
        %mul3A_442 = arith.mulf %get3A_398, %mul3A_441 : vector<16xf32>
        %add3A_443 = arith.addf %div3A_439, %mul3A_442 : vector<16xf32>
        %sub3A_444 = arith.constant 0.166666672 : f32
        %sub3A_445 = vector.broadcast %sub3A_444 : f32 to vector<16xf32>
        %sub3A_446 = arith.subf %add3A_443, %sub3A_445 : vector<16xf32>
        %mul3A_447 = arith.constant 0.0069444445 : f32
        %mul3A_448 = vector.broadcast %mul3A_447 : f32 to vector<16xf32>
        %mul3A_449 = arith.mulf %add3A_410, %mul3A_448 : vector<16xf32>
        %add3A_450 = arith.constant 1.000000e+00 : f32
        %add3A_451 = vector.broadcast %add3A_450 : f32 to vector<16xf32>
        %add3A_452 = arith.addf %add3A_451, %mul3A_449 : vector<16xf32>
        %mul3A_453 = arith.mulf %mul3A_436, %add3A_452 : vector<16xf32>
        %sub3A_454 = arith.constant 0.166666672 : f32
        %sub3A_455 = vector.broadcast %sub3A_454 : f32 to vector<16xf32>
        %sub3A_456 = arith.subf %mul3A_453, %sub3A_455 : vector<16xf32>
        %mul3A_457 = arith.constant 2.500000e-01 : f32
        %mul3A_458 = vector.broadcast %mul3A_457 : f32 to vector<16xf32>
        %mul3A_459 = arith.mulf %get3A_398, %mul3A_458 : vector<16xf32>
        %mul3A_460 = arith.mulf %mul3A_459, %mul3A_459 : vector<16xf32>
        %mul3A_461 = arith.mulf %mul3A_460, %mul3A_459 : vector<16xf32>
        %mul3A_462 = arith.constant 1.500000e+01 : f32
        %mul3A_463 = vector.broadcast %mul3A_462 : f32 to vector<16xf32>
        %mul3A_464 = arith.mulf %mul3A_463, %mul3A_459 : vector<16xf32>
        %sub3A_465 = arith.constant 1.000000e+01 : f32
        %sub3A_466 = vector.broadcast %sub3A_465 : f32 to vector<16xf32>
        %sub3A_467 = arith.subf %sub3A_466, %mul3A_464 : vector<16xf32>
        %mul3A_468 = arith.constant 6.000000e+00 : f32
        %mul3A_469 = vector.broadcast %mul3A_468 : f32 to vector<16xf32>
        %mul3A_470 = arith.mulf %mul3A_469, %mul3A_460 : vector<16xf32>
        %add3A_471 = arith.addf %sub3A_467, %mul3A_470 : vector<16xf32>
        %mul3A_472 = arith.mulf %mul3A_461, %add3A_471 : vector<16xf32>
        %sub3A_473 = arith.constant 1.000000e+00 : f32
        %sub3A_474 = vector.broadcast %sub3A_473 : f32 to vector<16xf32>
        %sub3A_475 = arith.subf %sub3A_474, %mul3A_472 : vector<16xf32>
        %lt3A_476 = arith.constant 4.000000e+00 : f32
        %lt3A_477 = vector.broadcast %lt3A_476 : f32 to vector<16xf32>
        %lt3A_478 = arith.cmpf olt, %get3A_398, %lt3A_477 : vector<16xf32>
        %jit3A_479 = arith.constant 0.000000e+00 : f32
        %broadcast_in_dim3A_480 = vector.broadcast %jit3A_479 : f32 to vector<16xf32>
        %select_n3A_481 = arith.select %lt3A_478, %sub3A_475, %broadcast_in_dim3A_480 : vector<16xi1>, vector<16xf32>
        %mul3A_482 = arith.constant 7.1998229 : f32
        %mul3A_483 = vector.broadcast %mul3A_482 : f32 to vector<16xf32>
        %mul3A_484 = arith.mulf %mul3A_483, %gather3A_402 : vector<16xf32>
        %mul3A_485 = arith.mulf %mul3A_484, %gather3A_406 : vector<16xf32>
        %sub3A_486 = arith.subf %sub3A_446, %sub3A_456 : vector<16xf32>
        %mul3A_487 = arith.mulf %select_n3A_481, %sub3A_486 : vector<16xf32>
        %add3A_488 = arith.addf %sub3A_456, %mul3A_487 : vector<16xf32>
        %mul3A_489 = arith.mulf %mul3A_485, %add3A_488 : vector<16xf32>
        %le3A_490 = arith.constant 1.200000e+01 : f32
        %le3A_491 = vector.broadcast %le3A_490 : f32 to vector<16xf32>
        %le3A_492 = arith.cmpf ole, %get3A_398, %le3A_491 : vector<16xf32>
        %jit3A_493 = arith.constant 0.000000e+00 : f32
        %broadcast_in_dim3A_494 = vector.broadcast %jit3A_493 : f32 to vector<16xf32>
        %select_n3A_495 = arith.select %le3A_492, %mul3A_489, %broadcast_in_dim3A_494 : vector<16xi1>, vector<16xf32>
        %swap3A_496 = arith.index_cast %add3A_96 : i32 to index
        %swap3A_497 = arith.constant 48 : index
        %swap3A_498 = tpu.vector_load %arg14[%swap3A_496, %swap3A_497] {strides = array<i32>} : memref<16x128xf32, #tpu.memory_space<vmem>>, vector<16xf32>,
        tpu.vector_store %arg14[%swap3A_496, %swap3A_497], %select_n3A_495 {strides = array<i32>} : memref<16x128xf32, #tpu.memory_space<vmem>>, vector<16xf32>,
        %get3A_499 = arith.index_cast %add3A_96 : i32 to index
        %get3A_500 = arith.constant 64 : index
        %get3A_501 = tpu.vector_load %arg8[%get3A_499, %get3A_500] {strides = array<i32>} : memref<16x128xf32, #tpu.memory_space<vmem>>, vector<16xf32>,
        %get3A_502 = arith.index_cast %add3A_96 : i32 to index
        %get3A_503 = arith.constant 64 : index
        %get3A_504 = tpu.vector_load %arg10[%get3A_502, %get3A_503] {strides = array<i32>} : memref<16x128xi32, #tpu.memory_space<vmem>>, vector<16xi32>,
        %gather3A_505 = tpu.vector_load_idx %arg7[%get3A_504] : memref<100000xf32, #tpu.memory_space<vmem>>[vector<16xi32>], vector<16xf32>,
        %get3A_506 = arith.index_cast %add3A_96 : i32 to index
        %get3A_507 = arith.constant 64 : index
        %get3A_508 = tpu.vector_load %arg12[%get3A_506, %get3A_507] {strides = array<i32>} : memref<16x128xi32, #tpu.memory_space<vmem>>, vector<16xi32>,
        %gather3A_509 = tpu.vector_load_idx %arg7[%get3A_508] : memref<100000xf32, #tpu.memory_space<vmem>>[vector<16xi32>], vector<16xf32>,
        %mul3A_510 = arith.mulf %get3A_501, %get3A_501 : vector<16xf32>
        %add3A_511 = arith.constant 1.000000e+00 : f32
        %add3A_512 = vector.broadcast %add3A_511 : f32 to vector<16xf32>
        %add3A_513 = arith.addf %mul3A_510, %add3A_512 : vector<16xf32>
        %bitcast3A_514 = vector.bitcast %add3A_513 : vector<16xf32> to vector<16xi32>
        %shift_right_arithmetic3A_515 = arith.constant 1 : i32
        %shift_right_arithmetic3A_516 = vector.broadcast %shift_right_arithmetic3A_515 : i32 to vector<16xi32>
        %shift_right_arithmetic3A_517 = arith.shrsi %bitcast3A_514, %shift_right_arithmetic3A_516 : vector<16xi32>
        %sub3A_518 = arith.constant 1597463007 : i32
        %sub3A_519 = vector.broadcast %sub3A_518 : i32 to vector<16xi32>
        %sub3A_520 = arith.subi %sub3A_519, %shift_right_arithmetic3A_517 : vector<16xi32>
        %bitcast3A_521 = vector.bitcast %sub3A_520 : vector<16xi32> to vector<16xf32>
        %mul3A_522 = arith.constant 5.000000e-01 : f32
        %mul3A_523 = vector.broadcast %mul3A_522 : f32 to vector<16xf32>
        %mul3A_524 = arith.mulf %mul3A_523, %add3A_513 : vector<16xf32>
        %mul3A_525 = arith.mulf %mul3A_524, %bitcast3A_521 : vector<16xf32>
        %mul3A_526 = arith.mulf %mul3A_525, %bitcast3A_521 : vector<16xf32>
        %sub3A_527 = arith.constant 1.500000e+00 : f32
        %sub3A_528 = vector.broadcast %sub3A_527 : f32 to vector<16xf32>
        %sub3A_529 = arith.subf %sub3A_528, %mul3A_526 : vector<16xf32>
        %mul3A_530 = arith.mulf %bitcast3A_521, %sub3A_529 : vector<16xf32>
        %mul3A_531 = arith.constant 5.000000e-01 : f32
        %mul3A_532 = vector.broadcast %mul3A_531 : f32 to vector<16xf32>
        %mul3A_533 = arith.mulf %mul3A_532, %add3A_513 : vector<16xf32>
        %mul3A_534 = arith.mulf %mul3A_533, %mul3A_530 : vector<16xf32>
        %mul3A_535 = arith.mulf %mul3A_534, %mul3A_530 : vector<16xf32>
        %sub3A_536 = arith.constant 1.500000e+00 : f32
        %sub3A_537 = vector.broadcast %sub3A_536 : f32 to vector<16xf32>
        %sub3A_538 = arith.subf %sub3A_537, %mul3A_535 : vector<16xf32>
        %mul3A_539 = arith.mulf %mul3A_530, %sub3A_538 : vector<16xf32>
        %div3A_540 = arith.constant 1.000000e+00 : f32
        %div3A_541 = vector.broadcast %div3A_540 : f32 to vector<16xf32>
        %div3A_542 = arith.divf %div3A_541, %get3A_501 : vector<16xf32>
        %mul3A_543 = arith.constant 0.0069444445 : f32
        %mul3A_544 = vector.broadcast %mul3A_543 : f32 to vector<16xf32>
        %mul3A_545 = arith.mulf %get3A_501, %mul3A_544 : vector<16xf32>
        %add3A_546 = arith.addf %div3A_542, %mul3A_545 : vector<16xf32>
        %sub3A_547 = arith.constant 0.166666672 : f32
        %sub3A_548 = vector.broadcast %sub3A_547 : f32 to vector<16xf32>
        %sub3A_549 = arith.subf %add3A_546, %sub3A_548 : vector<16xf32>
        %mul3A_550 = arith.constant 0.0069444445 : f32
        %mul3A_551 = vector.broadcast %mul3A_550 : f32 to vector<16xf32>
        %mul3A_552 = arith.mulf %add3A_513, %mul3A_551 : vector<16xf32>
        %add3A_553 = arith.constant 1.000000e+00 : f32
        %add3A_554 = vector.broadcast %add3A_553 : f32 to vector<16xf32>
        %add3A_555 = arith.addf %add3A_554, %mul3A_552 : vector<16xf32>
        %mul3A_556 = arith.mulf %mul3A_539, %add3A_555 : vector<16xf32>
        %sub3A_557 = arith.constant 0.166666672 : f32
        %sub3A_558 = vector.broadcast %sub3A_557 : f32 to vector<16xf32>
        %sub3A_559 = arith.subf %mul3A_556, %sub3A_558 : vector<16xf32>
        %mul3A_560 = arith.constant 2.500000e-01 : f32
        %mul3A_561 = vector.broadcast %mul3A_560 : f32 to vector<16xf32>
        %mul3A_562 = arith.mulf %get3A_501, %mul3A_561 : vector<16xf32>
        %mul3A_563 = arith.mulf %mul3A_562, %mul3A_562 : vector<16xf32>
        %mul3A_564 = arith.mulf %mul3A_563, %mul3A_562 : vector<16xf32>
        %mul3A_565 = arith.constant 1.500000e+01 : f32
        %mul3A_566 = vector.broadcast %mul3A_565 : f32 to vector<16xf32>
        %mul3A_567 = arith.mulf %mul3A_566, %mul3A_562 : vector<16xf32>
        %sub3A_568 = arith.constant 1.000000e+01 : f32
        %sub3A_569 = vector.broadcast %sub3A_568 : f32 to vector<16xf32>
        %sub3A_570 = arith.subf %sub3A_569, %mul3A_567 : vector<16xf32>
        %mul3A_571 = arith.constant 6.000000e+00 : f32
        %mul3A_572 = vector.broadcast %mul3A_571 : f32 to vector<16xf32>
        %mul3A_573 = arith.mulf %mul3A_572, %mul3A_563 : vector<16xf32>
        %add3A_574 = arith.addf %sub3A_570, %mul3A_573 : vector<16xf32>
        %mul3A_575 = arith.mulf %mul3A_564, %add3A_574 : vector<16xf32>
        %sub3A_576 = arith.constant 1.000000e+00 : f32
        %sub3A_577 = vector.broadcast %sub3A_576 : f32 to vector<16xf32>
        %sub3A_578 = arith.subf %sub3A_577, %mul3A_575 : vector<16xf32>
        %lt3A_579 = arith.constant 4.000000e+00 : f32
        %lt3A_580 = vector.broadcast %lt3A_579 : f32 to vector<16xf32>
        %lt3A_581 = arith.cmpf olt, %get3A_501, %lt3A_580 : vector<16xf32>
        %jit3A_582 = arith.constant 0.000000e+00 : f32
        %broadcast_in_dim3A_583 = vector.broadcast %jit3A_582 : f32 to vector<16xf32>
        %select_n3A_584 = arith.select %lt3A_581, %sub3A_578, %broadcast_in_dim3A_583 : vector<16xi1>, vector<16xf32>
        %mul3A_585 = arith.constant 7.1998229 : f32
        %mul3A_586 = vector.broadcast %mul3A_585 : f32 to vector<16xf32>
        %mul3A_587 = arith.mulf %mul3A_586, %gather3A_505 : vector<16xf32>
        %mul3A_588 = arith.mulf %mul3A_587, %gather3A_509 : vector<16xf32>
        %sub3A_589 = arith.subf %sub3A_549, %sub3A_559 : vector<16xf32>
        %mul3A_590 = arith.mulf %select_n3A_584, %sub3A_589 : vector<16xf32>
        %add3A_591 = arith.addf %sub3A_559, %mul3A_590 : vector<16xf32>
        %mul3A_592 = arith.mulf %mul3A_588, %add3A_591 : vector<16xf32>
        %le3A_593 = arith.constant 1.200000e+01 : f32
        %le3A_594 = vector.broadcast %le3A_593 : f32 to vector<16xf32>
        %le3A_595 = arith.cmpf ole, %get3A_501, %le3A_594 : vector<16xf32>
        %jit3A_596 = arith.constant 0.000000e+00 : f32
        %broadcast_in_dim3A_597 = vector.broadcast %jit3A_596 : f32 to vector<16xf32>
        %select_n3A_598 = arith.select %le3A_595, %mul3A_592, %broadcast_in_dim3A_597 : vector<16xi1>, vector<16xf32>
        %swap3A_599 = arith.index_cast %add3A_96 : i32 to index
        %swap3A_600 = arith.constant 64 : index
        %swap3A_601 = tpu.vector_load %arg14[%swap3A_599, %swap3A_600] {strides = array<i32>} : memref<16x128xf32, #tpu.memory_space<vmem>>, vector<16xf32>,
        tpu.vector_store %arg14[%swap3A_599, %swap3A_600], %select_n3A_598 {strides = array<i32>} : memref<16x128xf32, #tpu.memory_space<vmem>>, vector<16xf32>,
        %get3A_602 = arith.index_cast %add3A_96 : i32 to index
        %get3A_603 = arith.constant 80 : index
        %get3A_604 = tpu.vector_load %arg8[%get3A_602, %get3A_603] {strides = array<i32>} : memref<16x128xf32, #tpu.memory_space<vmem>>, vector<16xf32>,
        %get3A_605 = arith.index_cast %add3A_96 : i32 to index
        %get3A_606 = arith.constant 80 : index
        %get3A_607 = tpu.vector_load %arg10[%get3A_605, %get3A_606] {strides = array<i32>} : memref<16x128xi32, #tpu.memory_space<vmem>>, vector<16xi32>,
        %gather3A_608 = tpu.vector_load_idx %arg7[%get3A_607] : memref<100000xf32, #tpu.memory_space<vmem>>[vector<16xi32>], vector<16xf32>,
        %get3A_609 = arith.index_cast %add3A_96 : i32 to index
        %get3A_610 = arith.constant 80 : index
        %get3A_611 = tpu.vector_load %arg12[%get3A_609, %get3A_610] {strides = array<i32>} : memref<16x128xi32, #tpu.memory_space<vmem>>, vector<16xi32>,
        %gather3A_612 = tpu.vector_load_idx %arg7[%get3A_611] : memref<100000xf32, #tpu.memory_space<vmem>>[vector<16xi32>], vector<16xf32>,
        %mul3A_613 = arith.mulf %get3A_604, %get3A_604 : vector<16xf32>
        %add3A_614 = arith.constant 1.000000e+00 : f32
        %add3A_615 = vector.broadcast %add3A_614 : f32 to vector<16xf32>
        %add3A_616 = arith.addf %mul3A_613, %add3A_615 : vector<16xf32>
        %bitcast3A_617 = vector.bitcast %add3A_616 : vector<16xf32> to vector<16xi32>
        %shift_right_arithmetic3A_618 = arith.constant 1 : i32
        %shift_right_arithmetic3A_619 = vector.broadcast %shift_right_arithmetic3A_618 : i32 to vector<16xi32>
        %shift_right_arithmetic3A_620 = arith.shrsi %bitcast3A_617, %shift_right_arithmetic3A_619 : vector<16xi32>
        %sub3A_621 = arith.constant 1597463007 : i32
        %sub3A_622 = vector.broadcast %sub3A_621 : i32 to vector<16xi32>
        %sub3A_623 = arith.subi %sub3A_622, %shift_right_arithmetic3A_620 : vector<16xi32>
        %bitcast3A_624 = vector.bitcast %sub3A_623 : vector<16xi32> to vector<16xf32>
        %mul3A_625 = arith.constant 5.000000e-01 : f32
        %mul3A_626 = vector.broadcast %mul3A_625 : f32 to vector<16xf32>
        %mul3A_627 = arith.mulf %mul3A_626, %add3A_616 : vector<16xf32>
        %mul3A_628 = arith.mulf %mul3A_627, %bitcast3A_624 : vector<16xf32>
        %mul3A_629 = arith.mulf %mul3A_628, %bitcast3A_624 : vector<16xf32>
        %sub3A_630 = arith.constant 1.500000e+00 : f32
        %sub3A_631 = vector.broadcast %sub3A_630 : f32 to vector<16xf32>
        %sub3A_632 = arith.subf %sub3A_631, %mul3A_629 : vector<16xf32>
        %mul3A_633 = arith.mulf %bitcast3A_624, %sub3A_632 : vector<16xf32>
        %mul3A_634 = arith.constant 5.000000e-01 : f32
        %mul3A_635 = vector.broadcast %mul3A_634 : f32 to vector<16xf32>
        %mul3A_636 = arith.mulf %mul3A_635, %add3A_616 : vector<16xf32>
        %mul3A_637 = arith.mulf %mul3A_636, %mul3A_633 : vector<16xf32>
        %mul3A_638 = arith.mulf %mul3A_637, %mul3A_633 : vector<16xf32>
        %sub3A_639 = arith.constant 1.500000e+00 : f32
        %sub3A_640 = vector.broadcast %sub3A_639 : f32 to vector<16xf32>
        %sub3A_641 = arith.subf %sub3A_640, %mul3A_638 : vector<16xf32>
        %mul3A_642 = arith.mulf %mul3A_633, %sub3A_641 : vector<16xf32>
        %div3A_643 = arith.constant 1.000000e+00 : f32
        %div3A_644 = vector.broadcast %div3A_643 : f32 to vector<16xf32>
        %div3A_645 = arith.divf %div3A_644, %get3A_604 : vector<16xf32>
        %mul3A_646 = arith.constant 0.0069444445 : f32
        %mul3A_647 = vector.broadcast %mul3A_646 : f32 to vector<16xf32>
        %mul3A_648 = arith.mulf %get3A_604, %mul3A_647 : vector<16xf32>
        %add3A_649 = arith.addf %div3A_645, %mul3A_648 : vector<16xf32>
        %sub3A_650 = arith.constant 0.166666672 : f32
        %sub3A_651 = vector.broadcast %sub3A_650 : f32 to vector<16xf32>
        %sub3A_652 = arith.subf %add3A_649, %sub3A_651 : vector<16xf32>
        %mul3A_653 = arith.constant 0.0069444445 : f32
        %mul3A_654 = vector.broadcast %mul3A_653 : f32 to vector<16xf32>
        %mul3A_655 = arith.mulf %add3A_616, %mul3A_654 : vector<16xf32>
        %add3A_656 = arith.constant 1.000000e+00 : f32
        %add3A_657 = vector.broadcast %add3A_656 : f32 to vector<16xf32>
        %add3A_658 = arith.addf %add3A_657, %mul3A_655 : vector<16xf32>
        %mul3A_659 = arith.mulf %mul3A_642, %add3A_658 : vector<16xf32>
        %sub3A_660 = arith.constant 0.166666672 : f32
        %sub3A_661 = vector.broadcast %sub3A_660 : f32 to vector<16xf32>
        %sub3A_662 = arith.subf %mul3A_659, %sub3A_661 : vector<16xf32>
        %mul3A_663 = arith.constant 2.500000e-01 : f32
        %mul3A_664 = vector.broadcast %mul3A_663 : f32 to vector<16xf32>
        %mul3A_665 = arith.mulf %get3A_604, %mul3A_664 : vector<16xf32>
        %mul3A_666 = arith.mulf %mul3A_665, %mul3A_665 : vector<16xf32>
        %mul3A_667 = arith.mulf %mul3A_666, %mul3A_665 : vector<16xf32>
        %mul3A_668 = arith.constant 1.500000e+01 : f32
        %mul3A_669 = vector.broadcast %mul3A_668 : f32 to vector<16xf32>
        %mul3A_670 = arith.mulf %mul3A_669, %mul3A_665 : vector<16xf32>
        %sub3A_671 = arith.constant 1.000000e+01 : f32
        %sub3A_672 = vector.broadcast %sub3A_671 : f32 to vector<16xf32>
        %sub3A_673 = arith.subf %sub3A_672, %mul3A_670 : vector<16xf32>
        %mul3A_674 = arith.constant 6.000000e+00 : f32
        %mul3A_675 = vector.broadcast %mul3A_674 : f32 to vector<16xf32>
        %mul3A_676 = arith.mulf %mul3A_675, %mul3A_666 : vector<16xf32>
        %add3A_677 = arith.addf %sub3A_673, %mul3A_676 : vector<16xf32>
        %mul3A_678 = arith.mulf %mul3A_667, %add3A_677 : vector<16xf32>
        %sub3A_679 = arith.constant 1.000000e+00 : f32
        %sub3A_680 = vector.broadcast %sub3A_679 : f32 to vector<16xf32>
        %sub3A_681 = arith.subf %sub3A_680, %mul3A_678 : vector<16xf32>
        %lt3A_682 = arith.constant 4.000000e+00 : f32
        %lt3A_683 = vector.broadcast %lt3A_682 : f32 to vector<16xf32>
        %lt3A_684 = arith.cmpf olt, %get3A_604, %lt3A_683 : vector<16xf32>
        %jit3A_685 = arith.constant 0.000000e+00 : f32
        %broadcast_in_dim3A_686 = vector.broadcast %jit3A_685 : f32 to vector<16xf32>
        %select_n3A_687 = arith.select %lt3A_684, %sub3A_681, %broadcast_in_dim3A_686 : vector<16xi1>, vector<16xf32>
        %mul3A_688 = arith.constant 7.1998229 : f32
        %mul3A_689 = vector.broadcast %mul3A_688 : f32 to vector<16xf32>
        %mul3A_690 = arith.mulf %mul3A_689, %gather3A_608 : vector<16xf32>
        %mul3A_691 = arith.mulf %mul3A_690, %gather3A_612 : vector<16xf32>
        %sub3A_692 = arith.subf %sub3A_652, %sub3A_662 : vector<16xf32>
        %mul3A_693 = arith.mulf %select_n3A_687, %sub3A_692 : vector<16xf32>
        %add3A_694 = arith.addf %sub3A_662, %mul3A_693 : vector<16xf32>
        %mul3A_695 = arith.mulf %mul3A_691, %add3A_694 : vector<16xf32>
        %le3A_696 = arith.constant 1.200000e+01 : f32
        %le3A_697 = vector.broadcast %le3A_696 : f32 to vector<16xf32>
        %le3A_698 = arith.cmpf ole, %get3A_604, %le3A_697 : vector<16xf32>
        %jit3A_699 = arith.constant 0.000000e+00 : f32
        %broadcast_in_dim3A_700 = vector.broadcast %jit3A_699 : f32 to vector<16xf32>
        %select_n3A_701 = arith.select %le3A_698, %mul3A_695, %broadcast_in_dim3A_700 : vector<16xi1>, vector<16xf32>
        %swap3A_702 = arith.index_cast %add3A_96 : i32 to index
        %swap3A_703 = arith.constant 80 : index
        %swap3A_704 = tpu.vector_load %arg14[%swap3A_702, %swap3A_703] {strides = array<i32>} : memref<16x128xf32, #tpu.memory_space<vmem>>, vector<16xf32>,
        tpu.vector_store %arg14[%swap3A_702, %swap3A_703], %select_n3A_701 {strides = array<i32>} : memref<16x128xf32, #tpu.memory_space<vmem>>, vector<16xf32>,
        %get3A_705 = arith.index_cast %add3A_96 : i32 to index
        %get3A_706 = arith.constant 96 : index
        %get3A_707 = tpu.vector_load %arg8[%get3A_705, %get3A_706] {strides = array<i32>} : memref<16x128xf32, #tpu.memory_space<vmem>>, vector<16xf32>,
        %get3A_708 = arith.index_cast %add3A_96 : i32 to index
        %get3A_709 = arith.constant 96 : index
        %get3A_710 = tpu.vector_load %arg10[%get3A_708, %get3A_709] {strides = array<i32>} : memref<16x128xi32, #tpu.memory_space<vmem>>, vector<16xi32>,
        %gather3A_711 = tpu.vector_load_idx %arg7[%get3A_710] : memref<100000xf32, #tpu.memory_space<vmem>>[vector<16xi32>], vector<16xf32>,
        %get3A_712 = arith.index_cast %add3A_96 : i32 to index
        %get3A_713 = arith.constant 96 : index
        %get3A_714 = tpu.vector_load %arg12[%get3A_712, %get3A_713] {strides = array<i32>} : memref<16x128xi32, #tpu.memory_space<vmem>>, vector<16xi32>,
        %gather3A_715 = tpu.vector_load_idx %arg7[%get3A_714] : memref<100000xf32, #tpu.memory_space<vmem>>[vector<16xi32>], vector<16xf32>,
        %mul3A_716 = arith.mulf %get3A_707, %get3A_707 : vector<16xf32>
        %add3A_717 = arith.constant 1.000000e+00 : f32
        %add3A_718 = vector.broadcast %add3A_717 : f32 to vector<16xf32>
        %add3A_719 = arith.addf %mul3A_716, %add3A_718 : vector<16xf32>
        %bitcast3A_720 = vector.bitcast %add3A_719 : vector<16xf32> to vector<16xi32>
        %shift_right_arithmetic3A_721 = arith.constant 1 : i32
        %shift_right_arithmetic3A_722 = vector.broadcast %shift_right_arithmetic3A_721 : i32 to vector<16xi32>
        %shift_right_arithmetic3A_723 = arith.shrsi %bitcast3A_720, %shift_right_arithmetic3A_722 : vector<16xi32>
        %sub3A_724 = arith.constant 1597463007 : i32
        %sub3A_725 = vector.broadcast %sub3A_724 : i32 to vector<16xi32>
        %sub3A_726 = arith.subi %sub3A_725, %shift_right_arithmetic3A_723 : vector<16xi32>
        %bitcast3A_727 = vector.bitcast %sub3A_726 : vector<16xi32> to vector<16xf32>
        %mul3A_728 = arith.constant 5.000000e-01 : f32
        %mul3A_729 = vector.broadcast %mul3A_728 : f32 to vector<16xf32>
        %mul3A_730 = arith.mulf %mul3A_729, %add3A_719 : vector<16xf32>
        %mul3A_731 = arith.mulf %mul3A_730, %bitcast3A_727 : vector<16xf32>
        %mul3A_732 = arith.mulf %mul3A_731, %bitcast3A_727 : vector<16xf32>
        %sub3A_733 = arith.constant 1.500000e+00 : f32
        %sub3A_734 = vector.broadcast %sub3A_733 : f32 to vector<16xf32>
        %sub3A_735 = arith.subf %sub3A_734, %mul3A_732 : vector<16xf32>
        %mul3A_736 = arith.mulf %bitcast3A_727, %sub3A_735 : vector<16xf32>
        %mul3A_737 = arith.constant 5.000000e-01 : f32
        %mul3A_738 = vector.broadcast %mul3A_737 : f32 to vector<16xf32>
        %mul3A_739 = arith.mulf %mul3A_738, %add3A_719 : vector<16xf32>
        %mul3A_740 = arith.mulf %mul3A_739, %mul3A_736 : vector<16xf32>
        %mul3A_741 = arith.mulf %mul3A_740, %mul3A_736 : vector<16xf32>
        %sub3A_742 = arith.constant 1.500000e+00 : f32
        %sub3A_743 = vector.broadcast %sub3A_742 : f32 to vector<16xf32>
        %sub3A_744 = arith.subf %sub3A_743, %mul3A_741 : vector<16xf32>
        %mul3A_745 = arith.mulf %mul3A_736, %sub3A_744 : vector<16xf32>
        %div3A_746 = arith.constant 1.000000e+00 : f32
        %div3A_747 = vector.broadcast %div3A_746 : f32 to vector<16xf32>
        %div3A_748 = arith.divf %div3A_747, %get3A_707 : vector<16xf32>
        %mul3A_749 = arith.constant 0.0069444445 : f32
        %mul3A_750 = vector.broadcast %mul3A_749 : f32 to vector<16xf32>
        %mul3A_751 = arith.mulf %get3A_707, %mul3A_750 : vector<16xf32>
        %add3A_752 = arith.addf %div3A_748, %mul3A_751 : vector<16xf32>
        %sub3A_753 = arith.constant 0.166666672 : f32
        %sub3A_754 = vector.broadcast %sub3A_753 : f32 to vector<16xf32>
        %sub3A_755 = arith.subf %add3A_752, %sub3A_754 : vector<16xf32>
        %mul3A_756 = arith.constant 0.0069444445 : f32
        %mul3A_757 = vector.broadcast %mul3A_756 : f32 to vector<16xf32>
        %mul3A_758 = arith.mulf %add3A_719, %mul3A_757 : vector<16xf32>
        %add3A_759 = arith.constant 1.000000e+00 : f32
        %add3A_760 = vector.broadcast %add3A_759 : f32 to vector<16xf32>
        %add3A_761 = arith.addf %add3A_760, %mul3A_758 : vector<16xf32>
        %mul3A_762 = arith.mulf %mul3A_745, %add3A_761 : vector<16xf32>
        %sub3A_763 = arith.constant 0.166666672 : f32
        %sub3A_764 = vector.broadcast %sub3A_763 : f32 to vector<16xf32>
        %sub3A_765 = arith.subf %mul3A_762, %sub3A_764 : vector<16xf32>
        %mul3A_766 = arith.constant 2.500000e-01 : f32
        %mul3A_767 = vector.broadcast %mul3A_766 : f32 to vector<16xf32>
        %mul3A_768 = arith.mulf %get3A_707, %mul3A_767 : vector<16xf32>
        %mul3A_769 = arith.mulf %mul3A_768, %mul3A_768 : vector<16xf32>
        %mul3A_770 = arith.mulf %mul3A_769, %mul3A_768 : vector<16xf32>
        %mul3A_771 = arith.constant 1.500000e+01 : f32
        %mul3A_772 = vector.broadcast %mul3A_771 : f32 to vector<16xf32>
        %mul3A_773 = arith.mulf %mul3A_772, %mul3A_768 : vector<16xf32>
        %sub3A_774 = arith.constant 1.000000e+01 : f32
        %sub3A_775 = vector.broadcast %sub3A_774 : f32 to vector<16xf32>
        %sub3A_776 = arith.subf %sub3A_775, %mul3A_773 : vector<16xf32>
        %mul3A_777 = arith.constant 6.000000e+00 : f32
        %mul3A_778 = vector.broadcast %mul3A_777 : f32 to vector<16xf32>
        %mul3A_779 = arith.mulf %mul3A_778, %mul3A_769 : vector<16xf32>
        %add3A_780 = arith.addf %sub3A_776, %mul3A_779 : vector<16xf32>
        %mul3A_781 = arith.mulf %mul3A_770, %add3A_780 : vector<16xf32>
        %sub3A_782 = arith.constant 1.000000e+00 : f32
        %sub3A_783 = vector.broadcast %sub3A_782 : f32 to vector<16xf32>
        %sub3A_784 = arith.subf %sub3A_783, %mul3A_781 : vector<16xf32>
        %lt3A_785 = arith.constant 4.000000e+00 : f32
        %lt3A_786 = vector.broadcast %lt3A_785 : f32 to vector<16xf32>
        %lt3A_787 = arith.cmpf olt, %get3A_707, %lt3A_786 : vector<16xf32>
        %jit3A_788 = arith.constant 0.000000e+00 : f32
        %broadcast_in_dim3A_789 = vector.broadcast %jit3A_788 : f32 to vector<16xf32>
        %select_n3A_790 = arith.select %lt3A_787, %sub3A_784, %broadcast_in_dim3A_789 : vector<16xi1>, vector<16xf32>
        %mul3A_791 = arith.constant 7.1998229 : f32
        %mul3A_792 = vector.broadcast %mul3A_791 : f32 to vector<16xf32>
        %mul3A_793 = arith.mulf %mul3A_792, %gather3A_711 : vector<16xf32>
        %mul3A_794 = arith.mulf %mul3A_793, %gather3A_715 : vector<16xf32>
        %sub3A_795 = arith.subf %sub3A_755, %sub3A_765 : vector<16xf32>
        %mul3A_796 = arith.mulf %select_n3A_790, %sub3A_795 : vector<16xf32>
        %add3A_797 = arith.addf %sub3A_765, %mul3A_796 : vector<16xf32>
        %mul3A_798 = arith.mulf %mul3A_794, %add3A_797 : vector<16xf32>
        %le3A_799 = arith.constant 1.200000e+01 : f32
        %le3A_800 = vector.broadcast %le3A_799 : f32 to vector<16xf32>
        %le3A_801 = arith.cmpf ole, %get3A_707, %le3A_800 : vector<16xf32>
        %jit3A_802 = arith.constant 0.000000e+00 : f32
        %broadcast_in_dim3A_803 = vector.broadcast %jit3A_802 : f32 to vector<16xf32>
        %select_n3A_804 = arith.select %le3A_801, %mul3A_798, %broadcast_in_dim3A_803 : vector<16xi1>, vector<16xf32>
        %swap3A_805 = arith.index_cast %add3A_96 : i32 to index
        %swap3A_806 = arith.constant 96 : index
        %swap3A_807 = tpu.vector_load %arg14[%swap3A_805, %swap3A_806] {strides = array<i32>} : memref<16x128xf32, #tpu.memory_space<vmem>>, vector<16xf32>,
        tpu.vector_store %arg14[%swap3A_805, %swap3A_806], %select_n3A_804 {strides = array<i32>} : memref<16x128xf32, #tpu.memory_space<vmem>>, vector<16xf32>,
        %get3A_808 = arith.index_cast %add3A_96 : i32 to index
        %get3A_809 = arith.constant 112 : index
        %get3A_810 = tpu.vector_load %arg8[%get3A_808, %get3A_809] {strides = array<i32>} : memref<16x128xf32, #tpu.memory_space<vmem>>, vector<16xf32>,
        %get3A_811 = arith.index_cast %add3A_96 : i32 to index
        %get3A_812 = arith.constant 112 : index
        %get3A_813 = tpu.vector_load %arg10[%get3A_811, %get3A_812] {strides = array<i32>} : memref<16x128xi32, #tpu.memory_space<vmem>>, vector<16xi32>,
        %gather3A_814 = tpu.vector_load_idx %arg7[%get3A_813] : memref<100000xf32, #tpu.memory_space<vmem>>[vector<16xi32>], vector<16xf32>,
        %get3A_815 = arith.index_cast %add3A_96 : i32 to index
        %get3A_816 = arith.constant 112 : index
        %get3A_817 = tpu.vector_load %arg12[%get3A_815, %get3A_816] {strides = array<i32>} : memref<16x128xi32, #tpu.memory_space<vmem>>, vector<16xi32>,
        %gather3A_818 = tpu.vector_load_idx %arg7[%get3A_817] : memref<100000xf32, #tpu.memory_space<vmem>>[vector<16xi32>], vector<16xf32>,
        %mul3A_819 = arith.mulf %get3A_810, %get3A_810 : vector<16xf32>
        %add3A_820 = arith.constant 1.000000e+00 : f32
        %add3A_821 = vector.broadcast %add3A_820 : f32 to vector<16xf32>
        %add3A_822 = arith.addf %mul3A_819, %add3A_821 : vector<16xf32>
        %bitcast3A_823 = vector.bitcast %add3A_822 : vector<16xf32> to vector<16xi32>
        %shift_right_arithmetic3A_824 = arith.constant 1 : i32
        %shift_right_arithmetic3A_825 = vector.broadcast %shift_right_arithmetic3A_824 : i32 to vector<16xi32>
        %shift_right_arithmetic3A_826 = arith.shrsi %bitcast3A_823, %shift_right_arithmetic3A_825 : vector<16xi32>
        %sub3A_827 = arith.constant 1597463007 : i32
        %sub3A_828 = vector.broadcast %sub3A_827 : i32 to vector<16xi32>
        %sub3A_829 = arith.subi %sub3A_828, %shift_right_arithmetic3A_826 : vector<16xi32>
        %bitcast3A_830 = vector.bitcast %sub3A_829 : vector<16xi32> to vector<16xf32>
        %mul3A_831 = arith.constant 5.000000e-01 : f32
        %mul3A_832 = vector.broadcast %mul3A_831 : f32 to vector<16xf32>
        %mul3A_833 = arith.mulf %mul3A_832, %add3A_822 : vector<16xf32>
        %mul3A_834 = arith.mulf %mul3A_833, %bitcast3A_830 : vector<16xf32>
        %mul3A_835 = arith.mulf %mul3A_834, %bitcast3A_830 : vector<16xf32>
        %sub3A_836 = arith.constant 1.500000e+00 : f32
        %sub3A_837 = vector.broadcast %sub3A_836 : f32 to vector<16xf32>
        %sub3A_838 = arith.subf %sub3A_837, %mul3A_835 : vector<16xf32>
        %mul3A_839 = arith.mulf %bitcast3A_830, %sub3A_838 : vector<16xf32>
        %mul3A_840 = arith.constant 5.000000e-01 : f32
        %mul3A_841 = vector.broadcast %mul3A_840 : f32 to vector<16xf32>
        %mul3A_842 = arith.mulf %mul3A_841, %add3A_822 : vector<16xf32>
        %mul3A_843 = arith.mulf %mul3A_842, %mul3A_839 : vector<16xf32>
        %mul3A_844 = arith.mulf %mul3A_843, %mul3A_839 : vector<16xf32>
        %sub3A_845 = arith.constant 1.500000e+00 : f32
        %sub3A_846 = vector.broadcast %sub3A_845 : f32 to vector<16xf32>
        %sub3A_847 = arith.subf %sub3A_846, %mul3A_844 : vector<16xf32>
        %mul3A_848 = arith.mulf %mul3A_839, %sub3A_847 : vector<16xf32>
        %div3A_849 = arith.constant 1.000000e+00 : f32
        %div3A_850 = vector.broadcast %div3A_849 : f32 to vector<16xf32>
        %div3A_851 = arith.divf %div3A_850, %get3A_810 : vector<16xf32>
        %mul3A_852 = arith.constant 0.0069444445 : f32
        %mul3A_853 = vector.broadcast %mul3A_852 : f32 to vector<16xf32>
        %mul3A_854 = arith.mulf %get3A_810, %mul3A_853 : vector<16xf32>
        %add3A_855 = arith.addf %div3A_851, %mul3A_854 : vector<16xf32>
        %sub3A_856 = arith.constant 0.166666672 : f32
        %sub3A_857 = vector.broadcast %sub3A_856 : f32 to vector<16xf32>
        %sub3A_858 = arith.subf %add3A_855, %sub3A_857 : vector<16xf32>
        %mul3A_859 = arith.constant 0.0069444445 : f32
        %mul3A_860 = vector.broadcast %mul3A_859 : f32 to vector<16xf32>
        %mul3A_861 = arith.mulf %add3A_822, %mul3A_860 : vector<16xf32>
        %add3A_862 = arith.constant 1.000000e+00 : f32
        %add3A_863 = vector.broadcast %add3A_862 : f32 to vector<16xf32>
        %add3A_864 = arith.addf %add3A_863, %mul3A_861 : vector<16xf32>
        %mul3A_865 = arith.mulf %mul3A_848, %add3A_864 : vector<16xf32>
        %sub3A_866 = arith.constant 0.166666672 : f32
        %sub3A_867 = vector.broadcast %sub3A_866 : f32 to vector<16xf32>
        %sub3A_868 = arith.subf %mul3A_865, %sub3A_867 : vector<16xf32>
        %mul3A_869 = arith.constant 2.500000e-01 : f32
        %mul3A_870 = vector.broadcast %mul3A_869 : f32 to vector<16xf32>
        %mul3A_871 = arith.mulf %get3A_810, %mul3A_870 : vector<16xf32>
        %mul3A_872 = arith.mulf %mul3A_871, %mul3A_871 : vector<16xf32>
        %mul3A_873 = arith.mulf %mul3A_872, %mul3A_871 : vector<16xf32>
        %mul3A_874 = arith.constant 1.500000e+01 : f32
        %mul3A_875 = vector.broadcast %mul3A_874 : f32 to vector<16xf32>
        %mul3A_876 = arith.mulf %mul3A_875, %mul3A_871 : vector<16xf32>
        %sub3A_877 = arith.constant 1.000000e+01 : f32
        %sub3A_878 = vector.broadcast %sub3A_877 : f32 to vector<16xf32>
        %sub3A_879 = arith.subf %sub3A_878, %mul3A_876 : vector<16xf32>
        %mul3A_880 = arith.constant 6.000000e+00 : f32
        %mul3A_881 = vector.broadcast %mul3A_880 : f32 to vector<16xf32>
        %mul3A_882 = arith.mulf %mul3A_881, %mul3A_872 : vector<16xf32>
        %add3A_883 = arith.addf %sub3A_879, %mul3A_882 : vector<16xf32>
        %mul3A_884 = arith.mulf %mul3A_873, %add3A_883 : vector<16xf32>
        %sub3A_885 = arith.constant 1.000000e+00 : f32
        %sub3A_886 = vector.broadcast %sub3A_885 : f32 to vector<16xf32>
        %sub3A_887 = arith.subf %sub3A_886, %mul3A_884 : vector<16xf32>
        %lt3A_888 = arith.constant 4.000000e+00 : f32
        %lt3A_889 = vector.broadcast %lt3A_888 : f32 to vector<16xf32>
        %lt3A_890 = arith.cmpf olt, %get3A_810, %lt3A_889 : vector<16xf32>
        %jit3A_891 = arith.constant 0.000000e+00 : f32
        %broadcast_in_dim3A_892 = vector.broadcast %jit3A_891 : f32 to vector<16xf32>
        %select_n3A_893 = arith.select %lt3A_890, %sub3A_887, %broadcast_in_dim3A_892 : vector<16xi1>, vector<16xf32>
        %mul3A_894 = arith.constant 7.1998229 : f32
        %mul3A_895 = vector.broadcast %mul3A_894 : f32 to vector<16xf32>
        %mul3A_896 = arith.mulf %mul3A_895, %gather3A_814 : vector<16xf32>
        %mul3A_897 = arith.mulf %mul3A_896, %gather3A_818 : vector<16xf32>
        %sub3A_898 = arith.subf %sub3A_858, %sub3A_868 : vector<16xf32>
        %mul3A_899 = arith.mulf %select_n3A_893, %sub3A_898 : vector<16xf32>
        %add3A_900 = arith.addf %sub3A_868, %mul3A_899 : vector<16xf32>
        %mul3A_901 = arith.mulf %mul3A_897, %add3A_900 : vector<16xf32>
        %le3A_902 = arith.constant 1.200000e+01 : f32
        %le3A_903 = vector.broadcast %le3A_902 : f32 to vector<16xf32>
        %le3A_904 = arith.cmpf ole, %get3A_810, %le3A_903 : vector<16xf32>
        %jit3A_905 = arith.constant 0.000000e+00 : f32
        %broadcast_in_dim3A_906 = vector.broadcast %jit3A_905 : f32 to vector<16xf32>
        %select_n3A_907 = arith.select %le3A_904, %mul3A_901, %broadcast_in_dim3A_906 : vector<16xi1>, vector<16xf32>
        %swap3A_908 = arith.index_cast %add3A_96 : i32 to index
        %swap3A_909 = arith.constant 112 : index
        %swap3A_910 = tpu.vector_load %arg14[%swap3A_908, %swap3A_909] {strides = array<i32>} : memref<16x128xf32, #tpu.memory_space<vmem>>, vector<16xf32>,
        tpu.vector_store %arg14[%swap3A_908, %swap3A_909], %select_n3A_907 {strides = array<i32>} : memref<16x128xf32, #tpu.memory_space<vmem>>, vector<16xf32>,
        %dma_start3A_911 = arith.constant 0 : i32
        %dma_start3A_912 = tpu.memref_slice %arg14[%add3A_96, %dma_start3A_911] : memref<16x128xf32, #tpu.memory_space<vmem>> -> memref<1x128xf32, #tpu.memory_space<vmem>>
        %dma_start3A_913 = tpu.memref_squeeze %dma_start3A_912 : memref<1x128xf32, #tpu.memory_space<vmem>> -> memref<128xf32, #tpu.memory_space<vmem>>
        %dma_start3A_914 = arith.constant 0 : i32
        %dma_start3A_915 = tpu.memref_slice %arg10[%add3A_96, %dma_start3A_914] : memref<16x128xi32, #tpu.memory_space<vmem>> -> memref<1x128xi32, #tpu.memory_space<vmem>>
        %dma_start3A_916 = tpu.memref_squeeze %dma_start3A_915 : memref<1x128xi32, #tpu.memory_space<vmem>> -> memref<128xi32, #tpu.memory_space<vmem>>
        %dma_start3A_917 = arith.constant 0 : i32
        %dma_start3A_918 = tpu.memref_slice %arg17[%dma_start3A_917] : memref<100352xf32, #tpu.memory_space<vmem_shared>> -> memref<100352xf32, #tpu.memory_space<vmem_shared>>
        tpu.enqueue_indirect_dma source(%dma_start3A_913 : memref<128xf32, #tpu.memory_space<vmem>>) target(%dma_start3A_918 : memref<100352xf32, #tpu.memory_space<vmem_shared>>) offsets(%dma_start3A_916 : memref<128xi32, #tpu.memory_space<vmem>>) semaphore(%arg20 : memref<!tpu.dma_semaphore, #tpu.memory_space<semaphore_mem>>) {add = true}
      }
      %scan3A_76 = arith.constant 16 : i32
      %scan3A_77 = arith.constant 0 : i32
      %scan3A_78 = arith.constant 16 : i32
      %scan3A_79 = arith.addi %scan3A_77, %scan3A_78 : i32
      %scan3A_80 = arith.constant 1 : i32
      scf.for %scan3A_92 = %scan3A_77 to %scan3A_79 step %scan3A_80  : i32 {
        %mul3A_93 = arith.constant 1 : i32
        %mul3A_94 = arith.muli %scan3A_92, %mul3A_93 : i32
        %add3A_95 = arith.constant 0 : i32
        %add3A_96 = arith.addi %add3A_95, %mul3A_94 : i32
        %dma_wait3A_97 = arith.constant 0 : i32
        %dma_wait3A_98 = tpu.memref_slice %arg14[%add3A_96, %dma_wait3A_97] : memref<16x128xf32, #tpu.memory_space<vmem>> -> memref<1x128xf32, #tpu.memory_space<vmem>>
        %dma_wait3A_99 = tpu.memref_squeeze %dma_wait3A_98 : memref<1x128xf32, #tpu.memory_space<vmem>> -> memref<128xf32, #tpu.memory_space<vmem>>
        %dma_wait3A_100 = arith.constant 0 : i32
        %dma_wait3A_101 = tpu.memref_slice %arg10[%add3A_96, %dma_wait3A_100] : memref<16x128xi32, #tpu.memory_space<vmem>> -> memref<1x128xi32, #tpu.memory_space<vmem>>
        %dma_wait3A_102 = tpu.memref_squeeze %dma_wait3A_101 : memref<1x128xi32, #tpu.memory_space<vmem>> -> memref<128xi32, #tpu.memory_space<vmem>>
        %dma_wait3A_103 = arith.constant 0 : i32
        %dma_wait3A_104 = tpu.memref_slice %arg17[%dma_wait3A_103] : memref<100352xf32, #tpu.memory_space<vmem_shared>> -> memref<100352xf32, #tpu.memory_space<vmem_shared>>
        tpu.wait_indirect_dma semaphore(%arg20 : memref<!tpu.dma_semaphore, #tpu.memory_space<semaphore_mem>>) src(%dma_wait3A_99 : memref<128xf32, #tpu.memory_space<vmem>>) dst(%dma_wait3A_104 : memref<100352xf32, #tpu.memory_space<vmem_shared>>)
      }
      %scan3A_81 = arith.constant 16 : i32
      %lt3A_82 = arith.constant 3125 : i32
      %lt3A_83 = arith.cmpi slt, %add3A_56, %lt3A_82 : i32
      %convert_element_type3A_84 = arith.extui %lt3A_83 : i1 to i32
      %cond3A_85 = arith.constant 0 : i32
      %cond3A_86 = arith.cmpi ne, %convert_element_type3A_84, %cond3A_85 : i32
      scf.if %cond3A_86 {
        %mul3A_92 = arith.constant 16 : i32
        %mul3A_93 = arith.muli %add3A_56, %mul3A_92 : i32
        %dma_start3A_94 = arith.constant 0 : i32
        %dma_start3A_95 = tpu.memref_slice %arg3[%mul3A_93, %dma_start3A_94] : memref<50000x128xf32, #tpu.memory_space<hbm>> -> memref<16x128xf32, #tpu.memory_space<hbm>>
        %dma_start3A_96 = arith.constant 0 : i32
        %dma_start3A_97 = tpu.memref_slice %arg3[%mul3A_93, %dma_start3A_96] : memref<50000x128xf32, #tpu.memory_space<hbm>> -> memref<16x128xf32, #tpu.memory_space<hbm>>
        tpu.enqueue_dma source(%dma_start3A_97 : memref<16x128xf32, #tpu.memory_space<hbm>>) target(%arg8 : memref<16x128xf32, #tpu.memory_space<vmem>>) target_semaphore(%arg18 : memref<!tpu.dma_semaphore, #tpu.memory_space<semaphore_mem>>)
        %dma_start3A_98 = arith.constant 0 : i32
        %dma_start3A_99 = tpu.memref_slice %arg4[%mul3A_93, %dma_start3A_98] : memref<50000x128xi32, #tpu.memory_space<hbm>> -> memref<16x128xi32, #tpu.memory_space<hbm>>
        %dma_start3A_100 = arith.constant 0 : i32
        %dma_start3A_101 = tpu.memref_slice %arg4[%mul3A_93, %dma_start3A_100] : memref<50000x128xi32, #tpu.memory_space<hbm>> -> memref<16x128xi32, #tpu.memory_space<hbm>>
        tpu.enqueue_dma source(%dma_start3A_101 : memref<16x128xi32, #tpu.memory_space<hbm>>) target(%arg10 : memref<16x128xi32, #tpu.memory_space<vmem>>) target_semaphore(%arg18 : memref<!tpu.dma_semaphore, #tpu.memory_space<semaphore_mem>>)
        %dma_start3A_102 = arith.constant 0 : i32
        %dma_start3A_103 = tpu.memref_slice %arg5[%mul3A_93, %dma_start3A_102] : memref<50000x128xi32, #tpu.memory_space<hbm>> -> memref<16x128xi32, #tpu.memory_space<hbm>>
        %dma_start3A_104 = arith.constant 0 : i32
        %dma_start3A_105 = tpu.memref_slice %arg5[%mul3A_93, %dma_start3A_104] : memref<50000x128xi32, #tpu.memory_space<hbm>> -> memref<16x128xi32, #tpu.memory_space<hbm>>
        tpu.enqueue_dma source(%dma_start3A_105 : memref<16x128xi32, #tpu.memory_space<hbm>>) target(%arg12 : memref<16x128xi32, #tpu.memory_space<vmem>>) target_semaphore(%arg18 : memref<!tpu.dma_semaphore, #tpu.memory_space<semaphore_mem>>)
      } else {
      }
      %lt3A_87 = arith.constant 3125 : i32
      %lt3A_88 = arith.cmpi slt, %add3A_54, %lt3A_87 : i32
      %convert_element_type3A_89 = arith.extui %lt3A_88 : i1 to i32
      %cond3A_90 = arith.constant 0 : i32
      %cond3A_91 = arith.cmpi ne, %convert_element_type3A_89, %cond3A_90 : i32
      scf.if %cond3A_91 {
        %mul3A_92 = arith.constant 16 : i32
        %mul3A_93 = arith.muli %add3A_54, %mul3A_92 : i32
        %dma_wait3A_94 = arith.constant 0 : i32
        %dma_wait3A_95 = tpu.memref_slice %arg3[%mul3A_93, %dma_wait3A_94] : memref<50000x128xf32, #tpu.memory_space<hbm>> -> memref<16x128xf32, #tpu.memory_space<hbm>>
        %dma_wait3A_96 = arith.constant 0 : i32
        %dma_wait3A_97 = tpu.memref_slice %arg3[%mul3A_93, %dma_wait3A_96] : memref<50000x128xf32, #tpu.memory_space<hbm>> -> memref<16x128xf32, #tpu.memory_space<hbm>>
        tpu.wait_dma2 semaphore(%arg19 : memref<!tpu.dma_semaphore, #tpu.memory_space<semaphore_mem>>) src(%dma_wait3A_97 : memref<16x128xf32, #tpu.memory_space<hbm>>) dst(%arg9 : memref<16x128xf32, #tpu.memory_space<vmem>>)
        %dma_wait3A_98 = arith.constant 0 : i32
        %dma_wait3A_99 = tpu.memref_slice %arg4[%mul3A_93, %dma_wait3A_98] : memref<50000x128xi32, #tpu.memory_space<hbm>> -> memref<16x128xi32, #tpu.memory_space<hbm>>
        %dma_wait3A_100 = arith.constant 0 : i32
        %dma_wait3A_101 = tpu.memref_slice %arg4[%mul3A_93, %dma_wait3A_100] : memref<50000x128xi32, #tpu.memory_space<hbm>> -> memref<16x128xi32, #tpu.memory_space<hbm>>
        tpu.wait_dma2 semaphore(%arg19 : memref<!tpu.dma_semaphore, #tpu.memory_space<semaphore_mem>>) src(%dma_wait3A_101 : memref<16x128xi32, #tpu.memory_space<hbm>>) dst(%arg11 : memref<16x128xi32, #tpu.memory_space<vmem>>)
        %dma_wait3A_102 = arith.constant 0 : i32
        %dma_wait3A_103 = tpu.memref_slice %arg5[%mul3A_93, %dma_wait3A_102] : memref<50000x128xi32, #tpu.memory_space<hbm>> -> memref<16x128xi32, #tpu.memory_space<hbm>>
        %dma_wait3A_104 = arith.constant 0 : i32
        %dma_wait3A_105 = tpu.memref_slice %arg5[%mul3A_93, %dma_wait3A_104] : memref<50000x128xi32, #tpu.memory_space<hbm>> -> memref<16x128xi32, #tpu.memory_space<hbm>>
        tpu.wait_dma2 semaphore(%arg19 : memref<!tpu.dma_semaphore, #tpu.memory_space<semaphore_mem>>) src(%dma_wait3A_105 : memref<16x128xi32, #tpu.memory_space<hbm>>) dst(%arg13 : memref<16x128xi32, #tpu.memory_space<vmem>>)
        %scan3A_106 = arith.constant 0 : i32
        %scan3A_107 = arith.constant 16 : i32
        %scan3A_108 = arith.addi %scan3A_106, %scan3A_107 : i32
        %scan3A_109 = arith.constant 1 : i32
        scf.for %scan3A_116 = %scan3A_106 to %scan3A_108 step %scan3A_109  : i32 {
          %mul3A_117 = arith.constant 1 : i32
          %mul3A_118 = arith.muli %scan3A_116, %mul3A_117 : i32
          %add3A_119 = arith.constant 0 : i32
          %add3A_120 = arith.addi %add3A_119, %mul3A_118 : i32
          %get3A = arith.index_cast %add3A_120 : i32 to index
          %get3A_121 = arith.constant 0 : index
          %get3A_122 = tpu.vector_load %arg9[%get3A, %get3A_121] {strides = array<i32>} : memref<16x128xf32, #tpu.memory_space<vmem>>, vector<16xf32>,
          %get3A_123 = arith.index_cast %add3A_120 : i32 to index
          %get3A_124 = arith.constant 0 : index
          %get3A_125 = tpu.vector_load %arg11[%get3A_123, %get3A_124] {strides = array<i32>} : memref<16x128xi32, #tpu.memory_space<vmem>>, vector<16xi32>,
          %gather3A = tpu.vector_load_idx %arg7[%get3A_125] : memref<100000xf32, #tpu.memory_space<vmem>>[vector<16xi32>], vector<16xf32>,
          %get3A_126 = arith.index_cast %add3A_120 : i32 to index
          %get3A_127 = arith.constant 0 : index
          %get3A_128 = tpu.vector_load %arg13[%get3A_126, %get3A_127] {strides = array<i32>} : memref<16x128xi32, #tpu.memory_space<vmem>>, vector<16xi32>,
          %gather3A_129 = tpu.vector_load_idx %arg7[%get3A_128] : memref<100000xf32, #tpu.memory_space<vmem>>[vector<16xi32>], vector<16xf32>,
          %mul3A_130 = arith.mulf %get3A_122, %get3A_122 : vector<16xf32>
          %add3A_131 = arith.constant 1.000000e+00 : f32
          %add3A_132 = vector.broadcast %add3A_131 : f32 to vector<16xf32>
          %add3A_133 = arith.addf %mul3A_130, %add3A_132 : vector<16xf32>
          %bitcast3A = vector.bitcast %add3A_133 : vector<16xf32> to vector<16xi32>
          %shift_right_arithmetic3A = arith.constant 1 : i32
          %shift_right_arithmetic3A_134 = vector.broadcast %shift_right_arithmetic3A : i32 to vector<16xi32>
          %shift_right_arithmetic3A_135 = arith.shrsi %bitcast3A, %shift_right_arithmetic3A_134 : vector<16xi32>
          %sub3A = arith.constant 1597463007 : i32
          %sub3A_136 = vector.broadcast %sub3A : i32 to vector<16xi32>
          %sub3A_137 = arith.subi %sub3A_136, %shift_right_arithmetic3A_135 : vector<16xi32>
          %bitcast3A_138 = vector.bitcast %sub3A_137 : vector<16xi32> to vector<16xf32>
          %mul3A_139 = arith.constant 5.000000e-01 : f32
          %mul3A_140 = vector.broadcast %mul3A_139 : f32 to vector<16xf32>
          %mul3A_141 = arith.mulf %mul3A_140, %add3A_133 : vector<16xf32>
          %mul3A_142 = arith.mulf %mul3A_141, %bitcast3A_138 : vector<16xf32>
          %mul3A_143 = arith.mulf %mul3A_142, %bitcast3A_138 : vector<16xf32>
          %sub3A_144 = arith.constant 1.500000e+00 : f32
          %sub3A_145 = vector.broadcast %sub3A_144 : f32 to vector<16xf32>
          %sub3A_146 = arith.subf %sub3A_145, %mul3A_143 : vector<16xf32>
          %mul3A_147 = arith.mulf %bitcast3A_138, %sub3A_146 : vector<16xf32>
          %mul3A_148 = arith.constant 5.000000e-01 : f32
          %mul3A_149 = vector.broadcast %mul3A_148 : f32 to vector<16xf32>
          %mul3A_150 = arith.mulf %mul3A_149, %add3A_133 : vector<16xf32>
          %mul3A_151 = arith.mulf %mul3A_150, %mul3A_147 : vector<16xf32>
          %mul3A_152 = arith.mulf %mul3A_151, %mul3A_147 : vector<16xf32>
          %sub3A_153 = arith.constant 1.500000e+00 : f32
          %sub3A_154 = vector.broadcast %sub3A_153 : f32 to vector<16xf32>
          %sub3A_155 = arith.subf %sub3A_154, %mul3A_152 : vector<16xf32>
          %mul3A_156 = arith.mulf %mul3A_147, %sub3A_155 : vector<16xf32>
          %div3A = arith.constant 1.000000e+00 : f32
          %div3A_157 = vector.broadcast %div3A : f32 to vector<16xf32>
          %div3A_158 = arith.divf %div3A_157, %get3A_122 : vector<16xf32>
          %mul3A_159 = arith.constant 0.0069444445 : f32
          %mul3A_160 = vector.broadcast %mul3A_159 : f32 to vector<16xf32>
          %mul3A_161 = arith.mulf %get3A_122, %mul3A_160 : vector<16xf32>
          %add3A_162 = arith.addf %div3A_158, %mul3A_161 : vector<16xf32>
          %sub3A_163 = arith.constant 0.166666672 : f32
          %sub3A_164 = vector.broadcast %sub3A_163 : f32 to vector<16xf32>
          %sub3A_165 = arith.subf %add3A_162, %sub3A_164 : vector<16xf32>
          %mul3A_166 = arith.constant 0.0069444445 : f32
          %mul3A_167 = vector.broadcast %mul3A_166 : f32 to vector<16xf32>
          %mul3A_168 = arith.mulf %add3A_133, %mul3A_167 : vector<16xf32>
          %add3A_169 = arith.constant 1.000000e+00 : f32
          %add3A_170 = vector.broadcast %add3A_169 : f32 to vector<16xf32>
          %add3A_171 = arith.addf %add3A_170, %mul3A_168 : vector<16xf32>
          %mul3A_172 = arith.mulf %mul3A_156, %add3A_171 : vector<16xf32>
          %sub3A_173 = arith.constant 0.166666672 : f32
          %sub3A_174 = vector.broadcast %sub3A_173 : f32 to vector<16xf32>
          %sub3A_175 = arith.subf %mul3A_172, %sub3A_174 : vector<16xf32>
          %mul3A_176 = arith.constant 2.500000e-01 : f32
          %mul3A_177 = vector.broadcast %mul3A_176 : f32 to vector<16xf32>
          %mul3A_178 = arith.mulf %get3A_122, %mul3A_177 : vector<16xf32>
          %mul3A_179 = arith.mulf %mul3A_178, %mul3A_178 : vector<16xf32>
          %mul3A_180 = arith.mulf %mul3A_179, %mul3A_178 : vector<16xf32>
          %mul3A_181 = arith.constant 1.500000e+01 : f32
          %mul3A_182 = vector.broadcast %mul3A_181 : f32 to vector<16xf32>
          %mul3A_183 = arith.mulf %mul3A_182, %mul3A_178 : vector<16xf32>
          %sub3A_184 = arith.constant 1.000000e+01 : f32
          %sub3A_185 = vector.broadcast %sub3A_184 : f32 to vector<16xf32>
          %sub3A_186 = arith.subf %sub3A_185, %mul3A_183 : vector<16xf32>
          %mul3A_187 = arith.constant 6.000000e+00 : f32
          %mul3A_188 = vector.broadcast %mul3A_187 : f32 to vector<16xf32>
          %mul3A_189 = arith.mulf %mul3A_188, %mul3A_179 : vector<16xf32>
          %add3A_190 = arith.addf %sub3A_186, %mul3A_189 : vector<16xf32>
          %mul3A_191 = arith.mulf %mul3A_180, %add3A_190 : vector<16xf32>
          %sub3A_192 = arith.constant 1.000000e+00 : f32
          %sub3A_193 = vector.broadcast %sub3A_192 : f32 to vector<16xf32>
          %sub3A_194 = arith.subf %sub3A_193, %mul3A_191 : vector<16xf32>
          %lt3A_195 = arith.constant 4.000000e+00 : f32
          %lt3A_196 = vector.broadcast %lt3A_195 : f32 to vector<16xf32>
          %lt3A_197 = arith.cmpf olt, %get3A_122, %lt3A_196 : vector<16xf32>
          %jit3A = arith.constant 0.000000e+00 : f32
          %broadcast_in_dim3A_198 = vector.broadcast %jit3A : f32 to vector<16xf32>
          %select_n3A = arith.select %lt3A_197, %sub3A_194, %broadcast_in_dim3A_198 : vector<16xi1>, vector<16xf32>
          %mul3A_199 = arith.constant 7.1998229 : f32
          %mul3A_200 = vector.broadcast %mul3A_199 : f32 to vector<16xf32>
          %mul3A_201 = arith.mulf %mul3A_200, %gather3A : vector<16xf32>
          %mul3A_202 = arith.mulf %mul3A_201, %gather3A_129 : vector<16xf32>
          %sub3A_203 = arith.subf %sub3A_165, %sub3A_175 : vector<16xf32>
          %mul3A_204 = arith.mulf %select_n3A, %sub3A_203 : vector<16xf32>
          %add3A_205 = arith.addf %sub3A_175, %mul3A_204 : vector<16xf32>
          %mul3A_206 = arith.mulf %mul3A_202, %add3A_205 : vector<16xf32>
          %le3A = arith.constant 1.200000e+01 : f32
          %le3A_207 = vector.broadcast %le3A : f32 to vector<16xf32>
          %le3A_208 = arith.cmpf ole, %get3A_122, %le3A_207 : vector<16xf32>
          %jit3A_209 = arith.constant 0.000000e+00 : f32
          %broadcast_in_dim3A_210 = vector.broadcast %jit3A_209 : f32 to vector<16xf32>
          %select_n3A_211 = arith.select %le3A_208, %mul3A_206, %broadcast_in_dim3A_210 : vector<16xi1>, vector<16xf32>
          %swap3A = arith.index_cast %add3A_120 : i32 to index
          %swap3A_212 = arith.constant 0 : index
          %swap3A_213 = tpu.vector_load %arg15[%swap3A, %swap3A_212] {strides = array<i32>} : memref<16x128xf32, #tpu.memory_space<vmem>>, vector<16xf32>,
          tpu.vector_store %arg15[%swap3A, %swap3A_212], %select_n3A_211 {strides = array<i32>} : memref<16x128xf32, #tpu.memory_space<vmem>>, vector<16xf32>,
          %get3A_214 = arith.index_cast %add3A_120 : i32 to index
          %get3A_215 = arith.constant 16 : index
          %get3A_216 = tpu.vector_load %arg9[%get3A_214, %get3A_215] {strides = array<i32>} : memref<16x128xf32, #tpu.memory_space<vmem>>, vector<16xf32>,
          %get3A_217 = arith.index_cast %add3A_120 : i32 to index
          %get3A_218 = arith.constant 16 : index
          %get3A_219 = tpu.vector_load %arg11[%get3A_217, %get3A_218] {strides = array<i32>} : memref<16x128xi32, #tpu.memory_space<vmem>>, vector<16xi32>,
          %gather3A_220 = tpu.vector_load_idx %arg7[%get3A_219] : memref<100000xf32, #tpu.memory_space<vmem>>[vector<16xi32>], vector<16xf32>,
          %get3A_221 = arith.index_cast %add3A_120 : i32 to index
          %get3A_222 = arith.constant 16 : index
          %get3A_223 = tpu.vector_load %arg13[%get3A_221, %get3A_222] {strides = array<i32>} : memref<16x128xi32, #tpu.memory_space<vmem>>, vector<16xi32>,
          %gather3A_224 = tpu.vector_load_idx %arg7[%get3A_223] : memref<100000xf32, #tpu.memory_space<vmem>>[vector<16xi32>], vector<16xf32>,
          %mul3A_225 = arith.mulf %get3A_216, %get3A_216 : vector<16xf32>
          %add3A_226 = arith.constant 1.000000e+00 : f32
          %add3A_227 = vector.broadcast %add3A_226 : f32 to vector<16xf32>
          %add3A_228 = arith.addf %mul3A_225, %add3A_227 : vector<16xf32>
          %bitcast3A_229 = vector.bitcast %add3A_228 : vector<16xf32> to vector<16xi32>
          %shift_right_arithmetic3A_230 = arith.constant 1 : i32
          %shift_right_arithmetic3A_231 = vector.broadcast %shift_right_arithmetic3A_230 : i32 to vector<16xi32>
          %shift_right_arithmetic3A_232 = arith.shrsi %bitcast3A_229, %shift_right_arithmetic3A_231 : vector<16xi32>
          %sub3A_233 = arith.constant 1597463007 : i32
          %sub3A_234 = vector.broadcast %sub3A_233 : i32 to vector<16xi32>
          %sub3A_235 = arith.subi %sub3A_234, %shift_right_arithmetic3A_232 : vector<16xi32>
          %bitcast3A_236 = vector.bitcast %sub3A_235 : vector<16xi32> to vector<16xf32>
          %mul3A_237 = arith.constant 5.000000e-01 : f32
          %mul3A_238 = vector.broadcast %mul3A_237 : f32 to vector<16xf32>
          %mul3A_239 = arith.mulf %mul3A_238, %add3A_228 : vector<16xf32>
          %mul3A_240 = arith.mulf %mul3A_239, %bitcast3A_236 : vector<16xf32>
          %mul3A_241 = arith.mulf %mul3A_240, %bitcast3A_236 : vector<16xf32>
          %sub3A_242 = arith.constant 1.500000e+00 : f32
          %sub3A_243 = vector.broadcast %sub3A_242 : f32 to vector<16xf32>
          %sub3A_244 = arith.subf %sub3A_243, %mul3A_241 : vector<16xf32>
          %mul3A_245 = arith.mulf %bitcast3A_236, %sub3A_244 : vector<16xf32>
          %mul3A_246 = arith.constant 5.000000e-01 : f32
          %mul3A_247 = vector.broadcast %mul3A_246 : f32 to vector<16xf32>
          %mul3A_248 = arith.mulf %mul3A_247, %add3A_228 : vector<16xf32>
          %mul3A_249 = arith.mulf %mul3A_248, %mul3A_245 : vector<16xf32>
          %mul3A_250 = arith.mulf %mul3A_249, %mul3A_245 : vector<16xf32>
          %sub3A_251 = arith.constant 1.500000e+00 : f32
          %sub3A_252 = vector.broadcast %sub3A_251 : f32 to vector<16xf32>
          %sub3A_253 = arith.subf %sub3A_252, %mul3A_250 : vector<16xf32>
          %mul3A_254 = arith.mulf %mul3A_245, %sub3A_253 : vector<16xf32>
          %div3A_255 = arith.constant 1.000000e+00 : f32
          %div3A_256 = vector.broadcast %div3A_255 : f32 to vector<16xf32>
          %div3A_257 = arith.divf %div3A_256, %get3A_216 : vector<16xf32>
          %mul3A_258 = arith.constant 0.0069444445 : f32
          %mul3A_259 = vector.broadcast %mul3A_258 : f32 to vector<16xf32>
          %mul3A_260 = arith.mulf %get3A_216, %mul3A_259 : vector<16xf32>
          %add3A_261 = arith.addf %div3A_257, %mul3A_260 : vector<16xf32>
          %sub3A_262 = arith.constant 0.166666672 : f32
          %sub3A_263 = vector.broadcast %sub3A_262 : f32 to vector<16xf32>
          %sub3A_264 = arith.subf %add3A_261, %sub3A_263 : vector<16xf32>
          %mul3A_265 = arith.constant 0.0069444445 : f32
          %mul3A_266 = vector.broadcast %mul3A_265 : f32 to vector<16xf32>
          %mul3A_267 = arith.mulf %add3A_228, %mul3A_266 : vector<16xf32>
          %add3A_268 = arith.constant 1.000000e+00 : f32
          %add3A_269 = vector.broadcast %add3A_268 : f32 to vector<16xf32>
          %add3A_270 = arith.addf %add3A_269, %mul3A_267 : vector<16xf32>
          %mul3A_271 = arith.mulf %mul3A_254, %add3A_270 : vector<16xf32>
          %sub3A_272 = arith.constant 0.166666672 : f32
          %sub3A_273 = vector.broadcast %sub3A_272 : f32 to vector<16xf32>
          %sub3A_274 = arith.subf %mul3A_271, %sub3A_273 : vector<16xf32>
          %mul3A_275 = arith.constant 2.500000e-01 : f32
          %mul3A_276 = vector.broadcast %mul3A_275 : f32 to vector<16xf32>
          %mul3A_277 = arith.mulf %get3A_216, %mul3A_276 : vector<16xf32>
          %mul3A_278 = arith.mulf %mul3A_277, %mul3A_277 : vector<16xf32>
          %mul3A_279 = arith.mulf %mul3A_278, %mul3A_277 : vector<16xf32>
          %mul3A_280 = arith.constant 1.500000e+01 : f32
          %mul3A_281 = vector.broadcast %mul3A_280 : f32 to vector<16xf32>
          %mul3A_282 = arith.mulf %mul3A_281, %mul3A_277 : vector<16xf32>
          %sub3A_283 = arith.constant 1.000000e+01 : f32
          %sub3A_284 = vector.broadcast %sub3A_283 : f32 to vector<16xf32>
          %sub3A_285 = arith.subf %sub3A_284, %mul3A_282 : vector<16xf32>
          %mul3A_286 = arith.constant 6.000000e+00 : f32
          %mul3A_287 = vector.broadcast %mul3A_286 : f32 to vector<16xf32>
          %mul3A_288 = arith.mulf %mul3A_287, %mul3A_278 : vector<16xf32>
          %add3A_289 = arith.addf %sub3A_285, %mul3A_288 : vector<16xf32>
          %mul3A_290 = arith.mulf %mul3A_279, %add3A_289 : vector<16xf32>
          %sub3A_291 = arith.constant 1.000000e+00 : f32
          %sub3A_292 = vector.broadcast %sub3A_291 : f32 to vector<16xf32>
          %sub3A_293 = arith.subf %sub3A_292, %mul3A_290 : vector<16xf32>
          %lt3A_294 = arith.constant 4.000000e+00 : f32
          %lt3A_295 = vector.broadcast %lt3A_294 : f32 to vector<16xf32>
          %lt3A_296 = arith.cmpf olt, %get3A_216, %lt3A_295 : vector<16xf32>
          %jit3A_297 = arith.constant 0.000000e+00 : f32
          %broadcast_in_dim3A_298 = vector.broadcast %jit3A_297 : f32 to vector<16xf32>
          %select_n3A_299 = arith.select %lt3A_296, %sub3A_293, %broadcast_in_dim3A_298 : vector<16xi1>, vector<16xf32>
          %mul3A_300 = arith.constant 7.1998229 : f32
          %mul3A_301 = vector.broadcast %mul3A_300 : f32 to vector<16xf32>
          %mul3A_302 = arith.mulf %mul3A_301, %gather3A_220 : vector<16xf32>
          %mul3A_303 = arith.mulf %mul3A_302, %gather3A_224 : vector<16xf32>
          %sub3A_304 = arith.subf %sub3A_264, %sub3A_274 : vector<16xf32>
          %mul3A_305 = arith.mulf %select_n3A_299, %sub3A_304 : vector<16xf32>
          %add3A_306 = arith.addf %sub3A_274, %mul3A_305 : vector<16xf32>
          %mul3A_307 = arith.mulf %mul3A_303, %add3A_306 : vector<16xf32>
          %le3A_308 = arith.constant 1.200000e+01 : f32
          %le3A_309 = vector.broadcast %le3A_308 : f32 to vector<16xf32>
          %le3A_310 = arith.cmpf ole, %get3A_216, %le3A_309 : vector<16xf32>
          %jit3A_311 = arith.constant 0.000000e+00 : f32
          %broadcast_in_dim3A_312 = vector.broadcast %jit3A_311 : f32 to vector<16xf32>
          %select_n3A_313 = arith.select %le3A_310, %mul3A_307, %broadcast_in_dim3A_312 : vector<16xi1>, vector<16xf32>
          %swap3A_314 = arith.index_cast %add3A_120 : i32 to index
          %swap3A_315 = arith.constant 16 : index
          %swap3A_316 = tpu.vector_load %arg15[%swap3A_314, %swap3A_315] {strides = array<i32>} : memref<16x128xf32, #tpu.memory_space<vmem>>, vector<16xf32>,
          tpu.vector_store %arg15[%swap3A_314, %swap3A_315], %select_n3A_313 {strides = array<i32>} : memref<16x128xf32, #tpu.memory_space<vmem>>, vector<16xf32>,
          %get3A_317 = arith.index_cast %add3A_120 : i32 to index
          %get3A_318 = arith.constant 32 : index
          %get3A_319 = tpu.vector_load %arg9[%get3A_317, %get3A_318] {strides = array<i32>} : memref<16x128xf32, #tpu.memory_space<vmem>>, vector<16xf32>,
          %get3A_320 = arith.index_cast %add3A_120 : i32 to index
          %get3A_321 = arith.constant 32 : index
          %get3A_322 = tpu.vector_load %arg11[%get3A_320, %get3A_321] {strides = array<i32>} : memref<16x128xi32, #tpu.memory_space<vmem>>, vector<16xi32>,
          %gather3A_323 = tpu.vector_load_idx %arg7[%get3A_322] : memref<100000xf32, #tpu.memory_space<vmem>>[vector<16xi32>], vector<16xf32>,
          %get3A_324 = arith.index_cast %add3A_120 : i32 to index
          %get3A_325 = arith.constant 32 : index
          %get3A_326 = tpu.vector_load %arg13[%get3A_324, %get3A_325] {strides = array<i32>} : memref<16x128xi32, #tpu.memory_space<vmem>>, vector<16xi32>,
          %gather3A_327 = tpu.vector_load_idx %arg7[%get3A_326] : memref<100000xf32, #tpu.memory_space<vmem>>[vector<16xi32>], vector<16xf32>,
          %mul3A_328 = arith.mulf %get3A_319, %get3A_319 : vector<16xf32>
          %add3A_329 = arith.constant 1.000000e+00 : f32
          %add3A_330 = vector.broadcast %add3A_329 : f32 to vector<16xf32>
          %add3A_331 = arith.addf %mul3A_328, %add3A_330 : vector<16xf32>
          %bitcast3A_332 = vector.bitcast %add3A_331 : vector<16xf32> to vector<16xi32>
          %shift_right_arithmetic3A_333 = arith.constant 1 : i32
          %shift_right_arithmetic3A_334 = vector.broadcast %shift_right_arithmetic3A_333 : i32 to vector<16xi32>
          %shift_right_arithmetic3A_335 = arith.shrsi %bitcast3A_332, %shift_right_arithmetic3A_334 : vector<16xi32>
          %sub3A_336 = arith.constant 1597463007 : i32
          %sub3A_337 = vector.broadcast %sub3A_336 : i32 to vector<16xi32>
          %sub3A_338 = arith.subi %sub3A_337, %shift_right_arithmetic3A_335 : vector<16xi32>
          %bitcast3A_339 = vector.bitcast %sub3A_338 : vector<16xi32> to vector<16xf32>
          %mul3A_340 = arith.constant 5.000000e-01 : f32
          %mul3A_341 = vector.broadcast %mul3A_340 : f32 to vector<16xf32>
          %mul3A_342 = arith.mulf %mul3A_341, %add3A_331 : vector<16xf32>
          %mul3A_343 = arith.mulf %mul3A_342, %bitcast3A_339 : vector<16xf32>
          %mul3A_344 = arith.mulf %mul3A_343, %bitcast3A_339 : vector<16xf32>
          %sub3A_345 = arith.constant 1.500000e+00 : f32
          %sub3A_346 = vector.broadcast %sub3A_345 : f32 to vector<16xf32>
          %sub3A_347 = arith.subf %sub3A_346, %mul3A_344 : vector<16xf32>
          %mul3A_348 = arith.mulf %bitcast3A_339, %sub3A_347 : vector<16xf32>
          %mul3A_349 = arith.constant 5.000000e-01 : f32
          %mul3A_350 = vector.broadcast %mul3A_349 : f32 to vector<16xf32>
          %mul3A_351 = arith.mulf %mul3A_350, %add3A_331 : vector<16xf32>
          %mul3A_352 = arith.mulf %mul3A_351, %mul3A_348 : vector<16xf32>
          %mul3A_353 = arith.mulf %mul3A_352, %mul3A_348 : vector<16xf32>
          %sub3A_354 = arith.constant 1.500000e+00 : f32
          %sub3A_355 = vector.broadcast %sub3A_354 : f32 to vector<16xf32>
          %sub3A_356 = arith.subf %sub3A_355, %mul3A_353 : vector<16xf32>
          %mul3A_357 = arith.mulf %mul3A_348, %sub3A_356 : vector<16xf32>
          %div3A_358 = arith.constant 1.000000e+00 : f32
          %div3A_359 = vector.broadcast %div3A_358 : f32 to vector<16xf32>
          %div3A_360 = arith.divf %div3A_359, %get3A_319 : vector<16xf32>
          %mul3A_361 = arith.constant 0.0069444445 : f32
          %mul3A_362 = vector.broadcast %mul3A_361 : f32 to vector<16xf32>
          %mul3A_363 = arith.mulf %get3A_319, %mul3A_362 : vector<16xf32>
          %add3A_364 = arith.addf %div3A_360, %mul3A_363 : vector<16xf32>
          %sub3A_365 = arith.constant 0.166666672 : f32
          %sub3A_366 = vector.broadcast %sub3A_365 : f32 to vector<16xf32>
          %sub3A_367 = arith.subf %add3A_364, %sub3A_366 : vector<16xf32>
          %mul3A_368 = arith.constant 0.0069444445 : f32
          %mul3A_369 = vector.broadcast %mul3A_368 : f32 to vector<16xf32>
          %mul3A_370 = arith.mulf %add3A_331, %mul3A_369 : vector<16xf32>
          %add3A_371 = arith.constant 1.000000e+00 : f32
          %add3A_372 = vector.broadcast %add3A_371 : f32 to vector<16xf32>
          %add3A_373 = arith.addf %add3A_372, %mul3A_370 : vector<16xf32>
          %mul3A_374 = arith.mulf %mul3A_357, %add3A_373 : vector<16xf32>
          %sub3A_375 = arith.constant 0.166666672 : f32
          %sub3A_376 = vector.broadcast %sub3A_375 : f32 to vector<16xf32>
          %sub3A_377 = arith.subf %mul3A_374, %sub3A_376 : vector<16xf32>
          %mul3A_378 = arith.constant 2.500000e-01 : f32
          %mul3A_379 = vector.broadcast %mul3A_378 : f32 to vector<16xf32>
          %mul3A_380 = arith.mulf %get3A_319, %mul3A_379 : vector<16xf32>
          %mul3A_381 = arith.mulf %mul3A_380, %mul3A_380 : vector<16xf32>
          %mul3A_382 = arith.mulf %mul3A_381, %mul3A_380 : vector<16xf32>
          %mul3A_383 = arith.constant 1.500000e+01 : f32
          %mul3A_384 = vector.broadcast %mul3A_383 : f32 to vector<16xf32>
          %mul3A_385 = arith.mulf %mul3A_384, %mul3A_380 : vector<16xf32>
          %sub3A_386 = arith.constant 1.000000e+01 : f32
          %sub3A_387 = vector.broadcast %sub3A_386 : f32 to vector<16xf32>
          %sub3A_388 = arith.subf %sub3A_387, %mul3A_385 : vector<16xf32>
          %mul3A_389 = arith.constant 6.000000e+00 : f32
          %mul3A_390 = vector.broadcast %mul3A_389 : f32 to vector<16xf32>
          %mul3A_391 = arith.mulf %mul3A_390, %mul3A_381 : vector<16xf32>
          %add3A_392 = arith.addf %sub3A_388, %mul3A_391 : vector<16xf32>
          %mul3A_393 = arith.mulf %mul3A_382, %add3A_392 : vector<16xf32>
          %sub3A_394 = arith.constant 1.000000e+00 : f32
          %sub3A_395 = vector.broadcast %sub3A_394 : f32 to vector<16xf32>
          %sub3A_396 = arith.subf %sub3A_395, %mul3A_393 : vector<16xf32>
          %lt3A_397 = arith.constant 4.000000e+00 : f32
          %lt3A_398 = vector.broadcast %lt3A_397 : f32 to vector<16xf32>
          %lt3A_399 = arith.cmpf olt, %get3A_319, %lt3A_398 : vector<16xf32>
          %jit3A_400 = arith.constant 0.000000e+00 : f32
          %broadcast_in_dim3A_401 = vector.broadcast %jit3A_400 : f32 to vector<16xf32>
          %select_n3A_402 = arith.select %lt3A_399, %sub3A_396, %broadcast_in_dim3A_401 : vector<16xi1>, vector<16xf32>
          %mul3A_403 = arith.constant 7.1998229 : f32
          %mul3A_404 = vector.broadcast %mul3A_403 : f32 to vector<16xf32>
          %mul3A_405 = arith.mulf %mul3A_404, %gather3A_323 : vector<16xf32>
          %mul3A_406 = arith.mulf %mul3A_405, %gather3A_327 : vector<16xf32>
          %sub3A_407 = arith.subf %sub3A_367, %sub3A_377 : vector<16xf32>
          %mul3A_408 = arith.mulf %select_n3A_402, %sub3A_407 : vector<16xf32>
          %add3A_409 = arith.addf %sub3A_377, %mul3A_408 : vector<16xf32>
          %mul3A_410 = arith.mulf %mul3A_406, %add3A_409 : vector<16xf32>
          %le3A_411 = arith.constant 1.200000e+01 : f32
          %le3A_412 = vector.broadcast %le3A_411 : f32 to vector<16xf32>
          %le3A_413 = arith.cmpf ole, %get3A_319, %le3A_412 : vector<16xf32>
          %jit3A_414 = arith.constant 0.000000e+00 : f32
          %broadcast_in_dim3A_415 = vector.broadcast %jit3A_414 : f32 to vector<16xf32>
          %select_n3A_416 = arith.select %le3A_413, %mul3A_410, %broadcast_in_dim3A_415 : vector<16xi1>, vector<16xf32>
          %swap3A_417 = arith.index_cast %add3A_120 : i32 to index
          %swap3A_418 = arith.constant 32 : index
          %swap3A_419 = tpu.vector_load %arg15[%swap3A_417, %swap3A_418] {strides = array<i32>} : memref<16x128xf32, #tpu.memory_space<vmem>>, vector<16xf32>,
          tpu.vector_store %arg15[%swap3A_417, %swap3A_418], %select_n3A_416 {strides = array<i32>} : memref<16x128xf32, #tpu.memory_space<vmem>>, vector<16xf32>,
          %get3A_420 = arith.index_cast %add3A_120 : i32 to index
          %get3A_421 = arith.constant 48 : index
          %get3A_422 = tpu.vector_load %arg9[%get3A_420, %get3A_421] {strides = array<i32>} : memref<16x128xf32, #tpu.memory_space<vmem>>, vector<16xf32>,
          %get3A_423 = arith.index_cast %add3A_120 : i32 to index
          %get3A_424 = arith.constant 48 : index
          %get3A_425 = tpu.vector_load %arg11[%get3A_423, %get3A_424] {strides = array<i32>} : memref<16x128xi32, #tpu.memory_space<vmem>>, vector<16xi32>,
          %gather3A_426 = tpu.vector_load_idx %arg7[%get3A_425] : memref<100000xf32, #tpu.memory_space<vmem>>[vector<16xi32>], vector<16xf32>,
          %get3A_427 = arith.index_cast %add3A_120 : i32 to index
          %get3A_428 = arith.constant 48 : index
          %get3A_429 = tpu.vector_load %arg13[%get3A_427, %get3A_428] {strides = array<i32>} : memref<16x128xi32, #tpu.memory_space<vmem>>, vector<16xi32>,
          %gather3A_430 = tpu.vector_load_idx %arg7[%get3A_429] : memref<100000xf32, #tpu.memory_space<vmem>>[vector<16xi32>], vector<16xf32>,
          %mul3A_431 = arith.mulf %get3A_422, %get3A_422 : vector<16xf32>
          %add3A_432 = arith.constant 1.000000e+00 : f32
          %add3A_433 = vector.broadcast %add3A_432 : f32 to vector<16xf32>
          %add3A_434 = arith.addf %mul3A_431, %add3A_433 : vector<16xf32>
          %bitcast3A_435 = vector.bitcast %add3A_434 : vector<16xf32> to vector<16xi32>
          %shift_right_arithmetic3A_436 = arith.constant 1 : i32
          %shift_right_arithmetic3A_437 = vector.broadcast %shift_right_arithmetic3A_436 : i32 to vector<16xi32>
          %shift_right_arithmetic3A_438 = arith.shrsi %bitcast3A_435, %shift_right_arithmetic3A_437 : vector<16xi32>
          %sub3A_439 = arith.constant 1597463007 : i32
          %sub3A_440 = vector.broadcast %sub3A_439 : i32 to vector<16xi32>
          %sub3A_441 = arith.subi %sub3A_440, %shift_right_arithmetic3A_438 : vector<16xi32>
          %bitcast3A_442 = vector.bitcast %sub3A_441 : vector<16xi32> to vector<16xf32>
          %mul3A_443 = arith.constant 5.000000e-01 : f32
          %mul3A_444 = vector.broadcast %mul3A_443 : f32 to vector<16xf32>
          %mul3A_445 = arith.mulf %mul3A_444, %add3A_434 : vector<16xf32>
          %mul3A_446 = arith.mulf %mul3A_445, %bitcast3A_442 : vector<16xf32>
          %mul3A_447 = arith.mulf %mul3A_446, %bitcast3A_442 : vector<16xf32>
          %sub3A_448 = arith.constant 1.500000e+00 : f32
          %sub3A_449 = vector.broadcast %sub3A_448 : f32 to vector<16xf32>
          %sub3A_450 = arith.subf %sub3A_449, %mul3A_447 : vector<16xf32>
          %mul3A_451 = arith.mulf %bitcast3A_442, %sub3A_450 : vector<16xf32>
          %mul3A_452 = arith.constant 5.000000e-01 : f32
          %mul3A_453 = vector.broadcast %mul3A_452 : f32 to vector<16xf32>
          %mul3A_454 = arith.mulf %mul3A_453, %add3A_434 : vector<16xf32>
          %mul3A_455 = arith.mulf %mul3A_454, %mul3A_451 : vector<16xf32>
          %mul3A_456 = arith.mulf %mul3A_455, %mul3A_451 : vector<16xf32>
          %sub3A_457 = arith.constant 1.500000e+00 : f32
          %sub3A_458 = vector.broadcast %sub3A_457 : f32 to vector<16xf32>
          %sub3A_459 = arith.subf %sub3A_458, %mul3A_456 : vector<16xf32>
          %mul3A_460 = arith.mulf %mul3A_451, %sub3A_459 : vector<16xf32>
          %div3A_461 = arith.constant 1.000000e+00 : f32
          %div3A_462 = vector.broadcast %div3A_461 : f32 to vector<16xf32>
          %div3A_463 = arith.divf %div3A_462, %get3A_422 : vector<16xf32>
          %mul3A_464 = arith.constant 0.0069444445 : f32
          %mul3A_465 = vector.broadcast %mul3A_464 : f32 to vector<16xf32>
          %mul3A_466 = arith.mulf %get3A_422, %mul3A_465 : vector<16xf32>
          %add3A_467 = arith.addf %div3A_463, %mul3A_466 : vector<16xf32>
          %sub3A_468 = arith.constant 0.166666672 : f32
          %sub3A_469 = vector.broadcast %sub3A_468 : f32 to vector<16xf32>
          %sub3A_470 = arith.subf %add3A_467, %sub3A_469 : vector<16xf32>
          %mul3A_471 = arith.constant 0.0069444445 : f32
          %mul3A_472 = vector.broadcast %mul3A_471 : f32 to vector<16xf32>
          %mul3A_473 = arith.mulf %add3A_434, %mul3A_472 : vector<16xf32>
          %add3A_474 = arith.constant 1.000000e+00 : f32
          %add3A_475 = vector.broadcast %add3A_474 : f32 to vector<16xf32>
          %add3A_476 = arith.addf %add3A_475, %mul3A_473 : vector<16xf32>
          %mul3A_477 = arith.mulf %mul3A_460, %add3A_476 : vector<16xf32>
          %sub3A_478 = arith.constant 0.166666672 : f32
          %sub3A_479 = vector.broadcast %sub3A_478 : f32 to vector<16xf32>
          %sub3A_480 = arith.subf %mul3A_477, %sub3A_479 : vector<16xf32>
          %mul3A_481 = arith.constant 2.500000e-01 : f32
          %mul3A_482 = vector.broadcast %mul3A_481 : f32 to vector<16xf32>
          %mul3A_483 = arith.mulf %get3A_422, %mul3A_482 : vector<16xf32>
          %mul3A_484 = arith.mulf %mul3A_483, %mul3A_483 : vector<16xf32>
          %mul3A_485 = arith.mulf %mul3A_484, %mul3A_483 : vector<16xf32>
          %mul3A_486 = arith.constant 1.500000e+01 : f32
          %mul3A_487 = vector.broadcast %mul3A_486 : f32 to vector<16xf32>
          %mul3A_488 = arith.mulf %mul3A_487, %mul3A_483 : vector<16xf32>
          %sub3A_489 = arith.constant 1.000000e+01 : f32
          %sub3A_490 = vector.broadcast %sub3A_489 : f32 to vector<16xf32>
          %sub3A_491 = arith.subf %sub3A_490, %mul3A_488 : vector<16xf32>
          %mul3A_492 = arith.constant 6.000000e+00 : f32
          %mul3A_493 = vector.broadcast %mul3A_492 : f32 to vector<16xf32>
          %mul3A_494 = arith.mulf %mul3A_493, %mul3A_484 : vector<16xf32>
          %add3A_495 = arith.addf %sub3A_491, %mul3A_494 : vector<16xf32>
          %mul3A_496 = arith.mulf %mul3A_485, %add3A_495 : vector<16xf32>
          %sub3A_497 = arith.constant 1.000000e+00 : f32
          %sub3A_498 = vector.broadcast %sub3A_497 : f32 to vector<16xf32>
          %sub3A_499 = arith.subf %sub3A_498, %mul3A_496 : vector<16xf32>
          %lt3A_500 = arith.constant 4.000000e+00 : f32
          %lt3A_501 = vector.broadcast %lt3A_500 : f32 to vector<16xf32>
          %lt3A_502 = arith.cmpf olt, %get3A_422, %lt3A_501 : vector<16xf32>
          %jit3A_503 = arith.constant 0.000000e+00 : f32
          %broadcast_in_dim3A_504 = vector.broadcast %jit3A_503 : f32 to vector<16xf32>
          %select_n3A_505 = arith.select %lt3A_502, %sub3A_499, %broadcast_in_dim3A_504 : vector<16xi1>, vector<16xf32>
          %mul3A_506 = arith.constant 7.1998229 : f32
          %mul3A_507 = vector.broadcast %mul3A_506 : f32 to vector<16xf32>
          %mul3A_508 = arith.mulf %mul3A_507, %gather3A_426 : vector<16xf32>
          %mul3A_509 = arith.mulf %mul3A_508, %gather3A_430 : vector<16xf32>
          %sub3A_510 = arith.subf %sub3A_470, %sub3A_480 : vector<16xf32>
          %mul3A_511 = arith.mulf %select_n3A_505, %sub3A_510 : vector<16xf32>
          %add3A_512 = arith.addf %sub3A_480, %mul3A_511 : vector<16xf32>
          %mul3A_513 = arith.mulf %mul3A_509, %add3A_512 : vector<16xf32>
          %le3A_514 = arith.constant 1.200000e+01 : f32
          %le3A_515 = vector.broadcast %le3A_514 : f32 to vector<16xf32>
          %le3A_516 = arith.cmpf ole, %get3A_422, %le3A_515 : vector<16xf32>
          %jit3A_517 = arith.constant 0.000000e+00 : f32
          %broadcast_in_dim3A_518 = vector.broadcast %jit3A_517 : f32 to vector<16xf32>
          %select_n3A_519 = arith.select %le3A_516, %mul3A_513, %broadcast_in_dim3A_518 : vector<16xi1>, vector<16xf32>
          %swap3A_520 = arith.index_cast %add3A_120 : i32 to index
          %swap3A_521 = arith.constant 48 : index
          %swap3A_522 = tpu.vector_load %arg15[%swap3A_520, %swap3A_521] {strides = array<i32>} : memref<16x128xf32, #tpu.memory_space<vmem>>, vector<16xf32>,
          tpu.vector_store %arg15[%swap3A_520, %swap3A_521], %select_n3A_519 {strides = array<i32>} : memref<16x128xf32, #tpu.memory_space<vmem>>, vector<16xf32>,
          %get3A_523 = arith.index_cast %add3A_120 : i32 to index
          %get3A_524 = arith.constant 64 : index
          %get3A_525 = tpu.vector_load %arg9[%get3A_523, %get3A_524] {strides = array<i32>} : memref<16x128xf32, #tpu.memory_space<vmem>>, vector<16xf32>,
          %get3A_526 = arith.index_cast %add3A_120 : i32 to index
          %get3A_527 = arith.constant 64 : index
          %get3A_528 = tpu.vector_load %arg11[%get3A_526, %get3A_527] {strides = array<i32>} : memref<16x128xi32, #tpu.memory_space<vmem>>, vector<16xi32>,
          %gather3A_529 = tpu.vector_load_idx %arg7[%get3A_528] : memref<100000xf32, #tpu.memory_space<vmem>>[vector<16xi32>], vector<16xf32>,
          %get3A_530 = arith.index_cast %add3A_120 : i32 to index
          %get3A_531 = arith.constant 64 : index
          %get3A_532 = tpu.vector_load %arg13[%get3A_530, %get3A_531] {strides = array<i32>} : memref<16x128xi32, #tpu.memory_space<vmem>>, vector<16xi32>,
          %gather3A_533 = tpu.vector_load_idx %arg7[%get3A_532] : memref<100000xf32, #tpu.memory_space<vmem>>[vector<16xi32>], vector<16xf32>,
          %mul3A_534 = arith.mulf %get3A_525, %get3A_525 : vector<16xf32>
          %add3A_535 = arith.constant 1.000000e+00 : f32
          %add3A_536 = vector.broadcast %add3A_535 : f32 to vector<16xf32>
          %add3A_537 = arith.addf %mul3A_534, %add3A_536 : vector<16xf32>
          %bitcast3A_538 = vector.bitcast %add3A_537 : vector<16xf32> to vector<16xi32>
          %shift_right_arithmetic3A_539 = arith.constant 1 : i32
          %shift_right_arithmetic3A_540 = vector.broadcast %shift_right_arithmetic3A_539 : i32 to vector<16xi32>
          %shift_right_arithmetic3A_541 = arith.shrsi %bitcast3A_538, %shift_right_arithmetic3A_540 : vector<16xi32>
          %sub3A_542 = arith.constant 1597463007 : i32
          %sub3A_543 = vector.broadcast %sub3A_542 : i32 to vector<16xi32>
          %sub3A_544 = arith.subi %sub3A_543, %shift_right_arithmetic3A_541 : vector<16xi32>
          %bitcast3A_545 = vector.bitcast %sub3A_544 : vector<16xi32> to vector<16xf32>
          %mul3A_546 = arith.constant 5.000000e-01 : f32
          %mul3A_547 = vector.broadcast %mul3A_546 : f32 to vector<16xf32>
          %mul3A_548 = arith.mulf %mul3A_547, %add3A_537 : vector<16xf32>
          %mul3A_549 = arith.mulf %mul3A_548, %bitcast3A_545 : vector<16xf32>
          %mul3A_550 = arith.mulf %mul3A_549, %bitcast3A_545 : vector<16xf32>
          %sub3A_551 = arith.constant 1.500000e+00 : f32
          %sub3A_552 = vector.broadcast %sub3A_551 : f32 to vector<16xf32>
          %sub3A_553 = arith.subf %sub3A_552, %mul3A_550 : vector<16xf32>
          %mul3A_554 = arith.mulf %bitcast3A_545, %sub3A_553 : vector<16xf32>
          %mul3A_555 = arith.constant 5.000000e-01 : f32
          %mul3A_556 = vector.broadcast %mul3A_555 : f32 to vector<16xf32>
          %mul3A_557 = arith.mulf %mul3A_556, %add3A_537 : vector<16xf32>
          %mul3A_558 = arith.mulf %mul3A_557, %mul3A_554 : vector<16xf32>
          %mul3A_559 = arith.mulf %mul3A_558, %mul3A_554 : vector<16xf32>
          %sub3A_560 = arith.constant 1.500000e+00 : f32
          %sub3A_561 = vector.broadcast %sub3A_560 : f32 to vector<16xf32>
          %sub3A_562 = arith.subf %sub3A_561, %mul3A_559 : vector<16xf32>
          %mul3A_563 = arith.mulf %mul3A_554, %sub3A_562 : vector<16xf32>
          %div3A_564 = arith.constant 1.000000e+00 : f32
          %div3A_565 = vector.broadcast %div3A_564 : f32 to vector<16xf32>
          %div3A_566 = arith.divf %div3A_565, %get3A_525 : vector<16xf32>
          %mul3A_567 = arith.constant 0.0069444445 : f32
          %mul3A_568 = vector.broadcast %mul3A_567 : f32 to vector<16xf32>
          %mul3A_569 = arith.mulf %get3A_525, %mul3A_568 : vector<16xf32>
          %add3A_570 = arith.addf %div3A_566, %mul3A_569 : vector<16xf32>
          %sub3A_571 = arith.constant 0.166666672 : f32
          %sub3A_572 = vector.broadcast %sub3A_571 : f32 to vector<16xf32>
          %sub3A_573 = arith.subf %add3A_570, %sub3A_572 : vector<16xf32>
          %mul3A_574 = arith.constant 0.0069444445 : f32
          %mul3A_575 = vector.broadcast %mul3A_574 : f32 to vector<16xf32>
          %mul3A_576 = arith.mulf %add3A_537, %mul3A_575 : vector<16xf32>
          %add3A_577 = arith.constant 1.000000e+00 : f32
          %add3A_578 = vector.broadcast %add3A_577 : f32 to vector<16xf32>
          %add3A_579 = arith.addf %add3A_578, %mul3A_576 : vector<16xf32>
          %mul3A_580 = arith.mulf %mul3A_563, %add3A_579 : vector<16xf32>
          %sub3A_581 = arith.constant 0.166666672 : f32
          %sub3A_582 = vector.broadcast %sub3A_581 : f32 to vector<16xf32>
          %sub3A_583 = arith.subf %mul3A_580, %sub3A_582 : vector<16xf32>
          %mul3A_584 = arith.constant 2.500000e-01 : f32
          %mul3A_585 = vector.broadcast %mul3A_584 : f32 to vector<16xf32>
          %mul3A_586 = arith.mulf %get3A_525, %mul3A_585 : vector<16xf32>
          %mul3A_587 = arith.mulf %mul3A_586, %mul3A_586 : vector<16xf32>
          %mul3A_588 = arith.mulf %mul3A_587, %mul3A_586 : vector<16xf32>
          %mul3A_589 = arith.constant 1.500000e+01 : f32
          %mul3A_590 = vector.broadcast %mul3A_589 : f32 to vector<16xf32>
          %mul3A_591 = arith.mulf %mul3A_590, %mul3A_586 : vector<16xf32>
          %sub3A_592 = arith.constant 1.000000e+01 : f32
          %sub3A_593 = vector.broadcast %sub3A_592 : f32 to vector<16xf32>
          %sub3A_594 = arith.subf %sub3A_593, %mul3A_591 : vector<16xf32>
          %mul3A_595 = arith.constant 6.000000e+00 : f32
          %mul3A_596 = vector.broadcast %mul3A_595 : f32 to vector<16xf32>
          %mul3A_597 = arith.mulf %mul3A_596, %mul3A_587 : vector<16xf32>
          %add3A_598 = arith.addf %sub3A_594, %mul3A_597 : vector<16xf32>
          %mul3A_599 = arith.mulf %mul3A_588, %add3A_598 : vector<16xf32>
          %sub3A_600 = arith.constant 1.000000e+00 : f32
          %sub3A_601 = vector.broadcast %sub3A_600 : f32 to vector<16xf32>
          %sub3A_602 = arith.subf %sub3A_601, %mul3A_599 : vector<16xf32>
          %lt3A_603 = arith.constant 4.000000e+00 : f32
          %lt3A_604 = vector.broadcast %lt3A_603 : f32 to vector<16xf32>
          %lt3A_605 = arith.cmpf olt, %get3A_525, %lt3A_604 : vector<16xf32>
          %jit3A_606 = arith.constant 0.000000e+00 : f32
          %broadcast_in_dim3A_607 = vector.broadcast %jit3A_606 : f32 to vector<16xf32>
          %select_n3A_608 = arith.select %lt3A_605, %sub3A_602, %broadcast_in_dim3A_607 : vector<16xi1>, vector<16xf32>
          %mul3A_609 = arith.constant 7.1998229 : f32
          %mul3A_610 = vector.broadcast %mul3A_609 : f32 to vector<16xf32>
          %mul3A_611 = arith.mulf %mul3A_610, %gather3A_529 : vector<16xf32>
          %mul3A_612 = arith.mulf %mul3A_611, %gather3A_533 : vector<16xf32>
          %sub3A_613 = arith.subf %sub3A_573, %sub3A_583 : vector<16xf32>
          %mul3A_614 = arith.mulf %select_n3A_608, %sub3A_613 : vector<16xf32>
          %add3A_615 = arith.addf %sub3A_583, %mul3A_614 : vector<16xf32>
          %mul3A_616 = arith.mulf %mul3A_612, %add3A_615 : vector<16xf32>
          %le3A_617 = arith.constant 1.200000e+01 : f32
          %le3A_618 = vector.broadcast %le3A_617 : f32 to vector<16xf32>
          %le3A_619 = arith.cmpf ole, %get3A_525, %le3A_618 : vector<16xf32>
          %jit3A_620 = arith.constant 0.000000e+00 : f32
          %broadcast_in_dim3A_621 = vector.broadcast %jit3A_620 : f32 to vector<16xf32>
          %select_n3A_622 = arith.select %le3A_619, %mul3A_616, %broadcast_in_dim3A_621 : vector<16xi1>, vector<16xf32>
          %swap3A_623 = arith.index_cast %add3A_120 : i32 to index
          %swap3A_624 = arith.constant 64 : index
          %swap3A_625 = tpu.vector_load %arg15[%swap3A_623, %swap3A_624] {strides = array<i32>} : memref<16x128xf32, #tpu.memory_space<vmem>>, vector<16xf32>,
          tpu.vector_store %arg15[%swap3A_623, %swap3A_624], %select_n3A_622 {strides = array<i32>} : memref<16x128xf32, #tpu.memory_space<vmem>>, vector<16xf32>,
          %get3A_626 = arith.index_cast %add3A_120 : i32 to index
          %get3A_627 = arith.constant 80 : index
          %get3A_628 = tpu.vector_load %arg9[%get3A_626, %get3A_627] {strides = array<i32>} : memref<16x128xf32, #tpu.memory_space<vmem>>, vector<16xf32>,
          %get3A_629 = arith.index_cast %add3A_120 : i32 to index
          %get3A_630 = arith.constant 80 : index
          %get3A_631 = tpu.vector_load %arg11[%get3A_629, %get3A_630] {strides = array<i32>} : memref<16x128xi32, #tpu.memory_space<vmem>>, vector<16xi32>,
          %gather3A_632 = tpu.vector_load_idx %arg7[%get3A_631] : memref<100000xf32, #tpu.memory_space<vmem>>[vector<16xi32>], vector<16xf32>,
          %get3A_633 = arith.index_cast %add3A_120 : i32 to index
          %get3A_634 = arith.constant 80 : index
          %get3A_635 = tpu.vector_load %arg13[%get3A_633, %get3A_634] {strides = array<i32>} : memref<16x128xi32, #tpu.memory_space<vmem>>, vector<16xi32>,
          %gather3A_636 = tpu.vector_load_idx %arg7[%get3A_635] : memref<100000xf32, #tpu.memory_space<vmem>>[vector<16xi32>], vector<16xf32>,
          %mul3A_637 = arith.mulf %get3A_628, %get3A_628 : vector<16xf32>
          %add3A_638 = arith.constant 1.000000e+00 : f32
          %add3A_639 = vector.broadcast %add3A_638 : f32 to vector<16xf32>
          %add3A_640 = arith.addf %mul3A_637, %add3A_639 : vector<16xf32>
          %bitcast3A_641 = vector.bitcast %add3A_640 : vector<16xf32> to vector<16xi32>
          %shift_right_arithmetic3A_642 = arith.constant 1 : i32
          %shift_right_arithmetic3A_643 = vector.broadcast %shift_right_arithmetic3A_642 : i32 to vector<16xi32>
          %shift_right_arithmetic3A_644 = arith.shrsi %bitcast3A_641, %shift_right_arithmetic3A_643 : vector<16xi32>
          %sub3A_645 = arith.constant 1597463007 : i32
          %sub3A_646 = vector.broadcast %sub3A_645 : i32 to vector<16xi32>
          %sub3A_647 = arith.subi %sub3A_646, %shift_right_arithmetic3A_644 : vector<16xi32>
          %bitcast3A_648 = vector.bitcast %sub3A_647 : vector<16xi32> to vector<16xf32>
          %mul3A_649 = arith.constant 5.000000e-01 : f32
          %mul3A_650 = vector.broadcast %mul3A_649 : f32 to vector<16xf32>
          %mul3A_651 = arith.mulf %mul3A_650, %add3A_640 : vector<16xf32>
          %mul3A_652 = arith.mulf %mul3A_651, %bitcast3A_648 : vector<16xf32>
          %mul3A_653 = arith.mulf %mul3A_652, %bitcast3A_648 : vector<16xf32>
          %sub3A_654 = arith.constant 1.500000e+00 : f32
          %sub3A_655 = vector.broadcast %sub3A_654 : f32 to vector<16xf32>
          %sub3A_656 = arith.subf %sub3A_655, %mul3A_653 : vector<16xf32>
          %mul3A_657 = arith.mulf %bitcast3A_648, %sub3A_656 : vector<16xf32>
          %mul3A_658 = arith.constant 5.000000e-01 : f32
          %mul3A_659 = vector.broadcast %mul3A_658 : f32 to vector<16xf32>
          %mul3A_660 = arith.mulf %mul3A_659, %add3A_640 : vector<16xf32>
          %mul3A_661 = arith.mulf %mul3A_660, %mul3A_657 : vector<16xf32>
          %mul3A_662 = arith.mulf %mul3A_661, %mul3A_657 : vector<16xf32>
          %sub3A_663 = arith.constant 1.500000e+00 : f32
          %sub3A_664 = vector.broadcast %sub3A_663 : f32 to vector<16xf32>
          %sub3A_665 = arith.subf %sub3A_664, %mul3A_662 : vector<16xf32>
          %mul3A_666 = arith.mulf %mul3A_657, %sub3A_665 : vector<16xf32>
          %div3A_667 = arith.constant 1.000000e+00 : f32
          %div3A_668 = vector.broadcast %div3A_667 : f32 to vector<16xf32>
          %div3A_669 = arith.divf %div3A_668, %get3A_628 : vector<16xf32>
          %mul3A_670 = arith.constant 0.0069444445 : f32
          %mul3A_671 = vector.broadcast %mul3A_670 : f32 to vector<16xf32>
          %mul3A_672 = arith.mulf %get3A_628, %mul3A_671 : vector<16xf32>
          %add3A_673 = arith.addf %div3A_669, %mul3A_672 : vector<16xf32>
          %sub3A_674 = arith.constant 0.166666672 : f32
          %sub3A_675 = vector.broadcast %sub3A_674 : f32 to vector<16xf32>
          %sub3A_676 = arith.subf %add3A_673, %sub3A_675 : vector<16xf32>
          %mul3A_677 = arith.constant 0.0069444445 : f32
          %mul3A_678 = vector.broadcast %mul3A_677 : f32 to vector<16xf32>
          %mul3A_679 = arith.mulf %add3A_640, %mul3A_678 : vector<16xf32>
          %add3A_680 = arith.constant 1.000000e+00 : f32
          %add3A_681 = vector.broadcast %add3A_680 : f32 to vector<16xf32>
          %add3A_682 = arith.addf %add3A_681, %mul3A_679 : vector<16xf32>
          %mul3A_683 = arith.mulf %mul3A_666, %add3A_682 : vector<16xf32>
          %sub3A_684 = arith.constant 0.166666672 : f32
          %sub3A_685 = vector.broadcast %sub3A_684 : f32 to vector<16xf32>
          %sub3A_686 = arith.subf %mul3A_683, %sub3A_685 : vector<16xf32>
          %mul3A_687 = arith.constant 2.500000e-01 : f32
          %mul3A_688 = vector.broadcast %mul3A_687 : f32 to vector<16xf32>
          %mul3A_689 = arith.mulf %get3A_628, %mul3A_688 : vector<16xf32>
          %mul3A_690 = arith.mulf %mul3A_689, %mul3A_689 : vector<16xf32>
          %mul3A_691 = arith.mulf %mul3A_690, %mul3A_689 : vector<16xf32>
          %mul3A_692 = arith.constant 1.500000e+01 : f32
          %mul3A_693 = vector.broadcast %mul3A_692 : f32 to vector<16xf32>
          %mul3A_694 = arith.mulf %mul3A_693, %mul3A_689 : vector<16xf32>
          %sub3A_695 = arith.constant 1.000000e+01 : f32
          %sub3A_696 = vector.broadcast %sub3A_695 : f32 to vector<16xf32>
          %sub3A_697 = arith.subf %sub3A_696, %mul3A_694 : vector<16xf32>
          %mul3A_698 = arith.constant 6.000000e+00 : f32
          %mul3A_699 = vector.broadcast %mul3A_698 : f32 to vector<16xf32>
          %mul3A_700 = arith.mulf %mul3A_699, %mul3A_690 : vector<16xf32>
          %add3A_701 = arith.addf %sub3A_697, %mul3A_700 : vector<16xf32>
          %mul3A_702 = arith.mulf %mul3A_691, %add3A_701 : vector<16xf32>
          %sub3A_703 = arith.constant 1.000000e+00 : f32
          %sub3A_704 = vector.broadcast %sub3A_703 : f32 to vector<16xf32>
          %sub3A_705 = arith.subf %sub3A_704, %mul3A_702 : vector<16xf32>
          %lt3A_706 = arith.constant 4.000000e+00 : f32
          %lt3A_707 = vector.broadcast %lt3A_706 : f32 to vector<16xf32>
          %lt3A_708 = arith.cmpf olt, %get3A_628, %lt3A_707 : vector<16xf32>
          %jit3A_709 = arith.constant 0.000000e+00 : f32
          %broadcast_in_dim3A_710 = vector.broadcast %jit3A_709 : f32 to vector<16xf32>
          %select_n3A_711 = arith.select %lt3A_708, %sub3A_705, %broadcast_in_dim3A_710 : vector<16xi1>, vector<16xf32>
          %mul3A_712 = arith.constant 7.1998229 : f32
          %mul3A_713 = vector.broadcast %mul3A_712 : f32 to vector<16xf32>
          %mul3A_714 = arith.mulf %mul3A_713, %gather3A_632 : vector<16xf32>
          %mul3A_715 = arith.mulf %mul3A_714, %gather3A_636 : vector<16xf32>
          %sub3A_716 = arith.subf %sub3A_676, %sub3A_686 : vector<16xf32>
          %mul3A_717 = arith.mulf %select_n3A_711, %sub3A_716 : vector<16xf32>
          %add3A_718 = arith.addf %sub3A_686, %mul3A_717 : vector<16xf32>
          %mul3A_719 = arith.mulf %mul3A_715, %add3A_718 : vector<16xf32>
          %le3A_720 = arith.constant 1.200000e+01 : f32
          %le3A_721 = vector.broadcast %le3A_720 : f32 to vector<16xf32>
          %le3A_722 = arith.cmpf ole, %get3A_628, %le3A_721 : vector<16xf32>
          %jit3A_723 = arith.constant 0.000000e+00 : f32
          %broadcast_in_dim3A_724 = vector.broadcast %jit3A_723 : f32 to vector<16xf32>
          %select_n3A_725 = arith.select %le3A_722, %mul3A_719, %broadcast_in_dim3A_724 : vector<16xi1>, vector<16xf32>
          %swap3A_726 = arith.index_cast %add3A_120 : i32 to index
          %swap3A_727 = arith.constant 80 : index
          %swap3A_728 = tpu.vector_load %arg15[%swap3A_726, %swap3A_727] {strides = array<i32>} : memref<16x128xf32, #tpu.memory_space<vmem>>, vector<16xf32>,
          tpu.vector_store %arg15[%swap3A_726, %swap3A_727], %select_n3A_725 {strides = array<i32>} : memref<16x128xf32, #tpu.memory_space<vmem>>, vector<16xf32>,
          %get3A_729 = arith.index_cast %add3A_120 : i32 to index
          %get3A_730 = arith.constant 96 : index
          %get3A_731 = tpu.vector_load %arg9[%get3A_729, %get3A_730] {strides = array<i32>} : memref<16x128xf32, #tpu.memory_space<vmem>>, vector<16xf32>,
          %get3A_732 = arith.index_cast %add3A_120 : i32 to index
          %get3A_733 = arith.constant 96 : index
          %get3A_734 = tpu.vector_load %arg11[%get3A_732, %get3A_733] {strides = array<i32>} : memref<16x128xi32, #tpu.memory_space<vmem>>, vector<16xi32>,
          %gather3A_735 = tpu.vector_load_idx %arg7[%get3A_734] : memref<100000xf32, #tpu.memory_space<vmem>>[vector<16xi32>], vector<16xf32>,
          %get3A_736 = arith.index_cast %add3A_120 : i32 to index
          %get3A_737 = arith.constant 96 : index
          %get3A_738 = tpu.vector_load %arg13[%get3A_736, %get3A_737] {strides = array<i32>} : memref<16x128xi32, #tpu.memory_space<vmem>>, vector<16xi32>,
          %gather3A_739 = tpu.vector_load_idx %arg7[%get3A_738] : memref<100000xf32, #tpu.memory_space<vmem>>[vector<16xi32>], vector<16xf32>,
          %mul3A_740 = arith.mulf %get3A_731, %get3A_731 : vector<16xf32>
          %add3A_741 = arith.constant 1.000000e+00 : f32
          %add3A_742 = vector.broadcast %add3A_741 : f32 to vector<16xf32>
          %add3A_743 = arith.addf %mul3A_740, %add3A_742 : vector<16xf32>
          %bitcast3A_744 = vector.bitcast %add3A_743 : vector<16xf32> to vector<16xi32>
          %shift_right_arithmetic3A_745 = arith.constant 1 : i32
          %shift_right_arithmetic3A_746 = vector.broadcast %shift_right_arithmetic3A_745 : i32 to vector<16xi32>
          %shift_right_arithmetic3A_747 = arith.shrsi %bitcast3A_744, %shift_right_arithmetic3A_746 : vector<16xi32>
          %sub3A_748 = arith.constant 1597463007 : i32
          %sub3A_749 = vector.broadcast %sub3A_748 : i32 to vector<16xi32>
          %sub3A_750 = arith.subi %sub3A_749, %shift_right_arithmetic3A_747 : vector<16xi32>
          %bitcast3A_751 = vector.bitcast %sub3A_750 : vector<16xi32> to vector<16xf32>
          %mul3A_752 = arith.constant 5.000000e-01 : f32
          %mul3A_753 = vector.broadcast %mul3A_752 : f32 to vector<16xf32>
          %mul3A_754 = arith.mulf %mul3A_753, %add3A_743 : vector<16xf32>
          %mul3A_755 = arith.mulf %mul3A_754, %bitcast3A_751 : vector<16xf32>
          %mul3A_756 = arith.mulf %mul3A_755, %bitcast3A_751 : vector<16xf32>
          %sub3A_757 = arith.constant 1.500000e+00 : f32
          %sub3A_758 = vector.broadcast %sub3A_757 : f32 to vector<16xf32>
          %sub3A_759 = arith.subf %sub3A_758, %mul3A_756 : vector<16xf32>
          %mul3A_760 = arith.mulf %bitcast3A_751, %sub3A_759 : vector<16xf32>
          %mul3A_761 = arith.constant 5.000000e-01 : f32
          %mul3A_762 = vector.broadcast %mul3A_761 : f32 to vector<16xf32>
          %mul3A_763 = arith.mulf %mul3A_762, %add3A_743 : vector<16xf32>
          %mul3A_764 = arith.mulf %mul3A_763, %mul3A_760 : vector<16xf32>
          %mul3A_765 = arith.mulf %mul3A_764, %mul3A_760 : vector<16xf32>
          %sub3A_766 = arith.constant 1.500000e+00 : f32
          %sub3A_767 = vector.broadcast %sub3A_766 : f32 to vector<16xf32>
          %sub3A_768 = arith.subf %sub3A_767, %mul3A_765 : vector<16xf32>
          %mul3A_769 = arith.mulf %mul3A_760, %sub3A_768 : vector<16xf32>
          %div3A_770 = arith.constant 1.000000e+00 : f32
          %div3A_771 = vector.broadcast %div3A_770 : f32 to vector<16xf32>
          %div3A_772 = arith.divf %div3A_771, %get3A_731 : vector<16xf32>
          %mul3A_773 = arith.constant 0.0069444445 : f32
          %mul3A_774 = vector.broadcast %mul3A_773 : f32 to vector<16xf32>
          %mul3A_775 = arith.mulf %get3A_731, %mul3A_774 : vector<16xf32>
          %add3A_776 = arith.addf %div3A_772, %mul3A_775 : vector<16xf32>
          %sub3A_777 = arith.constant 0.166666672 : f32
          %sub3A_778 = vector.broadcast %sub3A_777 : f32 to vector<16xf32>
          %sub3A_779 = arith.subf %add3A_776, %sub3A_778 : vector<16xf32>
          %mul3A_780 = arith.constant 0.0069444445 : f32
          %mul3A_781 = vector.broadcast %mul3A_780 : f32 to vector<16xf32>
          %mul3A_782 = arith.mulf %add3A_743, %mul3A_781 : vector<16xf32>
          %add3A_783 = arith.constant 1.000000e+00 : f32
          %add3A_784 = vector.broadcast %add3A_783 : f32 to vector<16xf32>
          %add3A_785 = arith.addf %add3A_784, %mul3A_782 : vector<16xf32>
          %mul3A_786 = arith.mulf %mul3A_769, %add3A_785 : vector<16xf32>
          %sub3A_787 = arith.constant 0.166666672 : f32
          %sub3A_788 = vector.broadcast %sub3A_787 : f32 to vector<16xf32>
          %sub3A_789 = arith.subf %mul3A_786, %sub3A_788 : vector<16xf32>
          %mul3A_790 = arith.constant 2.500000e-01 : f32
          %mul3A_791 = vector.broadcast %mul3A_790 : f32 to vector<16xf32>
          %mul3A_792 = arith.mulf %get3A_731, %mul3A_791 : vector<16xf32>
          %mul3A_793 = arith.mulf %mul3A_792, %mul3A_792 : vector<16xf32>
          %mul3A_794 = arith.mulf %mul3A_793, %mul3A_792 : vector<16xf32>
          %mul3A_795 = arith.constant 1.500000e+01 : f32
          %mul3A_796 = vector.broadcast %mul3A_795 : f32 to vector<16xf32>
          %mul3A_797 = arith.mulf %mul3A_796, %mul3A_792 : vector<16xf32>
          %sub3A_798 = arith.constant 1.000000e+01 : f32
          %sub3A_799 = vector.broadcast %sub3A_798 : f32 to vector<16xf32>
          %sub3A_800 = arith.subf %sub3A_799, %mul3A_797 : vector<16xf32>
          %mul3A_801 = arith.constant 6.000000e+00 : f32
          %mul3A_802 = vector.broadcast %mul3A_801 : f32 to vector<16xf32>
          %mul3A_803 = arith.mulf %mul3A_802, %mul3A_793 : vector<16xf32>
          %add3A_804 = arith.addf %sub3A_800, %mul3A_803 : vector<16xf32>
          %mul3A_805 = arith.mulf %mul3A_794, %add3A_804 : vector<16xf32>
          %sub3A_806 = arith.constant 1.000000e+00 : f32
          %sub3A_807 = vector.broadcast %sub3A_806 : f32 to vector<16xf32>
          %sub3A_808 = arith.subf %sub3A_807, %mul3A_805 : vector<16xf32>
          %lt3A_809 = arith.constant 4.000000e+00 : f32
          %lt3A_810 = vector.broadcast %lt3A_809 : f32 to vector<16xf32>
          %lt3A_811 = arith.cmpf olt, %get3A_731, %lt3A_810 : vector<16xf32>
          %jit3A_812 = arith.constant 0.000000e+00 : f32
          %broadcast_in_dim3A_813 = vector.broadcast %jit3A_812 : f32 to vector<16xf32>
          %select_n3A_814 = arith.select %lt3A_811, %sub3A_808, %broadcast_in_dim3A_813 : vector<16xi1>, vector<16xf32>
          %mul3A_815 = arith.constant 7.1998229 : f32
          %mul3A_816 = vector.broadcast %mul3A_815 : f32 to vector<16xf32>
          %mul3A_817 = arith.mulf %mul3A_816, %gather3A_735 : vector<16xf32>
          %mul3A_818 = arith.mulf %mul3A_817, %gather3A_739 : vector<16xf32>
          %sub3A_819 = arith.subf %sub3A_779, %sub3A_789 : vector<16xf32>
          %mul3A_820 = arith.mulf %select_n3A_814, %sub3A_819 : vector<16xf32>
          %add3A_821 = arith.addf %sub3A_789, %mul3A_820 : vector<16xf32>
          %mul3A_822 = arith.mulf %mul3A_818, %add3A_821 : vector<16xf32>
          %le3A_823 = arith.constant 1.200000e+01 : f32
          %le3A_824 = vector.broadcast %le3A_823 : f32 to vector<16xf32>
          %le3A_825 = arith.cmpf ole, %get3A_731, %le3A_824 : vector<16xf32>
          %jit3A_826 = arith.constant 0.000000e+00 : f32
          %broadcast_in_dim3A_827 = vector.broadcast %jit3A_826 : f32 to vector<16xf32>
          %select_n3A_828 = arith.select %le3A_825, %mul3A_822, %broadcast_in_dim3A_827 : vector<16xi1>, vector<16xf32>
          %swap3A_829 = arith.index_cast %add3A_120 : i32 to index
          %swap3A_830 = arith.constant 96 : index
          %swap3A_831 = tpu.vector_load %arg15[%swap3A_829, %swap3A_830] {strides = array<i32>} : memref<16x128xf32, #tpu.memory_space<vmem>>, vector<16xf32>,
          tpu.vector_store %arg15[%swap3A_829, %swap3A_830], %select_n3A_828 {strides = array<i32>} : memref<16x128xf32, #tpu.memory_space<vmem>>, vector<16xf32>,
          %get3A_832 = arith.index_cast %add3A_120 : i32 to index
          %get3A_833 = arith.constant 112 : index
          %get3A_834 = tpu.vector_load %arg9[%get3A_832, %get3A_833] {strides = array<i32>} : memref<16x128xf32, #tpu.memory_space<vmem>>, vector<16xf32>,
          %get3A_835 = arith.index_cast %add3A_120 : i32 to index
          %get3A_836 = arith.constant 112 : index
          %get3A_837 = tpu.vector_load %arg11[%get3A_835, %get3A_836] {strides = array<i32>} : memref<16x128xi32, #tpu.memory_space<vmem>>, vector<16xi32>,
          %gather3A_838 = tpu.vector_load_idx %arg7[%get3A_837] : memref<100000xf32, #tpu.memory_space<vmem>>[vector<16xi32>], vector<16xf32>,
          %get3A_839 = arith.index_cast %add3A_120 : i32 to index
          %get3A_840 = arith.constant 112 : index
          %get3A_841 = tpu.vector_load %arg13[%get3A_839, %get3A_840] {strides = array<i32>} : memref<16x128xi32, #tpu.memory_space<vmem>>, vector<16xi32>,
          %gather3A_842 = tpu.vector_load_idx %arg7[%get3A_841] : memref<100000xf32, #tpu.memory_space<vmem>>[vector<16xi32>], vector<16xf32>,
          %mul3A_843 = arith.mulf %get3A_834, %get3A_834 : vector<16xf32>
          %add3A_844 = arith.constant 1.000000e+00 : f32
          %add3A_845 = vector.broadcast %add3A_844 : f32 to vector<16xf32>
          %add3A_846 = arith.addf %mul3A_843, %add3A_845 : vector<16xf32>
          %bitcast3A_847 = vector.bitcast %add3A_846 : vector<16xf32> to vector<16xi32>
          %shift_right_arithmetic3A_848 = arith.constant 1 : i32
          %shift_right_arithmetic3A_849 = vector.broadcast %shift_right_arithmetic3A_848 : i32 to vector<16xi32>
          %shift_right_arithmetic3A_850 = arith.shrsi %bitcast3A_847, %shift_right_arithmetic3A_849 : vector<16xi32>
          %sub3A_851 = arith.constant 1597463007 : i32
          %sub3A_852 = vector.broadcast %sub3A_851 : i32 to vector<16xi32>
          %sub3A_853 = arith.subi %sub3A_852, %shift_right_arithmetic3A_850 : vector<16xi32>
          %bitcast3A_854 = vector.bitcast %sub3A_853 : vector<16xi32> to vector<16xf32>
          %mul3A_855 = arith.constant 5.000000e-01 : f32
          %mul3A_856 = vector.broadcast %mul3A_855 : f32 to vector<16xf32>
          %mul3A_857 = arith.mulf %mul3A_856, %add3A_846 : vector<16xf32>
          %mul3A_858 = arith.mulf %mul3A_857, %bitcast3A_854 : vector<16xf32>
          %mul3A_859 = arith.mulf %mul3A_858, %bitcast3A_854 : vector<16xf32>
          %sub3A_860 = arith.constant 1.500000e+00 : f32
          %sub3A_861 = vector.broadcast %sub3A_860 : f32 to vector<16xf32>
          %sub3A_862 = arith.subf %sub3A_861, %mul3A_859 : vector<16xf32>
          %mul3A_863 = arith.mulf %bitcast3A_854, %sub3A_862 : vector<16xf32>
          %mul3A_864 = arith.constant 5.000000e-01 : f32
          %mul3A_865 = vector.broadcast %mul3A_864 : f32 to vector<16xf32>
          %mul3A_866 = arith.mulf %mul3A_865, %add3A_846 : vector<16xf32>
          %mul3A_867 = arith.mulf %mul3A_866, %mul3A_863 : vector<16xf32>
          %mul3A_868 = arith.mulf %mul3A_867, %mul3A_863 : vector<16xf32>
          %sub3A_869 = arith.constant 1.500000e+00 : f32
          %sub3A_870 = vector.broadcast %sub3A_869 : f32 to vector<16xf32>
          %sub3A_871 = arith.subf %sub3A_870, %mul3A_868 : vector<16xf32>
          %mul3A_872 = arith.mulf %mul3A_863, %sub3A_871 : vector<16xf32>
          %div3A_873 = arith.constant 1.000000e+00 : f32
          %div3A_874 = vector.broadcast %div3A_873 : f32 to vector<16xf32>
          %div3A_875 = arith.divf %div3A_874, %get3A_834 : vector<16xf32>
          %mul3A_876 = arith.constant 0.0069444445 : f32
          %mul3A_877 = vector.broadcast %mul3A_876 : f32 to vector<16xf32>
          %mul3A_878 = arith.mulf %get3A_834, %mul3A_877 : vector<16xf32>
          %add3A_879 = arith.addf %div3A_875, %mul3A_878 : vector<16xf32>
          %sub3A_880 = arith.constant 0.166666672 : f32
          %sub3A_881 = vector.broadcast %sub3A_880 : f32 to vector<16xf32>
          %sub3A_882 = arith.subf %add3A_879, %sub3A_881 : vector<16xf32>
          %mul3A_883 = arith.constant 0.0069444445 : f32
          %mul3A_884 = vector.broadcast %mul3A_883 : f32 to vector<16xf32>
          %mul3A_885 = arith.mulf %add3A_846, %mul3A_884 : vector<16xf32>
          %add3A_886 = arith.constant 1.000000e+00 : f32
          %add3A_887 = vector.broadcast %add3A_886 : f32 to vector<16xf32>
          %add3A_888 = arith.addf %add3A_887, %mul3A_885 : vector<16xf32>
          %mul3A_889 = arith.mulf %mul3A_872, %add3A_888 : vector<16xf32>
          %sub3A_890 = arith.constant 0.166666672 : f32
          %sub3A_891 = vector.broadcast %sub3A_890 : f32 to vector<16xf32>
          %sub3A_892 = arith.subf %mul3A_889, %sub3A_891 : vector<16xf32>
          %mul3A_893 = arith.constant 2.500000e-01 : f32
          %mul3A_894 = vector.broadcast %mul3A_893 : f32 to vector<16xf32>
          %mul3A_895 = arith.mulf %get3A_834, %mul3A_894 : vector<16xf32>
          %mul3A_896 = arith.mulf %mul3A_895, %mul3A_895 : vector<16xf32>
          %mul3A_897 = arith.mulf %mul3A_896, %mul3A_895 : vector<16xf32>
          %mul3A_898 = arith.constant 1.500000e+01 : f32
          %mul3A_899 = vector.broadcast %mul3A_898 : f32 to vector<16xf32>
          %mul3A_900 = arith.mulf %mul3A_899, %mul3A_895 : vector<16xf32>
          %sub3A_901 = arith.constant 1.000000e+01 : f32
          %sub3A_902 = vector.broadcast %sub3A_901 : f32 to vector<16xf32>
          %sub3A_903 = arith.subf %sub3A_902, %mul3A_900 : vector<16xf32>
          %mul3A_904 = arith.constant 6.000000e+00 : f32
          %mul3A_905 = vector.broadcast %mul3A_904 : f32 to vector<16xf32>
          %mul3A_906 = arith.mulf %mul3A_905, %mul3A_896 : vector<16xf32>
          %add3A_907 = arith.addf %sub3A_903, %mul3A_906 : vector<16xf32>
          %mul3A_908 = arith.mulf %mul3A_897, %add3A_907 : vector<16xf32>
          %sub3A_909 = arith.constant 1.000000e+00 : f32
          %sub3A_910 = vector.broadcast %sub3A_909 : f32 to vector<16xf32>
          %sub3A_911 = arith.subf %sub3A_910, %mul3A_908 : vector<16xf32>
          %lt3A_912 = arith.constant 4.000000e+00 : f32
          %lt3A_913 = vector.broadcast %lt3A_912 : f32 to vector<16xf32>
          %lt3A_914 = arith.cmpf olt, %get3A_834, %lt3A_913 : vector<16xf32>
          %jit3A_915 = arith.constant 0.000000e+00 : f32
          %broadcast_in_dim3A_916 = vector.broadcast %jit3A_915 : f32 to vector<16xf32>
          %select_n3A_917 = arith.select %lt3A_914, %sub3A_911, %broadcast_in_dim3A_916 : vector<16xi1>, vector<16xf32>
          %mul3A_918 = arith.constant 7.1998229 : f32
          %mul3A_919 = vector.broadcast %mul3A_918 : f32 to vector<16xf32>
          %mul3A_920 = arith.mulf %mul3A_919, %gather3A_838 : vector<16xf32>
          %mul3A_921 = arith.mulf %mul3A_920, %gather3A_842 : vector<16xf32>
          %sub3A_922 = arith.subf %sub3A_882, %sub3A_892 : vector<16xf32>
          %mul3A_923 = arith.mulf %select_n3A_917, %sub3A_922 : vector<16xf32>
          %add3A_924 = arith.addf %sub3A_892, %mul3A_923 : vector<16xf32>
          %mul3A_925 = arith.mulf %mul3A_921, %add3A_924 : vector<16xf32>
          %le3A_926 = arith.constant 1.200000e+01 : f32
          %le3A_927 = vector.broadcast %le3A_926 : f32 to vector<16xf32>
          %le3A_928 = arith.cmpf ole, %get3A_834, %le3A_927 : vector<16xf32>
          %jit3A_929 = arith.constant 0.000000e+00 : f32
          %broadcast_in_dim3A_930 = vector.broadcast %jit3A_929 : f32 to vector<16xf32>
          %select_n3A_931 = arith.select %le3A_928, %mul3A_925, %broadcast_in_dim3A_930 : vector<16xi1>, vector<16xf32>
          %swap3A_932 = arith.index_cast %add3A_120 : i32 to index
          %swap3A_933 = arith.constant 112 : index
          %swap3A_934 = tpu.vector_load %arg15[%swap3A_932, %swap3A_933] {strides = array<i32>} : memref<16x128xf32, #tpu.memory_space<vmem>>, vector<16xf32>,
          tpu.vector_store %arg15[%swap3A_932, %swap3A_933], %select_n3A_931 {strides = array<i32>} : memref<16x128xf32, #tpu.memory_space<vmem>>, vector<16xf32>,
          %dma_start3A_935 = arith.constant 0 : i32
          %dma_start3A_936 = tpu.memref_slice %arg15[%add3A_120, %dma_start3A_935] : memref<16x128xf32, #tpu.memory_space<vmem>> -> memref<1x128xf32, #tpu.memory_space<vmem>>
          %dma_start3A_937 = tpu.memref_squeeze %dma_start3A_936 : memref<1x128xf32, #tpu.memory_space<vmem>> -> memref<128xf32, #tpu.memory_space<vmem>>
          %dma_start3A_938 = arith.constant 0 : i32
          %dma_start3A_939 = tpu.memref_slice %arg11[%add3A_120, %dma_start3A_938] : memref<16x128xi32, #tpu.memory_space<vmem>> -> memref<1x128xi32, #tpu.memory_space<vmem>>
          %dma_start3A_940 = tpu.memref_squeeze %dma_start3A_939 : memref<1x128xi32, #tpu.memory_space<vmem>> -> memref<128xi32, #tpu.memory_space<vmem>>
          %dma_start3A_941 = arith.constant 0 : i32
          %dma_start3A_942 = tpu.memref_slice %arg17[%dma_start3A_941] : memref<100352xf32, #tpu.memory_space<vmem_shared>> -> memref<100352xf32, #tpu.memory_space<vmem_shared>>
          tpu.enqueue_indirect_dma source(%dma_start3A_937 : memref<128xf32, #tpu.memory_space<vmem>>) target(%dma_start3A_942 : memref<100352xf32, #tpu.memory_space<vmem_shared>>) offsets(%dma_start3A_940 : memref<128xi32, #tpu.memory_space<vmem>>) semaphore(%arg20 : memref<!tpu.dma_semaphore, #tpu.memory_space<semaphore_mem>>) {add = true}
        }
        %scan3A_110 = arith.constant 16 : i32
        %scan3A_111 = arith.constant 0 : i32
        %scan3A_112 = arith.constant 16 : i32
        %scan3A_113 = arith.addi %scan3A_111, %scan3A_112 : i32
        %scan3A_114 = arith.constant 1 : i32
        scf.for %scan3A_116 = %scan3A_111 to %scan3A_113 step %scan3A_114  : i32 {
          %mul3A_117 = arith.constant 1 : i32
          %mul3A_118 = arith.muli %scan3A_116, %mul3A_117 : i32
          %add3A_119 = arith.constant 0 : i32
          %add3A_120 = arith.addi %add3A_119, %mul3A_118 : i32
          %dma_wait3A_121 = arith.constant 0 : i32
          %dma_wait3A_122 = tpu.memref_slice %arg15[%add3A_120, %dma_wait3A_121] : memref<16x128xf32, #tpu.memory_space<vmem>> -> memref<1x128xf32, #tpu.memory_space<vmem>>
          %dma_wait3A_123 = tpu.memref_squeeze %dma_wait3A_122 : memref<1x128xf32, #tpu.memory_space<vmem>> -> memref<128xf32, #tpu.memory_space<vmem>>
          %dma_wait3A_124 = arith.constant 0 : i32
          %dma_wait3A_125 = tpu.memref_slice %arg11[%add3A_120, %dma_wait3A_124] : memref<16x128xi32, #tpu.memory_space<vmem>> -> memref<1x128xi32, #tpu.memory_space<vmem>>
          %dma_wait3A_126 = tpu.memref_squeeze %dma_wait3A_125 : memref<1x128xi32, #tpu.memory_space<vmem>> -> memref<128xi32, #tpu.memory_space<vmem>>
          %dma_wait3A_127 = arith.constant 0 : i32
          %dma_wait3A_128 = tpu.memref_slice %arg17[%dma_wait3A_127] : memref<100352xf32, #tpu.memory_space<vmem_shared>> -> memref<100352xf32, #tpu.memory_space<vmem_shared>>
          tpu.wait_indirect_dma semaphore(%arg20 : memref<!tpu.dma_semaphore, #tpu.memory_space<semaphore_mem>>) src(%dma_wait3A_123 : memref<128xf32, #tpu.memory_space<vmem>>) dst(%dma_wait3A_128 : memref<100352xf32, #tpu.memory_space<vmem_shared>>)
        }
        %scan3A_115 = arith.constant 16 : i32
      } else {
      }
    }
    %scan3A_39 = arith.constant 49 : i32
    %barrier3A_40 = arith.constant 0 : index
    tpu.barrier barrier_id(%barrier3A_40)
    %mul3A_41 = arith.constant 6272 : i32
    %mul3A_42 = arith.muli %arg1, %mul3A_41 : i32
    %mul3A_43 = arith.constant 6272 : i32
    %mul3A_44 = arith.muli %arg1, %mul3A_43 : i32
    "tpu.region"() ({
      %run_scoped3A = tpu.sem_alloc : memref<!tpu.dma_semaphore, #tpu.memory_space<semaphore_mem>>
      %dma_start3A_45 = tpu.memref_slice %arg6[%arg0, %mul3A_44] : memref<2x100352xf32, #tpu.memory_space<hbm>> -> memref<1x6272xf32, #tpu.memory_space<hbm>>
      %dma_start3A_46 = tpu.memref_squeeze %dma_start3A_45 : memref<1x6272xf32, #tpu.memory_space<hbm>> -> memref<6272xf32, #tpu.memory_space<hbm>>
      %dma_start3A_47 = tpu.memref_slice %arg17[%mul3A_42] : memref<100352xf32, #tpu.memory_space<vmem_shared>> -> memref<6272xf32, #tpu.memory_space<vmem_shared>>
      tpu.enqueue_dma source(%dma_start3A_47 : memref<6272xf32, #tpu.memory_space<vmem_shared>>) target(%dma_start3A_46 : memref<6272xf32, #tpu.memory_space<hbm>>) target_semaphore(%run_scoped3A : memref<!tpu.dma_semaphore, #tpu.memory_space<semaphore_mem>>)
      %dma_wait3A = tpu.memref_slice %arg6[%arg0, %mul3A_44] : memref<2x100352xf32, #tpu.memory_space<hbm>> -> memref<1x6272xf32, #tpu.memory_space<hbm>>
      %dma_wait3A_48 = tpu.memref_squeeze %dma_wait3A : memref<1x6272xf32, #tpu.memory_space<hbm>> -> memref<6272xf32, #tpu.memory_space<hbm>>
      %dma_wait3A_49 = tpu.memref_slice %arg17[%mul3A_42] : memref<100352xf32, #tpu.memory_space<vmem_shared>> -> memref<6272xf32, #tpu.memory_space<vmem_shared>>
      tpu.wait_dma2 semaphore(%run_scoped3A : memref<!tpu.dma_semaphore, #tpu.memory_space<semaphore_mem>>) src(%dma_wait3A_49 : memref<6272xf32, #tpu.memory_space<vmem_shared>>) dst(%dma_wait3A_48 : memref<6272xf32, #tpu.memory_space<hbm>>)
      tpu.yield
    }) : () -> ()
    return
  }
}

</mosaic_0001>

<sc_bundles>
// kernel: kernel.3.cloned.1.call-start
scs
__scs_entry_jumppad:
0x0: {  	(pc) =	sbr.rel $0x88, $3  }
0x1: {  	(tag) =	ssettag $0x0;
	lr =	simm.s32 $0x1  }
0x2: {  	[smem:$0x3F9D] =	sst lr;
	_ =	strace $0xD0000000  }
0x3: {  	_ = 	snop  }
0x4: {  	_ = 	snop  }
0x5: {  	_ = 	snop  }
0x6: {  	_ = 	snop  }
0x7: {  	_ = 	snop  }
__scs_overlays_trampoline_lowered:
0x8: {  	[smem:$0x3FAC] =	sst s0  }
0x9: {  	[smem:$0x3FAD] =	sst s1  }
0xa: {  	[smem:$0x3FAE] =	sst s2  }
0xb: {  	[smem:$0x3FAF] =	sst s3  }
0xc: {  	[smem:$0x3FB0] =	sst s4  }
0xd: {  	[smem:$0x3FB1] =	sst s5  }
0xe: {  	[smem:$0x3FB2] =	sst s6  }
0xf: {  	[smem:$0x3FB3] =	sst s7  }
0x10: {  	[smem:$0x3FB4] =	sst s8  }
0x11: {  	[smem:$0x3FB5] =	sst s9;
	s0 =	simm.s32 @!p0 $0x0  }
0x12: {  	s1 =	sld [smem:$0x3F9B];
	s0 =	simm.s32 @p0 $0x1  }
0x13: {  	[smem:$0x3FB6] =	sst s0;
	s0 =	simm.s32 @!p1 $0x0  }
0x14: {  	s2 =	sld [smem:$0x3F9A];
	s0 =	simm.s32 @p1 $0x1  }
0x15: {  	[smem:$0x3FB7] =	sst s0;
	s0 =	simm.s32 @!p2 $0x0  }
0x16: {  	s3 =	sld [smem:$0x3FDB];
	s0 =	simm.s32 @p2 $0x1  }
0x17: {  	s4 =	simm.s32 $0x1BF5;
	[smem:$0x3FB9] =	sst s0  }
0x18: {  	s0 =	sld [smem:$0x3F9C];
	_ =	swait.ge [sflag:s4], $0x0  }
0x19: {  	s7 =	sld [smem:$0x3F9D]  }
0x1a: {  	s8 =	sadd.s32 $0xFFFFE003, lr  }
0x1b: {  	s9 =	sadd.s32 $0xFFFFFEF7, lr;
	s5 =	simm.s32 $0xFFFFFFFF;
	p2 =	slt.u32 s8, $0xFFFFF086  }
0x1c: {  	p1 =	slt.u32 s9, $0xF7A;
	s5 =	simm.s32 @!p2 $0x0  }
0x1d: {  	s5 =	simm.s32 @p1 $0x1;
	p0 =	seq.s32 s7, s2  }
0x1e: {  	s7 =	smul.u32 @!p0 $0xF7A, s2;
	p2 =	seq.s32 @!p0 s5, $0x0  }
0x1f: {  	s9 =	smul.u32 $0xF7A, s1;
	s8 =	simm.s32 @!p0 $0x1BF5;
	p2 =	por !p2, p0  }
0x20: {  	[sflag:s8] =	ssyncset.s32 @!p0 $0xFFFFF086;
	s6 =	sadd.s32 @!p0 s3, s7;
	s7 =	simm.s32 @!p0 $0x108  }
0x21: {  	s3 =	sadd.s32 s3, s9;
	s6 =	sadd.s32 @!p0 $0x88, s6;
	s7 =	simm.s32 @p2 $0x1082  }
0x22: {  	[simem:s7], [sflag:s8] =	dma.local @!p0 [hbm:s6], $0xF7A  }
0x23: {  	s9 =	sor.u32 $0xD0000000, s2;
	s6 =	simm.s32 $0x108;
	_ =	swait.ge @!p0 [sflag:s8], $0x0  }
0x24: {  	s3 =	sadd.s32 $0x88, s3;
	s6 =	simm.s32 @!p1 $0x1082;
	[sflag:s4] =	ssyncset.s32 $0xFFFFF086  }
0x25: {  	[simem:s6], [sflag:s4] =	dma.local [hbm:s3], $0xF7A  }
0x26: {  	[smem:$0x3F9D] =	sst s1;
	(tag) =	ssettag s2;
	_ =	strace s9  }
0x27: {  	s1 =	sld [smem:$0x3FAD]  }
0x28: {  	s2 =	sld [smem:$0x3FAE]  }
0x29: {  	s4 =	sld [smem:$0x3FB0]  }
0x2a: {  	p0 =	seq.s32 s5, $0x0;
	s5 =	sld [smem:$0x3FB1]  }
0x2b: {  	s6 =	sld [smem:$0x3FB2]  }
0x2c: {  	s7 =	sld [smem:$0x3FB3]  }
0x2d: {  	s3 =	simm.s32 $0x108;
	s8 =	sld [smem:$0x3FB4]  }
0x2e: {  	s3 =	simm.s32 @!p0 $0x1082;
	s9 =	sld [smem:$0x3FB5]  }
0x2f: {  	lr =	sadd.s32 s0, s3;
	s0 =	sld [smem:$0x3FAC]  }
0x30: {  	s3 =	sld [smem:$0x3FAF]  }
0x31: {  	[smem:$0x3FB8] =	sst s10  }
0x32: {  	s10 =	sld [smem:$0x3FB6];
	_ =	sdelay $0x3  }
0x33: {  	p0 =	seq.s32 s10, $0x1;
	s10 =	sld [smem:$0x3FB8];
	_ =	sdelay $0x3  }
0x34: {  	[smem:$0x3FB8] =	sst s10  }
0x35: {  	s10 =	sld [smem:$0x3FB7];
	_ =	sdelay $0x3  }
0x36: {  	p1 =	seq.s32 s10, $0x1;
	s10 =	sld [smem:$0x3FB8];
	_ =	sdelay $0x3  }
0x37: {  	[smem:$0x3FB8] =	sst s10  }
0x38: {  	s10 =	sld [smem:$0x3FB9]  }
0x39: {  	_ = 	snop;
	(pc) =	sbr.ind lr, $3  }
0x3a: {  	_ = 	snop  }
0x3b: {  	_ = 	snop  }
0x3c: {  	p2 =	seq.s32 s10, $0x1;
	s10 =	sld [smem:$0x3FB8]  }
0x3d: {  	_ =	shalt  }
0x3e: {  	_ =	shalt  }
0x3f: {  	_ =	shalt  }
0x40: {  	_ =	shalt  }
0x41: {  	_ =	shalt  }
0x42: {  	_ =	shalt  }
0x43: {  	_ =	shalt  }
0x44: {  	_ =	shalt  }
0x45: {  	_ =	shalt  }
0x46: {  	_ =	shalt  }
0x47: {  	_ =	shalt  }
0x48: {  	_ =	shalt  }
0x49: {  	_ =	shalt  }
0x4a: {  	_ =	shalt  }
0x4b: {  	_ =	shalt  }
0x4c: {  	_ =	shalt  }
0x4d: {  	_ =	shalt  }
0x4e: {  	_ =	shalt  }
0x4f: {  	_ =	shalt  }
0x50: {  	_ =	shalt  }
0x51: {  	_ =	shalt  }
0x52: {  	_ =	shalt  }
0x53: {  	_ =	shalt  }
0x54: {  	_ =	shalt  }
0x55: {  	_ =	shalt  }
0x56: {  	_ =	shalt  }
0x57: {  	_ =	shalt  }
0x58: {  	_ =	shalt  }
0x59: {  	_ =	shalt  }
0x5a: {  	_ =	shalt  }
0x5b: {  	_ =	shalt  }
0x5c: {  	_ =	shalt  }
0x5d: {  	_ =	shalt  }
0x5e: {  	_ =	shalt  }
0x5f: {  	_ =	shalt  }
0x60: {  	_ =	shalt  }
0x61: {  	_ =	shalt  }
0x62: {  	_ =	shalt  }
0x63: {  	_ =	shalt  }
0x64: {  	_ =	shalt  }
0x65: {  	_ =	shalt  }
0x66: {  	_ =	shalt  }
0x67: {  	_ =	shalt  }
0x68: {  	_ =	shalt  }
0x69: {  	_ =	shalt  }
0x6a: {  	_ =	shalt  }
0x6b: {  	_ =	shalt  }
0x6c: {  	_ =	shalt  }
0x6d: {  	_ =	shalt  }
0x6e: {  	_ =	shalt  }
0x6f: {  	_ =	shalt  }
0x70: {  	_ =	shalt  }
0x71: {  	_ =	shalt  }
0x72: {  	_ =	shalt  }
0x73: {  	_ =	shalt  }
0x74: {  	_ =	shalt  }
0x75: {  	_ =	shalt  }
0x76: {  	_ =	shalt  }
0x77: {  	_ =	shalt  }
0x78: {  	_ =	shalt  }
0x79: {  	_ =	shalt  }
0x7a: {  	_ =	shalt  }
0x7b: {  	_ =	shalt  }
0x7c: {  	_ =	shalt  }
0x7d: {  	_ =	shalt  }
0x7e: {  	_ =	shalt  }
0x7f: {  	_ =	shalt  }
0x80: {  	_ =	shalt  }
0x81: {  	_ =	shalt  }
0x82: {  	_ =	shalt  }
0x83: {  	_ =	shalt  }
0x84: {  	_ =	shalt  }
0x85: {  	_ =	shalt  }
0x86: {  	_ =	shalt  }
0x87: {  	_ =	shalt  }
.Lfunc_end0:
.L_simem_size_0:
called_computation_lowered:
.L_overlay_start_0:
0x88: {  	s2 =	sld [smem:$0x3FD9]  }
0x89: {  	s3 =	sld [smem:$0x3FFE];
	_ =	sdelay $0x1  }
0x8a: {  	s1 =	srdreg.scid  }
0x8b: {  	s0 =	sand.u32 $0x1, s1  }
0x8c: {  	s17 =	sshll.u32 s0, $0xA;
	s2 =	sadd.s32 s3, s2  }
0x8d: {  	s2 =	sadd.s32 s2, s17  }
0x8e: {  	[smem:$0x3FC4] =	sst s2  }
0x8f: {  	_ = 	snop  }
0x90: {  	s2 =	sld [smem:$0x3FC9]  }
0x91: {  	s18 =	sld [smem:$0x3FC8]  }
0x92: {  	s4 =	sld [smem:$0x3FC7]  }
0x93: {  	s5 =	sld [smem:$0x3FC6];
	(tm) =	ssettm $0x1  }
0x94: {  	s6 =	sld [smem:$0x3FFB];
	_ =	sdelay $0x3  }
0x95: {  	_ =	strace s6  }
0x96: {  	s6 =	sld [smem:$0x3FFC];
	_ =	sdelay $0x3  }
0x97: {  	_ =	strace s6  }
0x98: {  	s6 =	sld [smem:$0x3FFD];
	_ =	sdelay $0x3  }
0x99: {  	_ =	strace s6  }
0x9a: {  	_ =	strace $0x8FFFFFFF  }
0x9b: {  	s19 =	sld [smem:$0x3FDB];
	_ =	sdelay $0x1  }
0x9c: {  	s7 =	simm.s32 $_scs_section_size  }
0x9d: {  	s8 =	simm.s32 $_size__tile_overlayer_lowered;
	s9 =	simm.s32 $_tile_overlayer_lowered  }
0x9e: {  	s22 =	simm.s32 $0x1BFF;
	s21 =	sshll.u32 s9, $0x1;
	s6 =	sadd.s32 s7, s19  }
0x9f: {  	s10 =	simm.s32 $0x0;
	s20 =	sshll.u32 s8, $0x1;
	s8 =	sadd.s32 s21, s6  }
0xa0: {  	[timem:s10], [sflag:s22] =	dma.local [hbm:s8], s20  }
0xa1: {  	_ =	swait.ge [sflag:s22], s20  }
0xa2: {  	s7 =	ssub.s32 $0x0, s20;
	[sflag:s22] =	ssyncset.done $0x0  }
0xa3: {  	[sflag:s22] =	ssyncadd.s32 s7;
	_ =	sdelay $0x1  }
0xa4: {  	s23 =	simm.s32 $0x1B8B  }
0xa5: {  	_ =	swait.ge [sflag:s23], $0x1  }
0xa6: {  	[sflag:s23] =	ssyncset.done $0x0  }
0xa7: {  	s25 =	simm.s32 $0x1B8E;
	s24 =	sld [smem:$0x3FFE];
	[sflag:s23] =	ssyncadd.s32 $0xFFFFFFFF  }
0xa8: {  	s26 =	simm.s32 $execute0_lowered;
	[smem:$0x3FD2] =	sst s25  }
0xa9: {  	s8 =	sshll.u32 s26, $0x1;
	_ =	strace $0x80000046;
	[dreg:$0x1] =	wrdreg $0xFFFFFFFF  }
0xaa: {  	s28 =	simm.s32 $_size_execute0_lowered;
	s6 =	sadd.s32 s6, s8;
	[dreg:$0x0] =	wrdreg $0x0  }
0xab: {  	s8 =	sshll.u32 s28, $0x1;
	[dreg:$0x2] =	wrdreg s6  }
0xac: {  	[dreg:$0x3] =	wrdreg s8  }
0xad: {  	[dreg:$0x4] =	wrdreg $0xC0  }
0xae: {  	_ =	task [dreg:s10], $0x5FFFF  }
0xaf: {  	[dreg:$0x1] =	wrdreg $0xFFFFFFFF  }
0xb0: {  	[dreg:$0x0] =	wrdreg $0x60  }
0xb1: {  	[dreg:$0x2] =	wrdreg s2  }
0xb2: {  	[dreg:$0x3] =	wrdreg s18  }
0xb3: {  	[dreg:$0x4] =	wrdreg s4  }
0xb4: {  	[dreg:$0x5] =	wrdreg s5  }
0xb5: {  	[dreg:$0x6] =	wrdreg s24  }
0xb6: {  	[dreg:$0x7] =	wrdreg $0x1CD800  }
0xb7: {  	[dreg:$0x8] =	wrdreg $0x9  }
0xb8: {  	_ =	task.clear_ibuf [dreg:s10], $0x9FFFF;
	_ =	strace $0x90000046  }
0xb9: {  	s29 =	simm.s32 $0x9;
	_ =	strace $0x80000048  }
0xba: {  	_ =	swait.ge [sflag:s29], $0x1  }
0xbb: {  	[sflag:s29] =	ssyncadd.s32 $0xFFFFFFFF  }
0xbc: {  	_ =	strace $0x90000048  }
0xbd: {  	_ =	sfence  }
0xbe: {  	s30 =	sld [smem:$0x0];
	_ =	sdelay $0x2  }
0xbf: {  	s31 =	sshll.u32 s1, $0xD;
	s1 =	sshrl.u32 s1, $0x2  }
0xc0: {  	s3 =	sand.u32 $0x4000, s31;
	s1 =	sadd.s32 s1, s30  }
0xc1: {  	s0 =	sor.u32 s3, s0;
	s1 =	sshll.u32 s1, $0x11  }
0xc2: {  	s0 =	sor.u32 s1, s0  }
0xc3: {  	s0 =	sadd.s32 $0x8F2B, s0  }
0xc4: {  	[sflag:s0] =	ssyncadd.remote.s32 $0x1  }
0xc5: {  	_ =	sfence.sel $0xFFFF  }
0xc6: {  	[dreg:$0x0] =	wrdreg $0xFFFFFFFF;
	(pc) =	sbr.abs _section_cstart, $3  }
0xc7: {  	[dreg:$0x1] =	wrdreg $0xFFFFFFFF  }
0xc8: {  	_ =	task.clear_ibuf [dreg:s10], $0x2FFFF;
	_ =	strace $0x9FFFFFFF  }
0xc9: {  	(tm) =	ssettm $0x7FFFFFFF  }
tec
execute0_lowered:
.L_overlay_start_1:
0x0: {  	(tag) =	ssettag $0x1  }
0x1: {  	s2 =	rddreg [dreg:$0x1]  }
0x2: {  	s3 =	rddreg [dreg:$0x2]  }
0x3: {  	s4 =	rddreg [dreg:$0x3]  }
0x4: {  	s0 =	rddreg [dreg:$0x4]  }
0x5: {  	s6 =	rddreg [dreg:$0x5]  }
0x6: {  	s1 =	srdreg.scid;
	s7 =	simm.s32 $0x0;
	s5 =	stileid.u32  }
0x7: {  	s18 =	simm.s32 $0x1C700;
	s19 =	simm.s32 $0x4;
	s20 =	simm.s32 $0x18700  }
0x8: {  	s21 =	simm.s32 $0x19700;
	s22 =	simm.s32 $0x1A700;
	s23 =	simm.s32 $0x1  }
0x9: {  	s24 =	simm.s32 $0x80;
	s25 =	simm.s32 $0x3;
	s26 =	simm.s32 $0x2  }
0xa: {  	s30 =	simm.s32 $0x0;
	s1 =	sand.u32 $0x1, s1;
	[smem:$0x7FF] =	sst s7  }
0xb: {  	s9 =	smul.u32 $0x6200, s5;
	s29 =	sshll.u32 s5, $0x1;
	s8 =	ssub.s32 $0x2, s1  }
0xc: {  	s13 =	smul.u32 $0x3100, s5;
	_ =	strace $0x80000047;
	s10 =	sshrl.u32 s8, $0x1  }
0xd: {  	s9 =	sshrl.u32 s9, $0x2;
	s17 =	ssub.s32 s8, s10;
	s8 =	sor.u32 s1, s29  }
.Ltmp0:
0xe: {  	s9 =	sadd.s32 s9, s6;
	s1 =	sshll.u32 s1, $0x7;
	(pc) =	sbr.rel .LBB2_1-.Ltmp0, $4  }
0xf: {  	s31 =	sadd.s32 $0x620, s9;
	s11 =	sadd.s32 $0xC40, s9;
	s12 =	sadd.s32 $0x1260, s9  }
0x10: {  	s15 =	sshll.u32 s8, $0x8;
	s1 =	sor.u32 s1, s13;
	s17 =	smax.u32 s17, $0x1  }
0x11: {  	[dreg:$0x7] =	wrdreg s31;
	s13 =	sadd.s32 s2, s15;
	s1 =	sshrl.u32 s1, $0x3  }
0x12: {  	v0 =	vimm.f32 $0.0e+00;
	s14 =	sadd.s32 s3, s15;
	s15 =	sadd.s32 s4, s15;
	s16 =	sadd.s32 s0, s1  }
.LBB2_13:
0x13: {  	s0 =	stileid.u32  }
0x14: {  	[bflag:$0x0] =	sbarrier.arrive $0xFFFF;
	s1 =	sshrl.u32 s9, $0x3;
	s30 =	sadd.s32 $0x1, s30  }
0x15: {  	s5 =	simm.s32 $0x20;
	s0 =	sshll.u32 s0, $0x6;
	p0 =	sne.s32 s30, s17  }
.Ltmp1:
0x16: {  	s10 =	simm.s32 $0x10;
	s0 =	sor.u32 $0x1C04, s0;
	(pc) =	sbr.rel @!p0 .LBB2_14-.Ltmp1, $4  }
0x17: {  	[hbm:s16@s5], [sflag:s0] =	dma.strided [spmem:s1@s10], $0x310, s23, $0x10   }
0x18: {  	_ =	swait.ge [sflag:s19], $0x310  }
0x19: {  	[sflag:s19] =	ssyncset.done $0x0  }
0x1a: {  	[sflag:s19] =	ssyncadd.s32 $0xFFFFFCF0  }
.LBB2_1:
0x1b: {  	s0 =	simm.s32 $0x40;
	s1 =	simm.s32 $0x0  }
.LBB2_2:
0x1c: {  	p0 =	sne.s32 s0, $0x1840;
	[tilespmem:s1+$0x1C700] =	vst v0;
	s1 =	smov.u32 s0;
	s0 =	sadd.s32 $0x40, s0  }
.Ltmp2:
0x1d: {  	(pc) =	sbr.rel @p0 .LBB2_2-.Ltmp2, $2  }
0x1e: {  	_ =	sdelay $0x2  }
0x1f: {  	s1 =	sshra.s32 s1, $0x2  }
0x20: {  	[tilespmem:s1+$0x1C700] =	vst v0  }
0x21: {  	[spmem:s9] =	stream.linear.scatter [tilespmem:s18], [sflag:$0x4], $0x620, $0x38;
	[tilespmem:$0x1E600] =	vst v63  }
0x22: {  	_ =	swait.ge [sflag:s19], $0x620  }
0x23: {  	[sflag:s19] =	ssyncset.done $0x0  }
0x24: {  	s0 =	rddreg [dreg:$0x7];
	[sflag:s19] =	ssyncadd.s32 $0xFFFFF9E0  }
0x25: {  	[spmem:s0] =	stream.linear.scatter [tilespmem:s18], [sflag:$0x4], $0x620, $0x38;
	[tilespmem:$0x1E600] =	vst v63  }
0x26: {  	_ =	swait.ge [sflag:s19], $0x620  }
0x27: {  	[sflag:s19] =	ssyncset.done $0x0  }
0x28: {  	[sflag:s19] =	ssyncadd.s32 $0xFFFFF9E0  }
0x29: {  	[spmem:s11] =	stream.linear.scatter [tilespmem:s18], [sflag:$0x4], $0x620, $0x38;
	[tilespmem:$0x1E600] =	vst v63  }
0x2a: {  	_ =	swait.ge [sflag:s19], $0x620  }
0x2b: {  	[sflag:s19] =	ssyncset.done $0x0  }
0x2c: {  	[sflag:s19] =	ssyncadd.s32 $0xFFFFF9E0  }
0x2d: {  	[spmem:s12] =	stream.linear.scatter [tilespmem:s18], [sflag:$0x4], $0x620, $0x38;
	[tilespmem:$0x1E600] =	vst v63  }
0x2e: {  	_ =	swait.ge [sflag:s19], $0x620  }
0x2f: {  	[sflag:s19] =	ssyncset.done $0x0  }
0x30: {  	[sflag:s19] =	ssyncadd.s32 $0xFFFFF9E0  }
0x31: {  	s31 =	simm.s32 $0x0;
	s29 =	rddreg [dreg:$0x0]  }
0x32: {  	[tilespmem:s31], [sflag:$0x4] =	stream.linear.gather [hbm4b:s29+s31], $0x18700, $0x38;
	[tilespmem:$0x1E600] =	vst v63  }
0x33: {  	_ =	swait.ge [sflag:s19], $0x18700  }
0x34: {  	[sflag:s19] =	ssyncset.done $0x0  }
0x35: {  	[sflag:s19] =	ssyncadd.s32 $0xFFFE7900  }
0x36: {  	[bflag:$0x0] =	sbarrier.arrive $0xFFFF  }
0x37: {  	[tilespmem:s20], [sflag:$0x1] =	stream.linear.gather [hbm4b:s13+s31], $0x800, $0x38;
	[tilespmem:$0x1E600] =	vst v63  }
.Ltmp3:
0x38: {  	_ = 	snop;
	(pc) =	sbr.rel .LBB2_4-.Ltmp3, $4  }
0x39: {  	_ = 	snop  }
0x3a: {  	[tilespmem:s21], [sflag:$0x1] =	stream.linear.gather [hbm4b:s14+s31], $0x800, $0x38;
	[tilespmem:$0x1E600] =	vst v63  }
0x3b: {  	_ = 	snop  }
0x3c: {  	[tilespmem:s22], [sflag:$0x1] =	stream.linear.gather [hbm4b:s15+s31], $0x800, $0x38;
	[tilespmem:$0x1E600] =	vst v63  }
.LBB2_12:
0x3d: {  	s31 =	sadd.s32 $0x1, s31  }
0x3e: {  	p0 =	sne.s32 s31, $0x31  }
.Ltmp4:
0x3f: {  	_ = 	snop;
	(pc) =	sbr.rel @!p0 .LBB2_13-.Ltmp4, $1  }
0x40: {  	_ =	sdelay $0x3  }
.LBB2_4:
0x41: {  	s0 =	sshll.u32 s31, $0x6  }
0x42: {  	s0 =	sor.u32 s8, s0  }
0x43: {  	s1 =	sor.u32 $0x20, s0  }
0x44: {  	p0 =	sgt.u32 s1, $0xC34  }
0x45: {  	s1 =	sshll.u32 @!p0 s1, $0x8  }
0x46: {  	s29 =	simm.s32 @!p0 $0x0;
	s5 =	simm.s32 @!p0 $0x18F00;
	s28 =	sadd.s32 @!p0 s2, s1  }
0x47: {  	[tilespmem:s5], [sflag:$0x2] =	stream.linear.gather @!p0 [hbm4b:s28+s29], $0x800, $0x38;
	[tilespmem:$0x1E600] =	vst v63  }
0x48: {  	s5 =	sadd.s32 @!p0 s3, s1;
	s28 =	simm.s32 @!p0 $0x19F00  }
0x49: {  	[tilespmem:s28], [sflag:$0x2] =	stream.linear.gather @!p0 [hbm4b:s5+s29], $0x800, $0x38;
	[tilespmem:$0x1E600] =	vst v63  }
0x4a: {  	s1 =	sadd.s32 @!p0 s4, s1;
	s5 =	simm.s32 @!p0 $0x1AF00  }
0x4b: {  	[tilespmem:s5], [sflag:$0x2] =	stream.linear.gather @!p0 [hbm4b:s1+s29], $0x800, $0x38;
	[tilespmem:$0x1E600] =	vst v63  }
0x4c: {  	_ =	swait.ge [sflag:s23], $0x800  }
0x4d: {  	[sflag:s23] =	ssyncset.done $0x0  }
0x4e: {  	[sflag:s23] =	ssyncadd.s32 $0xFFFFF800  }
0x4f: {  	_ =	swait.ge [sflag:s23], $0x800  }
0x50: {  	[sflag:s23] =	ssyncset.done $0x0  }
0x51: {  	[sflag:s23] =	ssyncadd.s32 $0xFFFFF800  }
0x52: {  	_ =	swait.ge [sflag:s23], $0x800  }
0x53: {  	[sflag:s23] =	ssyncset.done $0x0  }
0x54: {  	s1 =	simm.s32 $0x0;
	[sflag:s23] =	ssyncadd.s32 $0xFFFFF800  }
0x55: {  	v2 =	vld [tilespmem:s1+$0x18700];
	_ =	sdelay $0x4  }
0x56: {  	v1 =	vmul.f32 v2, v2;
	_ =	sdelay $0x1  }
0x57: {  	v4 =	vld [tilespmem:s1+$0x18710];
	v1 =	vadd.f32 $1.000000000e+00, v1;
	_ =	sdelay $0x1  }
0x58: {  	v3 =	vshra.s32 v1, $0x1;
	v5 =	vmul.f32 $5.000000000e-01, v1  }
0x59: {  	v3 =	vsub.s32 $0x5F3759DF, v3  }
0x5a: {  	v8 =	vmul.f32 v3, v5  }
0x5b: {  	(erf) = vrcp.f32 v4  }
0x5c: {  	v6 =	vmul.f32 $2.500000000e-01, v2;
	v8 =	vmul.f32 v3, v8  }
0x5d: {  	v7 =	vmul.f32 v4, v4;
	v11 =	vmul.f32 $2.500000000e-01, v4  }
0x5e: {  	v62 =	vmul.f32 $6.944444500e-03, v4;
	v14 =	vmul.f32 $6.944444500e-03, v1;
	v1 =	vsub.f32 $1.500000000e+00, v8  }
0x5f: {  	v23 =	vmul.f32 $6.944444500e-03, v2;
	(erf) = vrcp.f32 v2  }
0x60: {  	vm0 =	vle.f32 v2, $1.200000000e+01;
	v9 =	vmul.f32 v6, v6;
	v3 =	vmul.f32 v3, v1  }
0x61: {  	v10 =	vmul.f32 $1.500000000e+01, v6;
	v7 =	vadd.f32 $1.000000000e+00, v7;
	v27 =	vmul.f32 v11, v11  }
0x62: {  	vm2 =	vlt.f32 v2, $4.000000000e+00;
	v18 =	vmul.f32 $1.500000000e+01, v11;
	v5 =	vmul.f32 v3, v5  }
0x63: {  	v25 =	vld [tilespmem:s1+$0x19700];
	v12 =	vmul.f32 $6.000000000e+00, v9;
	v13 =	vshra.s32 v7, $0x1;
	v61 =	vmul.f32 $5.000000000e-01, v7  }
0x64: {  	v2 =	vld [tilespmem:s1+$0x18730];
	v6 =	vmul.f32 v9, v6;
	v63 =	vsub.s32 $0x5F3759DF, v13;
	v5 =	vmul.f32 v5, v3  }
0x65: {  	v17 =	vld [tilespmem:s1+$0x1A700];
	vm1 =	vlt.f32 v4, $4.000000000e+00;
	v7 =	vmul.f32 $6.944444500e-03, v7;
	v16 =	vmul.f32 v63, v61  }
0x66: {  	v19 =	vmul.f32 $6.000000000e+00, v27;
	v18 =	vsub.f32 $1.000000000e+01, v18;
	v5 =	vsub.f32 $1.500000000e+00, v5  }
0x67: {  	v10 =	vsub.f32 $1.000000000e+01, v10;
	v11 =	vmul.f32 v27, v11;
	v26 =	vmul.f32 v63, v16  }
0x68: {  	v29 =	vadd.f32 v19, v18;
	v15 =	vpop (erf);
	v1 =	vld [tilespmem:s1+$0x18720];
	v3 =	vmul.f32 v5, v3;
	v5 =	vadd.f32 $1.000000000e+00, v14  }
0x69: {  	v38 =	vmul.f32 v2, v2;
	v8 =	vadd.f32 v12, v10;
	v24 =	vpop (erf);
	v13 =	vsub.f32 $1.500000000e+00, v26  }
0x6a: {  	v40 =	vmul.f32 $2.500000000e-01, v2;
	v10 =	vadd.f32 v23, v24;
	v3 =	vmul.f32 v3, v5  }
0x6b: {  	v6 =	vmul.f32 v8, v6;
	v8 =	vadd.f32 v62, v15;
	v12 =	vmul.f32 v63, v13;
	v15 =	vld.idx.msk [tilespmem:v25+s7+$0x0], $0xffff  }
0x6c: {  	v22 =	vmul.f32 $6.944444500e-03, v2;
	v10 =	vadd.f32 $-1.666666720e-01, v10;
	v3 =	vadd.f32 $-1.666666720e-01, v3  }
0x6d: {  	v17 =	vld.idx.msk [tilespmem:v17+s7+$0x0], $0xffff;
	v6 =	vsub.f32 $1.000000000e+00, v6;
	v9 =	vmul.f32 v12, v61;
	v20 =	vmul.f32 v1, v1  }
0x6e: {  	v11 =	vmul.f32 v29, v11;
	v45 =	vmul.f32 v40, v40;
	v10 =	vsub.f32 v10, v3  }
0x6f: {  	v9 =	vmul.f32 v9, v12;
	v6 =	vnsel vm2, $0x0, v6;
	v28 =	vadd.f32 $1.000000000e+00, v20  }
0x70: {  	v35 =	vld [tilespmem:s1+$0x19710];
	vm4 =	vle.f32 v4, $1.200000000e+01;
	v15 =	vmul.f32 $7.199822900e+00, v15;
	v6 =	vmul.f32 v10, v6  }
0x71: {  	v9 =	vsub.f32 $1.500000000e+00, v9;
	v31 =	vshra.s32 v28, $0x1;
	v32 =	vmul.f32 $5.000000000e-01, v28  }
0x72: {  	v37 =	vld [tilespmem:s1+$0x1A710];
	v15 =	vmul.f32 v17, v15;
	v18 =	vsub.s32 $0x5F3759DF, v31;
	v3 =	vadd.f32 v6, v3  }
0x73: {  	v7 =	vadd.f32 $1.000000000e+00, v7;
	v9 =	vmul.f32 v9, v12;
	v34 =	vmul.f32 v18, v32  }
0x74: {  	vm6 =	vlt.f32 v2, $4.000000000e+00;
	v21 =	vmul.f32 $2.500000000e-01, v1;
	v3 =	vmul.f32 v3, v15  }
0x75: {  	v11 =	vsub.f32 $1.000000000e+00, v11;
	v36 =	vmul.f32 v18, v34;
	v6 =	vmul.f32 v9, v7  }
0x76: {  	v8 =	vadd.f32 $-1.666666720e-01, v8;
	v30 =	vmul.f32 v21, v21;
	v3 =	vnsel vm0, $0x0, v3  }
0x77: {  	v11 =	vnsel vm1, $0x0, v11;
	v7 =	vsub.f32 $1.500000000e+00, v36;
	v6 =	vadd.f32 $-1.666666720e-01, v6;
	[tilespmem:s1+$0x1B700] =	vst v3  }
0x78: {  	(erf) = vrcp.f32 v1;
	v16 =	vmul.f32 $6.000000000e+00, v30;
	v9 =	vadd.f32 $1.000000000e+00, v38;
	v14 =	vld.idx.msk [tilespmem:v35+s7+$0x0], $0xffff  }
0x79: {  	v39 =	vmul.f32 $6.944444500e-03, v28;
	v7 =	vmul.f32 v18, v7;
	v8 =	vsub.f32 v8, v6  }
0x7a: {  	v5 =	vmul.f32 $1.500000000e+01, v21;
	v41 =	vmul.f32 $5.000000000e-01, v9;
	v3 =	vshra.s32 v9, $0x1;
	v12 =	vld.idx.msk [tilespmem:v37+s7+$0x0], $0xffff  }
0x7b: {  	v18 =	vmul.f32 v7, v32;
	v8 =	vmul.f32 v8, v11;
	v42 =	vsub.s32 $0x5F3759DF, v3  }
0x7c: {  	v5 =	vsub.f32 $1.000000000e+01, v5;
	v3 =	vmul.f32 $1.500000000e+01, v40;
	v43 =	vmul.f32 v42, v41  }
0x7d: {  	v48 =	vld [tilespmem:s1+$0x19720];
	vm8 =	vle.f32 v2, $1.200000000e+01;
	v18 =	vmul.f32 v18, v7;
	v14 =	vmul.f32 $7.199822900e+00, v14  }
0x7e: {  	v5 =	vadd.f32 v16, v5;
	v46 =	vsub.f32 $1.000000000e+01, v3;
	v3 =	vld [tilespmem:s1+$0x18740];
	v16 =	vmul.f32 v42, v43  }
0x7f: {  	v18 =	vsub.f32 $1.500000000e+00, v18;
	v6 =	vadd.f32 v8, v6;
	v8 =	vld [tilespmem:s1+$0x1A720];
	v12 =	vmul.f32 v12, v14  }
0x80: {  	v44 =	vmul.f32 $6.944444500e-03, v1;
	v33 =	vmul.f32 v30, v21;
	v16 =	vsub.f32 $1.500000000e+00, v16  }
0x81: {  	v47 =	vpop (erf);
	v10 =	vadd.f32 $1.000000000e+00, v39;
	v7 =	vmul.f32 v18, v7;
	v6 =	vmul.f32 v6, v12  }
0x82: {  	(erf) = vrcp.f32 v2;
	v17 =	vadd.f32 v44, v47;
	v11 =	vmul.f32 v42, v16  }
0x83: {  	v5 =	vmul.f32 v5, v33;
	v7 =	vmul.f32 v7, v10;
	v6 =	vnsel vm4, $0x0, v6  }
0x84: {  	v49 =	vadd.f32 $-1.666666720e-01, v17;
	v52 =	vmul.f32 v3, v3;
	v4 =	vmul.f32 v11, v41;
	[tilespmem:s1+$0x1B710] =	vst v6  }
0x85: {  	v50 =	vmul.f32 $6.000000000e+00, v45;
	v5 =	vsub.f32 $1.000000000e+00, v5;
	v7 =	vadd.f32 $-1.666666720e-01, v7;
	v55 =	vld.idx.msk [tilespmem:v48+s7+$0x0], $0xffff  }
0x86: {  	vm5 =	vlt.f32 v1, $4.000000000e+00;
	v54 =	vadd.f32 $1.000000000e+00, v52;
	v4 =	vmul.f32 v4, v11  }
0x87: {  	v13 =	vmul.f32 v45, v40;
	v5 =	vnsel vm5, $0x0, v5;
	v57 =	vsub.f32 v49, v7;
	v8 =	vld.idx.msk [tilespmem:v8+s7+$0x0], $0xffff  }
0x88: {  	v12 =	vshra.s32 v54, $0x1;
	v6 =	vmul.f32 $6.944444500e-03, v9;
	v4 =	vsub.f32 $1.500000000e+00, v4  }
0x89: {  	v10 =	vmul.f32 $5.000000000e-01, v54;
	v12 =	vsub.s32 $0x5F3759DF, v12;
	v5 =	vmul.f32 v57, v5  }
0x8a: {  	v59 =	vld [tilespmem:s1+$0x19730];
	v6 =	vadd.f32 $1.000000000e+00, v6;
	v4 =	vmul.f32 v4, v11;
	v9 =	vmul.f32 $7.199822900e+00, v55  }
0x8b: {  	v23 =	vpop (erf);
	v53 =	vadd.f32 v50, v46;
	(erf) = vrcp.f32 v3;
	v58 =	vmul.f32 v12, v10  }
0x8c: {  	v5 =	vadd.f32 v5, v7;
	v7 =	vld [tilespmem:s1+$0x1A730];
	v4 =	vmul.f32 v4, v6;
	v8 =	vmul.f32 v8, v9  }
0x8d: {  	vm7 =	vle.f32 v1, $1.200000000e+01;
	v13 =	vmul.f32 v53, v13;
	v60 =	vmul.f32 $2.500000000e-01, v3  }
0x8e: {  	v14 =	vmul.f32 v12, v58;
	v61 =	vadd.f32 $-1.666666720e-01, v4;
	v4 =	vld [tilespmem:s1+$0x18750];
	v5 =	vmul.f32 v5, v8  }
0x8f: {  	v51 =	vadd.f32 v22, v23;
	v62 =	vmul.f32 v60, v60;
	v63 =	vmul.f32 $1.500000000e+01, v60  }
0x90: {  	v21 =	vmul.f32 $6.944444500e-03, v3;
	v14 =	vsub.f32 $1.500000000e+00, v14;
	v5 =	vnsel vm7, $0x0, v5  }
0x91: {  	vm9 =	vlt.f32 v3, $4.000000000e+00;
	v1 =	vsub.f32 $1.000000000e+01, v63;
	v8 =	vmul.f32 $6.000000000e+00, v62;
	[tilespmem:s1+$0x1B720] =	vst v5  }
0x92: {  	v13 =	vsub.f32 $1.000000000e+00, v13;
	v6 =	vadd.f32 $-1.666666720e-01, v51;
	v12 =	vmul.f32 v12, v14;
	v20 =	vld.idx.msk [tilespmem:v59+s7+$0x0], $0xffff  }
0x93: {  	vm10 =	vle.f32 v3, $1.200000000e+01;
	v1 =	vadd.f32 v8, v1;
	v8 =	vmul.f32 v4, v4  }
0x94: {  	v13 =	vnsel vm6, $0x0, v13;
	v6 =	vsub.f32 v6, v61;
	v5 =	vmul.f32 v12, v10;
	v7 =	vld.idx.msk [tilespmem:v7+s7+$0x0], $0xffff  }
0x95: {  	v56 =	vmul.f32 $6.944444500e-03, v54;
	v19 =	vmul.f32 v62, v60;
	v22 =	vpop (erf);
	v8 =	vadd.f32 $1.000000000e+00, v8  }
0x96: {  	v11 =	vadd.f32 v21, v22;
	v6 =	vmul.f32 v6, v13;
	v5 =	vmul.f32 v5, v12  }
0x97: {  	v27 =	vld [tilespmem:s1+$0x19740];
	v24 =	vshra.s32 v8, $0x1;
	v25 =	vmul.f32 $5.000000000e-01, v8;
	v10 =	vmul.f32 $7.199822900e+00, v20  }
0x98: {  	(erf) = vrcp.f32 v4;
	v5 =	vsub.f32 $1.500000000e+00, v5;
	v14 =	vsub.s32 $0x5F3759DF, v24  }
0x99: {  	v29 =	vld [tilespmem:s1+$0x1A740];
	v6 =	vadd.f32 v6, v61;
	v28 =	vmul.f32 v14, v25;
	v7 =	vmul.f32 v7, v10  }
0x9a: {  	v17 =	vadd.f32 $1.000000000e+00, v56;
	v23 =	vmul.f32 $2.500000000e-01, v4;
	v5 =	vmul.f32 v5, v12  }
0x9b: {  	v11 =	vadd.f32 $-1.666666720e-01, v11;
	v9 =	vmul.f32 v14, v28;
	v6 =	vmul.f32 v6, v7  }
0x9c: {  	vm11 =	vlt.f32 v4, $4.000000000e+00;
	v1 =	vmul.f32 v1, v19;
	v26 =	vmul.f32 v23, v23  }
0x9d: {  	v17 =	vmul.f32 v5, v17;
	v5 =	vld [tilespmem:s1+$0x18760];
	v2 =	vsub.f32 $1.500000000e+00, v9;
	v6 =	vnsel vm8, $0x0, v6  }
0x9e: {  	v30 =	vmul.f32 $1.500000000e+01, v23;
	v8 =	vmul.f32 $6.944444500e-03, v8;
	v1 =	vsub.f32 $1.000000000e+00, v1;
	[tilespmem:s1+$0x1B730] =	vst v6  }
0x9f: {  	v31 =	vmul.f32 $6.000000000e+00, v26;
	v33 =	vadd.f32 $-1.666666720e-01, v17;
	v2 =	vmul.f32 v14, v2;
	v34 =	vld.idx.msk [tilespmem:v27+s7+$0x0], $0xffff  }
0xa0: {  	v32 =	vmul.f32 v26, v23;
	v1 =	vnsel vm9, $0x0, v1;
	v7 =	vsub.f32 $1.000000000e+01, v30  }
0xa1: {  	v11 =	vsub.f32 v11, v33;
	v6 =	vmul.f32 $6.944444500e-03, v4;
	v37 =	vmul.f32 v2, v25;
	v10 =	vld.idx.msk [tilespmem:v29+s7+$0x0], $0xffff  }
0xa2: {  	v8 =	vadd.f32 $1.000000000e+00, v8;
	v36 =	vmul.f32 v5, v5;
	v38 =	vmul.f32 $2.500000000e-01, v5  }
0xa3: {  	v42 =	vld [tilespmem:s1+$0x19750];
	v7 =	vadd.f32 v31, v7;
	v11 =	vmul.f32 v11, v1;
	v14 =	vmul.f32 v37, v2  }
0xa4: {  	(erf) = vrcp.f32 v5;
	v1 =	vld [tilespmem:s1+$0x18770];
	v9 =	vadd.f32 $1.000000000e+00, v36;
	v12 =	vmul.f32 $7.199822900e+00, v34  }
0xa5: {  	v57 =	vmul.f32 $6.944444500e-03, v5;
	v11 =	vadd.f32 v11, v33;
	v14 =	vsub.f32 $1.500000000e+00, v14  }
0xa6: {  	v44 =	vld [tilespmem:s1+$0x1A750];
	v41 =	vshra.s32 v9, $0x1;
	v43 =	vmul.f32 $5.000000000e-01, v9;
	v10 =	vmul.f32 v10, v12  }
0xa7: {  	v35 =	vpop (erf);
	v7 =	vmul.f32 v7, v32;
	v18 =	vsub.s32 $0x5F3759DF, v41;
	v2 =	vmul.f32 v14, v2  }
0xa8: {  	v6 =	vadd.f32 v6, v35;
	v46 =	vmul.f32 v18, v43;
	v10 =	vmul.f32 v11, v10  }
0xa9: {  	v39 =	vmul.f32 v38, v38;
	v7 =	vsub.f32 $1.000000000e+00, v7;
	v47 =	vmul.f32 v1, v1  }
0xaa: {  	v14 =	vmul.f32 v18, v46;
	v2 =	vmul.f32 v2, v8;
	v3 =	vnsel vm10, $0x0, v10  }
0xab: {  	v40 =	vmul.f32 $1.500000000e+01, v38;
	v6 =	vadd.f32 $-1.666666720e-01, v6;
	v8 =	vadd.f32 $1.000000000e+00, v47;
	[tilespmem:s1+$0x1B740] =	vst v3  }
0xac: {  	v9 =	vmul.f32 $6.944444500e-03, v9;
	v49 =	vsub.f32 $1.500000000e+00, v14;
	v2 =	vadd.f32 $-1.666666720e-01, v2;
	v3 =	vld.idx.msk [tilespmem:v42+s7+$0x0], $0xffff  }
0xad: {  	v15 =	vmul.f32 v39, v38;
	v50 =	vshra.s32 v8, $0x1;
	v51 =	vmul.f32 $5.000000000e-01, v8  }
0xae: {  	v52 =	vsub.s32 $0x5F3759DF, v50;
	v11 =	vmul.f32 v18, v49;
	v6 =	vsub.f32 v6, v2;
	v12 =	vld.idx.msk [tilespmem:v44+s7+$0x0], $0xffff  }
0xaf: {  	v48 =	vmul.f32 $6.000000000e+00, v39;
	v7 =	vnsel vm11, $0x0, v7;
	v14 =	vmul.f32 v52, v51  }
0xb0: {  	v45 =	vsub.f32 $1.000000000e+01, v40;
	v53 =	vmul.f32 v11, v43;
	v6 =	vmul.f32 v6, v7  }
0xb1: {  	v55 =	vld [tilespmem:s1+$0x19760];
	v7 =	vmul.f32 v52, v14;
	v3 =	vmul.f32 $7.199822900e+00, v3  }
0xb2: {  	(erf) = vrcp.f32 v1;
	v10 =	vadd.f32 v48, v45;
	v54 =	vmul.f32 v53, v11  }
0xb3: {  	v56 =	vld [tilespmem:s1+$0x1A760];
	v2 =	vadd.f32 v6, v2;
	v6 =	vsub.f32 $1.500000000e+00, v7;
	v3 =	vmul.f32 v12, v3  }
0xb4: {  	v10 =	vmul.f32 v10, v15;
	v7 =	vmul.f32 $2.500000000e-01, v1;
	v14 =	vsub.f32 $1.500000000e+00, v54  }
0xb5: {  	vm12 =	vle.f32 v4, $1.200000000e+01;
	v6 =	vmul.f32 v52, v6;
	v2 =	vmul.f32 v2, v3  }
0xb6: {  	v9 =	vadd.f32 $1.000000000e+00, v9;
	v58 =	vmul.f32 v7, v7;
	v11 =	vmul.f32 v14, v11  }
0xb7: {  	v59 =	vmul.f32 $1.500000000e+01, v7;
	v4 =	vmul.f32 v6, v51;
	v3 =	vpop (erf);
	v2 =	vnsel vm12, $0x0, v2  }
0xb8: {  	v10 =	vsub.f32 $1.000000000e+00, v10;
	v9 =	vmul.f32 v11, v9;
	v3 =	vadd.f32 v57, v3;
	[tilespmem:s1+$0x1B750] =	vst v2  }
0xb9: {  	v61 =	vmul.f32 $6.000000000e+00, v58;
	v11 =	vsub.f32 $1.000000000e+01, v59;
	v2 =	vmul.f32 v4, v6;
	v60 =	vld.idx.msk [tilespmem:v55+s7+$0x0], $0xffff  }
0xba: {  	v4 =	vmul.f32 $6.944444500e-03, v8;
	v8 =	vadd.f32 $-1.666666720e-01, v9;
	v3 =	vadd.f32 $-1.666666720e-01, v3  }
0xbb: {  	vm13 =	vlt.f32 v5, $4.000000000e+00;
	v63 =	vld.idx.msk [tilespmem:v56+s7+$0x0], $0xffff;
	v2 =	vsub.f32 $1.500000000e+00, v2  }
0xbc: {  	v10 =	vnsel vm13, $0x0, v10;
	v11 =	vadd.f32 v61, v11;
	v3 =	vsub.f32 v3, v8  }
0xbd: {  	v4 =	vadd.f32 $1.000000000e+00, v4;
	v2 =	vmul.f32 v2, v6;
	v6 =	vmul.f32 v58, v7  }
0xbe: {  	v3 =	vmul.f32 v3, v10;
	v9 =	vmul.f32 $7.199822900e+00, v60  }
0xbf: {  	v2 =	vmul.f32 v2, v4;
	v4 =	vmul.f32 v11, v6  }
0xc0: {  	v62 =	vmul.f32 $6.944444500e-03, v1;
	v3 =	vadd.f32 v3, v8;
	v6 =	vmul.f32 v63, v9  }
0xc1: {  	v7 =	vpop (erf);
	v4 =	vsub.f32 $1.000000000e+00, v4  }
0xc2: {  	vm14 =	vlt.f32 v1, $4.000000000e+00;
	v7 =	vadd.f32 v62, v7;
	v6 =	vmul.f32 v3, v6;
	v3 =	vld [tilespmem:s1+$0x19770]  }
0xc3: {  	vm15 =	vle.f32 v5, $1.200000000e+01;
	v5 =	vnsel vm14, $0x0, v4;
	v4 =	vld [tilespmem:s1+$0x1A770]  }
0xc4: {  	v7 =	vadd.f32 $-1.666666720e-01, v7;
	v2 =	vadd.f32 $-1.666666720e-01, v2;
	_ =	sdelay $0x1  }
0xc5: {  	v7 =	vsub.f32 v7, v2;
	_ =	sdelay $0x1  }
0xc6: {  	s28 =	simm.s32 $0x200;
	v6 =	vnsel vm15, $0x0, v6;
	v5 =	vmul.f32 v7, v5  }
.LBB2_5:
0xc7: {  	s5 =	sshra.s32 s28, $0x2;
	p1 =	sne.s32 s28, $0x1E00;
	s28 =	sadd.s32 $0x200, s28;
	[tilespmem:s1+$0x1B760] =	vst v6  }
0xc8: {  	v3 =	vld.idx.msk [tilespmem:v3+s7+$0x0], $0xffff;
	v2 =	vadd.f32 v5, v2  }
0xc9: {  	v4 =	vld.idx.msk [tilespmem:v4+s7+$0x0], $0xffff;
	_ =	sdelay $0x4  }
0xca: {  	v3 =	vmul.f32 $7.199822900e+00, v3;
	_ =	sdelay $0x1  }
0xcb: {  	v3 =	vmul.f32 v4, v3;
	_ =	sdelay $0x1  }
0xcc: {  	v2 =	vmul.f32 v2, v3  }
0xcd: {  	vm0 =	vle.f32 v1, $1.200000000e+01  }
0xce: {  	v1 =	vnsel vm0, $0x0, v2  }
0xcf: {  	s29 =	sadd.s32 $0x19700, s1;
	s10 =	sadd.s32 $0x1B700, s1;
	[tilespmem:s1+$0x1B770] =	vst v1;
	s1 =	smov.u32 s5  }
0xd0: {  	[spmem:s6] =	stream.indirect.scatter.add.f32 [tilespmem:s10], [sflag:$0x3], $0x1, s29, s24, $0xb8;
	[tilespmem:$0x1E600] =	vst v63  }
0xd1: {  	v4 =	vld [tilespmem:s1+$0x18710]  }
0xd2: {  	v3 =	vld [tilespmem:s1+$0x18700];
	_ =	sdelay $0x3  }
0xd3: {  	v2 =	vld [tilespmem:s1+$0x19700];
	v1 =	vmul.f32 v4, v4;
	(erf) = vrcp.f32 v4  }
0xd4: {  	v5 =	vmul.f32 v3, v3;
	(erf) = vrcp.f32 v3  }
0xd5: {  	v9 =	vmul.f32 $2.500000000e-01, v4;
	v7 =	vmul.f32 $2.500000000e-01, v3;
	v6 =	vld [tilespmem:s1+$0x1A700];
	v8 =	vadd.f32 $1.000000000e+00, v1  }
0xd6: {  	v1 =	vadd.f32 $1.000000000e+00, v5  }
0xd7: {  	v5 =	vmul.f32 v7, v7;
	v10 =	vmul.f32 $1.500000000e+01, v7;
	v11 =	vshra.s32 v8, $0x1  }
0xd8: {  	v12 =	vshra.s32 v1, $0x1;
	v13 =	vmul.f32 $5.000000000e-01, v1;
	v14 =	vmul.f32 $6.944444500e-03, v1  }
0xd9: {  	v1 =	vsub.f32 $1.000000000e+01, v10;
	v10 =	vmul.f32 $6.000000000e+00, v5;
	v12 =	vsub.s32 $0x5F3759DF, v12  }
0xda: {  	v5 =	vmul.f32 v5, v7;
	v15 =	vmul.f32 v12, v13  }
0xdb: {  	v16 =	vmul.f32 $6.944444500e-03, v4;
	v7 =	vadd.f32 v10, v1;
	v10 =	vmul.f32 $5.000000000e-01, v8  }
0xdc: {  	v17 =	vmul.f32 $6.944444500e-03, v3;
	v11 =	vsub.s32 $0x5F3759DF, v11;
	v15 =	vmul.f32 v12, v15;
	v1 =	vld [tilespmem:s1+$0x18720];
	v18 =	vpop (erf)  }
0xdd: {  	v5 =	vmul.f32 v7, v5;
	v7 =	vmul.f32 v11, v10;
	v16 =	vadd.f32 v16, v18;
	v18 =	vpop (erf)  }
0xde: {  	v8 =	vmul.f32 $6.944444500e-03, v8;
	v15 =	vsub.f32 $1.500000000e+00, v15;
	v17 =	vadd.f32 v17, v18  }
0xdf: {  	v5 =	vsub.f32 $1.000000000e+00, v5;
	v7 =	vmul.f32 v11, v7;
	v18 =	vmul.f32 v9, v9  }
0xe0: {  	vm0 =	vle.f32 v3, $1.200000000e+01;
	v12 =	vmul.f32 v12, v15;
	v15 =	vmul.f32 $1.500000000e+01, v9  }
0xe1: {  	v7 =	vsub.f32 $1.500000000e+00, v7;
	v19 =	vmul.f32 $6.000000000e+00, v18;
	v20 =	vmul.f32 v1, v1  }
0xe2: {  	v22 =	vmul.f32 $2.500000000e-01, v1;
	v13 =	vmul.f32 v12, v13;
	v21 =	vld [tilespmem:s1+$0x19710];
	v15 =	vsub.f32 $1.000000000e+01, v15  }
0xe3: {  	v9 =	vmul.f32 v18, v9;
	v7 =	vmul.f32 v11, v7;
	v11 =	vadd.f32 $1.000000000e+00, v20  }
0xe4: {  	v13 =	vmul.f32 v13, v12;
	v18 =	vld [tilespmem:s1+$0x1A710];
	v15 =	vadd.f32 v19, v15;
	v19 =	vmul.f32 v22, v22  }
0xe5: {  	v23 =	vmul.f32 $1.500000000e+01, v22;
	v10 =	vmul.f32 v7, v10;
	v20 =	vshra.s32 v11, $0x1  }
0xe6: {  	v24 =	vmul.f32 $5.000000000e-01, v11;
	v13 =	vsub.f32 $1.500000000e+00, v13;
	v20 =	vsub.s32 $0x5F3759DF, v20  }
0xe7: {  	vm1 =	vlt.f32 v4, $4.000000000e+00;
	v10 =	vmul.f32 v10, v7;
	v22 =	vmul.f32 v19, v22  }
0xe8: {  	v12 =	vmul.f32 v13, v12;
	v13 =	vadd.f32 $1.000000000e+00, v14;
	v14 =	vsub.f32 $1.000000000e+01, v23  }
0xe9: {  	v19 =	vmul.f32 $6.000000000e+00, v19;
	v10 =	vsub.f32 $1.500000000e+00, v10;
	v23 =	vmul.f32 v20, v24  }
0xea: {  	v8 =	vadd.f32 $1.000000000e+00, v8;
	v9 =	vmul.f32 v15, v9;
	v25 =	vld.idx.msk [tilespmem:v2+s7+$0x0], $0xffff;
	v2 =	vmul.f32 v12, v13  }
0xeb: {  	v7 =	vmul.f32 v10, v7;
	v10 =	vmul.f32 v20, v23;
	v12 =	vadd.f32 v19, v14;
	v6 =	vld.idx.msk [tilespmem:v6+s7+$0x0], $0xffff  }
0xec: {  	v11 =	vmul.f32 $6.944444500e-03, v11;
	v13 =	vadd.f32 $-1.666666720e-01, v17;
	v14 =	vadd.f32 $-1.666666720e-01, v2;
	v2 =	vld [tilespmem:s1+$0x18730]  }
0xed: {  	vm2 =	vlt.f32 v3, $4.000000000e+00;
	v3 =	vmul.f32 v7, v8;
	v7 =	vsub.f32 $1.500000000e+00, v10  }
0xee: {  	v10 =	vadd.f32 $-1.666666720e-01, v16;
	v8 =	vsub.f32 v13, v14;
	(erf) = vrcp.f32 v1  }
0xef: {  	v5 =	vnsel vm2, $0x0, v5;
	v13 =	vadd.f32 $-1.666666720e-01, v3;
	v7 =	vmul.f32 v20, v7  }
0xf0: {  	v3 =	vmul.f32 $7.199822900e+00, v25;
	v5 =	vmul.f32 v8, v5;
	v8 =	vsub.f32 $1.000000000e+00, v9  }
0xf1: {  	v9 =	vsub.f32 v10, v13;
	v10 =	vmul.f32 v2, v2;
	(erf) = vrcp.f32 v2  }
0xf2: {  	v3 =	vmul.f32 v6, v3;
	v5 =	vadd.f32 v5, v14;
	v6 =	vnsel vm1, $0x0, v8  }
0xf3: {  	v6 =	vmul.f32 v9, v6;
	v8 =	vadd.f32 $1.000000000e+00, v10;
	v9 =	vmul.f32 $2.500000000e-01, v2  }
0xf4: {  	v10 =	vmul.f32 v12, v22;
	v3 =	vmul.f32 v5, v3;
	v5 =	vadd.f32 $1.000000000e+00, v11  }
0xf5: {  	v11 =	vshra.s32 v8, $0x1;
	v12 =	vmul.f32 $5.000000000e-01, v8;
	v14 =	vmul.f32 $1.500000000e+01, v9  }
0xf6: {  	v15 =	vmul.f32 $6.944444500e-03, v1;
	v3 =	vnsel vm0, $0x0, v3;
	v11 =	vsub.s32 $0x5F3759DF, v11  }
0xf7: {  	v16 =	vmul.f32 v9, v9;
	[tilespmem:s1+$0x1B700] =	vst v3;
	v3 =	vmul.f32 v11, v12;
	v14 =	vsub.f32 $1.000000000e+01, v14;
	v17 =	vpop (erf)  }
0xf8: {  	v20 =	vmul.f32 v7, v24;
	v10 =	vsub.f32 $1.000000000e+00, v10;
	v19 =	vld.idx.msk [tilespmem:v21+s7+$0x0], $0xffff;
	v15 =	vadd.f32 v15, v17  }
0xf9: {  	v21 =	vmul.f32 $6.944444500e-03, v2;
	v17 =	vld.idx.msk [tilespmem:v18+s7+$0x0], $0xffff;
	v18 =	vmul.f32 v11, v3  }
0xfa: {  	v20 =	vmul.f32 v20, v7;
	v22 =	vmul.f32 $6.000000000e+00, v16;
	v15 =	vadd.f32 $-1.666666720e-01, v15;
	v3 =	vld [tilespmem:s1+$0x18740];
	v23 =	vpop (erf)  }
0xfb: {  	v9 =	vmul.f32 v16, v9;
	v18 =	vsub.f32 $1.500000000e+00, v18;
	v21 =	vadd.f32 v21, v23  }
0xfc: {  	v16 =	vsub.f32 $1.500000000e+00, v20;
	v14 =	vadd.f32 v22, v14  }
0xfd: {  	v11 =	vmul.f32 v11, v18  }
0xfe: {  	v7 =	vmul.f32 v16, v7;
	v18 =	vmul.f32 $7.199822900e+00, v19;
	v19 =	vld [tilespmem:s1+$0x19720]  }
0xff: {  	vm0 =	vle.f32 v4, $1.200000000e+01;
	v4 =	vmul.f32 v11, v12;
	v12 =	vmul.f32 v3, v3  }
0x100: {  	v6 =	vadd.f32 v6, v13;
	v16 =	vmul.f32 v17, v18;
	v13 =	vld [tilespmem:s1+$0x1A720];
	(erf) = vrcp.f32 v3  }
0x101: {  	v5 =	vmul.f32 v7, v5;
	v4 =	vmul.f32 v4, v11;
	v7 =	vadd.f32 $1.000000000e+00, v12  }
0x102: {  	vm1 =	vlt.f32 v1, $4.000000000e+00;
	v8 =	vmul.f32 $6.944444500e-03, v8;
	v6 =	vmul.f32 v6, v16  }
0x103: {  	v5 =	vadd.f32 $-1.666666720e-01, v5;
	v4 =	vsub.f32 $1.500000000e+00, v4;
	v12 =	vshra.s32 v7, $0x1  }
0x104: {  	v6 =	vnsel vm0, $0x0, v6;
	v16 =	vmul.f32 $6.944444500e-03, v7;
	v12 =	vsub.s32 $0x5F3759DF, v12  }
0x105: {  	v7 =	vmul.f32 $5.000000000e-01, v7;
	[tilespmem:s1+$0x1B710] =	vst v6;
	v4 =	vmul.f32 v4, v11;
	v6 =	vadd.f32 $1.000000000e+00, v8  }
0x106: {  	v9 =	vmul.f32 v14, v9;
	v14 =	vmul.f32 $2.500000000e-01, v3;
	v11 =	vsub.f32 v15, v5;
	v8 =	vld.idx.msk [tilespmem:v19+s7+$0x0], $0xffff  }
0x107: {  	v10 =	vnsel vm1, $0x0, v10;
	v4 =	vmul.f32 v4, v6;
	v6 =	vmul.f32 v12, v7  }
0x108: {  	v15 =	vmul.f32 $6.944444500e-03, v3;
	v10 =	vmul.f32 v11, v10;
	v11 =	vadd.f32 $-1.666666720e-01, v21;
	v13 =	vld.idx.msk [tilespmem:v13+s7+$0x0], $0xffff  }
0x109: {  	v18 =	vmul.f32 $1.500000000e+01, v14;
	v17 =	vadd.f32 $-1.666666720e-01, v4;
	v4 =	vmul.f32 v14, v14;
	v19 =	vpop (erf)  }
0x10a: {  	v6 =	vmul.f32 v12, v6;
	v15 =	vadd.f32 v15, v19  }
0x10b: {  	v9 =	vsub.f32 $1.000000000e+00, v9;
	v11 =	vsub.f32 v11, v17;
	v19 =	vmul.f32 $6.000000000e+00, v4  }
0x10c: {  	vm0 =	vlt.f32 v2, $4.000000000e+00;
	v8 =	vmul.f32 $7.199822900e+00, v8;
	v6 =	vsub.f32 $1.500000000e+00, v6;
	v20 =	vld [tilespmem:s1+$0x19730]  }
0x10d: {  	v18 =	vsub.f32 $1.000000000e+01, v18;
	v9 =	vnsel vm0, $0x0, v9;
	v14 =	vmul.f32 v4, v14;
	v4 =	vld [tilespmem:s1+$0x18750]  }
0x10e: {  	v5 =	vadd.f32 v10, v5;
	v8 =	vmul.f32 v13, v8;
	v9 =	vmul.f32 v11, v9;
	v10 =	vld [tilespmem:s1+$0x1A730]  }
0x10f: {  	v6 =	vmul.f32 v12, v6;
	v11 =	vadd.f32 v19, v18  }
0x110: {  	v5 =	vmul.f32 v5, v8;
	v8 =	vadd.f32 v9, v17  }
0x111: {  	vm0 =	vle.f32 v1, $1.200000000e+01;
	v1 =	vmul.f32 v6, v7;
	v7 =	vmul.f32 v11, v14  }
0x112: {  	v5 =	vnsel vm0, $0x0, v5;
	v9 =	vmul.f32 v4, v4;
	(erf) = vrcp.f32 v4  }
0x113: {  	v1 =	vmul.f32 v1, v6;
	v11 =	vmul.f32 $2.500000000e-01, v4;
	[tilespmem:s1+$0x1B720] =	vst v5;
	v5 =	vadd.f32 $1.000000000e+00, v16  }
0x114: {  	v7 =	vsub.f32 $1.000000000e+00, v7;
	v12 =	vld.idx.msk [tilespmem:v20+s7+$0x0], $0xffff;
	v9 =	vadd.f32 $1.000000000e+00, v9  }
0x115: {  	v1 =	vsub.f32 $1.500000000e+00, v1;
	v13 =	vmul.f32 v11, v11  }
0x116: {  	v10 =	vld.idx.msk [tilespmem:v10+s7+$0x0], $0xffff;
	v14 =	vshra.s32 v9, $0x1;
	v16 =	vmul.f32 $5.000000000e-01, v9;
	v9 =	vmul.f32 $6.944444500e-03, v9  }
0x117: {  	v1 =	vmul.f32 v1, v6;
	v6 =	vadd.f32 $-1.666666720e-01, v15;
	v14 =	vsub.s32 $0x5F3759DF, v14  }
0x118: {  	vm0 =	vlt.f32 v3, $4.000000000e+00;
	v17 =	vmul.f32 $1.500000000e+01, v11;
	v15 =	vmul.f32 v14, v16  }
0x119: {  	v18 =	vmul.f32 $6.944444500e-03, v4;
	v11 =	vmul.f32 v13, v11  }
0x11a: {  	v7 =	vnsel vm0, $0x0, v7;
	v12 =	vmul.f32 $7.199822900e+00, v12;
	v19 =	vld [tilespmem:s1+$0x19740];
	v15 =	vmul.f32 v14, v15  }
0x11b: {  	v17 =	vsub.f32 $1.000000000e+01, v17;
	v13 =	vmul.f32 $6.000000000e+00, v13;
	v1 =	vmul.f32 v1, v5;
	v5 =	vld [tilespmem:s1+$0x18760];
	v20 =	vpop (erf)  }
0x11c: {  	v10 =	vmul.f32 v10, v12;
	v12 =	vld [tilespmem:s1+$0x1A740];
	v15 =	vsub.f32 $1.500000000e+00, v15;
	v18 =	vadd.f32 v18, v20  }
0x11d: {  	v13 =	vadd.f32 v13, v17;
	v1 =	vadd.f32 $-1.666666720e-01, v1  }
0x11e: {  	v8 =	vmul.f32 v8, v10;
	v10 =	vmul.f32 v14, v15  }
0x11f: {  	vm0 =	vle.f32 v2, $1.200000000e+01;
	v2 =	vsub.f32 v6, v1;
	v6 =	vmul.f32 v13, v11  }
0x120: {  	v8 =	vnsel vm0, $0x0, v8;
	v11 =	vmul.f32 v10, v16;
	v13 =	vmul.f32 v5, v5  }
0x121: {  	v6 =	vsub.f32 $1.000000000e+00, v6;
	[tilespmem:s1+$0x1B730] =	vst v8;
	v8 =	vmul.f32 $2.500000000e-01, v5;
	(erf) = vrcp.f32 v5  }
0x122: {  	v2 =	vmul.f32 v2, v7;
	v14 =	vld.idx.msk [tilespmem:v19+s7+$0x0], $0xffff;
	v7 =	vmul.f32 v11, v10;
	v11 =	vadd.f32 $1.000000000e+00, v13  }
0x123: {  	v13 =	vmul.f32 v8, v8;
	v15 =	vmul.f32 $1.500000000e+01, v8  }
0x124: {  	v12 =	vld.idx.msk [tilespmem:v12+s7+$0x0], $0xffff;
	v7 =	vsub.f32 $1.500000000e+00, v7;
	v16 =	vshra.s32 v11, $0x1;
	v17 =	vmul.f32 $5.000000000e-01, v11  }
0x125: {  	v11 =	vmul.f32 $6.944444500e-03, v11;
	v16 =	vsub.s32 $0x5F3759DF, v16;
	v15 =	vsub.f32 $1.000000000e+01, v15  }
0x126: {  	v9 =	vadd.f32 $1.000000000e+00, v9;
	v7 =	vmul.f32 v7, v10;
	v10 =	vmul.f32 v16, v17  }
0x127: {  	v2 =	vadd.f32 v2, v1;
	v8 =	vmul.f32 v13, v8;
	v1 =	vmul.f32 $6.000000000e+00, v13  }
0x128: {  	v13 =	vmul.f32 $7.199822900e+00, v14;
	v14 =	vld [tilespmem:s1+$0x19750];
	v7 =	vmul.f32 v7, v9  }
0x129: {  	v9 =	vmul.f32 v16, v10;
	v10 =	vadd.f32 v1, v15;
	v1 =	vld [tilespmem:s1+$0x18770]  }
0x12a: {  	v15 =	vadd.f32 $-1.666666720e-01, v18;
	v12 =	vmul.f32 v12, v13;
	v13 =	vld [tilespmem:s1+$0x1A750];
	v7 =	vadd.f32 $-1.666666720e-01, v7;
	v18 =	vpop (erf)  }
0x12b: {  	vm0 =	vle.f32 v3, $1.200000000e+01;
	v3 =	vsub.f32 $1.500000000e+00, v9;
	v8 =	vmul.f32 v10, v8  }
0x12c: {  	vm1 =	vlt.f32 v4, $4.000000000e+00;
	v2 =	vmul.f32 v2, v12;
	v9 =	vsub.f32 v15, v7  }
0x12d: {  	v6 =	vnsel vm1, $0x0, v6;
	v3 =	vmul.f32 v16, v3;
	v8 =	vsub.f32 $1.000000000e+00, v8  }
0x12e: {  	v2 =	vnsel vm0, $0x0, v2;
	v6 =	vmul.f32 v9, v6;
	v9 =	vmul.f32 v1, v1  }
0x12f: {  	[tilespmem:s1+$0x1B740] =	vst v2;
	v2 =	vmul.f32 v3, v17;
	(erf) = vrcp.f32 v1  }
0x130: {  	v10 =	vld.idx.msk [tilespmem:v14+s7+$0x0], $0xffff;
	v6 =	vadd.f32 v6, v7;
	v7 =	vadd.f32 $1.000000000e+00, v9;
	v9 =	vmul.f32 $2.500000000e-01, v1  }
0x131: {  	v12 =	vmul.f32 $6.944444500e-03, v5;
	v2 =	vmul.f32 v2, v3  }
0x132: {  	v13 =	vld.idx.msk [tilespmem:v13+s7+$0x0], $0xffff;
	v14 =	vshra.s32 v7, $0x1;
	v15 =	vmul.f32 $5.000000000e-01, v7;
	v7 =	vmul.f32 $6.944444500e-03, v7  }
0x133: {  	v16 =	vmul.f32 v9, v9;
	v2 =	vsub.f32 $1.500000000e+00, v2;
	v14 =	vsub.s32 $0x5F3759DF, v14  }
0x134: {  	v19 =	vmul.f32 $1.500000000e+01, v9;
	v17 =	vmul.f32 v14, v15  }
0x135: {  	v2 =	vmul.f32 v2, v3;
	v3 =	vadd.f32 $1.000000000e+00, v11;
	v11 =	vmul.f32 $6.000000000e+00, v16  }
0x136: {  	v19 =	vsub.f32 $1.000000000e+01, v19;
	v10 =	vmul.f32 $7.199822900e+00, v10;
	v20 =	vld [tilespmem:s1+$0x19760];
	v17 =	vmul.f32 v14, v17  }
0x137: {  	v12 =	vadd.f32 v12, v18;
	v21 =	vld [tilespmem:s1+$0x1A760];
	v2 =	vmul.f32 v2, v3;
	v3 =	vmul.f32 v16, v9  }
0x138: {  	v9 =	vmul.f32 v13, v10;
	v13 =	vmul.f32 $6.944444500e-03, v1;
	v10 =	vsub.f32 $1.500000000e+00, v17;
	v16 =	vpop (erf)  }
0x139: {  	vm0 =	vle.f32 v4, $1.200000000e+01;
	v4 =	vadd.f32 $-1.666666720e-01, v12;
	v2 =	vadd.f32 $-1.666666720e-01, v2  }
0x13a: {  	v6 =	vmul.f32 v6, v9;
	v9 =	vmul.f32 v14, v10;
	v10 =	vadd.f32 v13, v16  }
0x13b: {  	vm1 =	vlt.f32 v5, $4.000000000e+00;
	v11 =	vadd.f32 v11, v19;
	v4 =	vsub.f32 v4, v2  }
0x13c: {  	v8 =	vnsel vm1, $0x0, v8;
	v6 =	vnsel vm0, $0x0, v6;
	v12 =	vmul.f32 v9, v15  }
0x13d: {  	v3 =	vmul.f32 v11, v3;
	[tilespmem:s1+$0x1B750] =	vst v6;
	v4 =	vmul.f32 v4, v8  }
0x13e: {  	v6 =	vld.idx.msk [tilespmem:v20+s7+$0x0], $0xffff;
	v8 =	vmul.f32 v12, v9  }
0x13f: {  	v13 =	vsub.f32 $1.000000000e+00, v3;
	v11 =	vld.idx.msk [tilespmem:v21+s7+$0x0], $0xffff;
	v12 =	vadd.f32 v4, v2  }
0x140: {  	v2 =	vsub.f32 $1.500000000e+00, v8;
	_ =	sdelay $0x1  }
0x141: {  	v4 =	vadd.f32 $1.000000000e+00, v7;
	v2 =	vmul.f32 v2, v9;
	_ =	sdelay $0x1  }
0x142: {  	v6 =	vmul.f32 $7.199822900e+00, v6;
	v3 =	vld [tilespmem:s1+$0x19770];
	v2 =	vmul.f32 v2, v4  }
0x143: {  	v4 =	vld [tilespmem:s1+$0x1A770]  }
.Ltmp5:
0x144: {  	v7 =	vadd.f32 $-1.666666720e-01, v10;
	v6 =	vmul.f32 v11, v6;
	v2 =	vadd.f32 $-1.666666720e-01, v2;
	(pc) =	sbr.rel @p1 .LBB2_5-.Ltmp5, $4  }
0x145: {  	_ = 	snop  }
0x146: {  	vm0 =	vlt.f32 v1, $4.000000000e+00;
	v6 =	vmul.f32 v12, v6;
	v7 =	vsub.f32 v7, v2  }
0x147: {  	vm1 =	vle.f32 v5, $1.200000000e+01;
	v5 =	vnsel vm0, $0x0, v13  }
0x148: {  	v6 =	vnsel vm1, $0x0, v6;
	v5 =	vmul.f32 v7, v5  }
0x149: {  	_ =	sdelay $0x2  }
0x14a: {  	[tilespmem:s1+$0x1B760] =	vst v6  }
0x14b: {  	v3 =	vld.idx.msk [tilespmem:v3+s7+$0x0], $0xffff;
	_ =	sdelay $0x1  }
0x14c: {  	v4 =	vld.idx.msk [tilespmem:v4+s7+$0x0], $0xffff;
	_ =	sdelay $0x2  }
0x14d: {  	v3 =	vmul.f32 $7.199822900e+00, v3;
	_ =	sdelay $0x1  }
0x14e: {  	v2 =	vadd.f32 v5, v2;
	v3 =	vmul.f32 v4, v3;
	_ =	sdelay $0x1  }
0x14f: {  	v2 =	vmul.f32 v2, v3  }
0x150: {  	vm0 =	vle.f32 v1, $1.200000000e+01  }
0x151: {  	v1 =	vnsel vm0, $0x0, v2  }
0x152: {  	s5 =	sadd.s32 $0x19700, s1;
	s10 =	sadd.s32 $0x1B700, s1;
	[tilespmem:s1+$0x1B770] =	vst v1  }
0x153: {  	[spmem:s6] =	stream.indirect.scatter.add.f32 [tilespmem:s10], [sflag:$0x3], $0x1, s5, s24, $0xb8;
	[tilespmem:$0x1E600] =	vst v63  }
0x154: {  	_ =	swait.ge [sflag:s25], $0x80  }
0x155: {  	[sflag:s25] =	ssyncset.done $0x0  }
0x156: {  	[sflag:s25] =	ssyncadd.s32 $0xFFFFFF80  }
0x157: {  	_ =	swait.ge [sflag:s25], $0x80  }
0x158: {  	[sflag:s25] =	ssyncset.done $0x0  }
0x159: {  	[sflag:s25] =	ssyncadd.s32 $0xFFFFFF80  }
0x15a: {  	_ =	swait.ge [sflag:s25], $0x80  }
0x15b: {  	[sflag:s25] =	ssyncset.done $0x0  }
0x15c: {  	[sflag:s25] =	ssyncadd.s32 $0xFFFFFF80  }
0x15d: {  	_ =	swait.ge [sflag:s25], $0x80  }
0x15e: {  	[sflag:s25] =	ssyncset.done $0x0  }
0x15f: {  	[sflag:s25] =	ssyncadd.s32 $0xFFFFFF80  }
0x160: {  	_ =	swait.ge [sflag:s25], $0x80  }
0x161: {  	[sflag:s25] =	ssyncset.done $0x0  }
0x162: {  	[sflag:s25] =	ssyncadd.s32 $0xFFFFFF80  }
0x163: {  	_ =	swait.ge [sflag:s25], $0x80  }
0x164: {  	[sflag:s25] =	ssyncset.done $0x0  }
0x165: {  	[sflag:s25] =	ssyncadd.s32 $0xFFFFFF80  }
0x166: {  	_ =	swait.ge [sflag:s25], $0x80  }
0x167: {  	[sflag:s25] =	ssyncset.done $0x0  }
0x168: {  	[sflag:s25] =	ssyncadd.s32 $0xFFFFFF80  }
0x169: {  	_ =	swait.ge [sflag:s25], $0x80  }
0x16a: {  	[sflag:s25] =	ssyncset.done $0x0  }
0x16b: {  	[sflag:s25] =	ssyncadd.s32 $0xFFFFFF80  }
0x16c: {  	_ =	swait.ge [sflag:s25], $0x80  }
0x16d: {  	[sflag:s25] =	ssyncset.done $0x0  }
0x16e: {  	[sflag:s25] =	ssyncadd.s32 $0xFFFFFF80  }
0x16f: {  	_ =	swait.ge [sflag:s25], $0x80  }
0x170: {  	[sflag:s25] =	ssyncset.done $0x0  }
0x171: {  	[sflag:s25] =	ssyncadd.s32 $0xFFFFFF80  }
0x172: {  	_ =	swait.ge [sflag:s25], $0x80  }
0x173: {  	[sflag:s25] =	ssyncset.done $0x0  }
0x174: {  	[sflag:s25] =	ssyncadd.s32 $0xFFFFFF80  }
0x175: {  	_ =	swait.ge [sflag:s25], $0x80  }
0x176: {  	[sflag:s25] =	ssyncset.done $0x0  }
0x177: {  	[sflag:s25] =	ssyncadd.s32 $0xFFFFFF80  }
0x178: {  	_ =	swait.ge [sflag:s25], $0x80  }
0x179: {  	[sflag:s25] =	ssyncset.done $0x0  }
0x17a: {  	[sflag:s25] =	ssyncadd.s32 $0xFFFFFF80  }
0x17b: {  	_ =	swait.ge [sflag:s25], $0x80  }
0x17c: {  	[sflag:s25] =	ssyncset.done $0x0  }
0x17d: {  	[sflag:s25] =	ssyncadd.s32 $0xFFFFFF80  }
0x17e: {  	p1 =	sgt.u32 s0, $0xBF4;
	_ =	swait.ge [sflag:s25], $0x80  }
.Ltmp6:
0x17f: {  	[sflag:s25] =	ssyncset.done $0x0;
	(pc) =	sbr.rel @p1 .LBB2_8-.Ltmp6, $4  }
0x180: {  	[sflag:s25] =	ssyncadd.s32 $0xFFFFFF80  }
0x181: {  	_ =	swait.ge [sflag:s25], $0x80  }
0x182: {  	[sflag:s25] =	ssyncset.done $0x0  }
0x183: {  	[sflag:s25] =	ssyncadd.s32 $0xFFFFFF80  }
0x184: {  	s0 =	sshll.u32 s0, $0x8  }
0x185: {  	s0 =	sadd.s32 $0x4000, s0  }
0x186: {  	s1 =	sadd.s32 s2, s0  }
0x187: {  	[tilespmem:s20], [sflag:$0x1] =	stream.linear.gather [hbm4b:s1+s7], $0x800, $0x38;
	[tilespmem:$0x1E600] =	vst v63  }
.Ltmp7:
0x188: {  	_ = 	snop;
	(pc) =	sbr.rel .LBB2_9-.Ltmp7, $4  }
0x189: {  	s29 =	sadd.s32 s3, s0  }
0x18a: {  	[tilespmem:s21], [sflag:$0x1] =	stream.linear.gather [hbm4b:s29+s7], $0x800, $0x38;
	[tilespmem:$0x1E600] =	vst v63  }
0x18b: {  	s0 =	sadd.s32 s4, s0  }
0x18c: {  	[tilespmem:s22], [sflag:$0x1] =	stream.linear.gather [hbm4b:s0+s7], $0x800, $0x38;
	[tilespmem:$0x1E600] =	vst v63  }
.LBB2_8:
.Ltmp8:
0x18d: {  	(pc) =	sbr.rel @p0 .LBB2_12-.Ltmp8, $1  }
0x18e: {  	_ =	sdelay $0x3  }
.LBB2_9:
0x18f: {  	_ =	swait.ge [sflag:s26], $0x800  }
0x190: {  	[sflag:s26] =	ssyncset.done $0x0  }
0x191: {  	[sflag:s26] =	ssyncadd.s32 $0xFFFFF800  }
0x192: {  	_ =	swait.ge [sflag:s26], $0x800  }
0x193: {  	[sflag:s26] =	ssyncset.done $0x0  }
0x194: {  	[sflag:s26] =	ssyncadd.s32 $0xFFFFF800  }
0x195: {  	_ =	swait.ge [sflag:s26], $0x800  }
0x196: {  	[sflag:s26] =	ssyncset.done $0x0  }
0x197: {  	s0 =	simm.s32 $0x0;
	[sflag:s26] =	ssyncadd.s32 $0xFFFFF800  }
0x198: {  	v2 =	vld [tilespmem:s0+$0x18F00];
	_ =	sdelay $0x4  }
0x199: {  	v1 =	vmul.f32 v2, v2;
	_ =	sdelay $0x1  }
0x19a: {  	v4 =	vld [tilespmem:s0+$0x18F10];
	v1 =	vadd.f32 $1.000000000e+00, v1;
	_ =	sdelay $0x1  }
0x19b: {  	v3 =	vshra.s32 v1, $0x1;
	v5 =	vmul.f32 $5.000000000e-01, v1  }
0x19c: {  	v3 =	vsub.s32 $0x5F3759DF, v3  }
0x19d: {  	v8 =	vmul.f32 v3, v5  }
0x19e: {  	(erf) = vrcp.f32 v4  }
0x19f: {  	v6 =	vmul.f32 $2.500000000e-01, v2;
	v8 =	vmul.f32 v3, v8  }
0x1a0: {  	v7 =	vmul.f32 v4, v4;
	v11 =	vmul.f32 $2.500000000e-01, v4  }
0x1a1: {  	v62 =	vmul.f32 $6.944444500e-03, v4;
	v14 =	vmul.f32 $6.944444500e-03, v1;
	v1 =	vsub.f32 $1.500000000e+00, v8  }
0x1a2: {  	v23 =	vmul.f32 $6.944444500e-03, v2;
	(erf) = vrcp.f32 v2  }
0x1a3: {  	vm0 =	vle.f32 v2, $1.200000000e+01;
	v9 =	vmul.f32 v6, v6;
	v3 =	vmul.f32 v3, v1  }
0x1a4: {  	v10 =	vmul.f32 $1.500000000e+01, v6;
	v7 =	vadd.f32 $1.000000000e+00, v7;
	v27 =	vmul.f32 v11, v11  }
0x1a5: {  	vm2 =	vlt.f32 v2, $4.000000000e+00;
	v18 =	vmul.f32 $1.500000000e+01, v11;
	v5 =	vmul.f32 v3, v5  }
0x1a6: {  	v25 =	vld [tilespmem:s0+$0x19F00];
	v12 =	vmul.f32 $6.000000000e+00, v9;
	v13 =	vshra.s32 v7, $0x1;
	v61 =	vmul.f32 $5.000000000e-01, v7  }
0x1a7: {  	v2 =	vld [tilespmem:s0+$0x18F30];
	v6 =	vmul.f32 v9, v6;
	v63 =	vsub.s32 $0x5F3759DF, v13;
	v5 =	vmul.f32 v5, v3  }
0x1a8: {  	v17 =	vld [tilespmem:s0+$0x1AF00];
	vm1 =	vlt.f32 v4, $4.000000000e+00;
	v7 =	vmul.f32 $6.944444500e-03, v7;
	v16 =	vmul.f32 v63, v61  }
0x1a9: {  	v19 =	vmul.f32 $6.000000000e+00, v27;
	v18 =	vsub.f32 $1.000000000e+01, v18;
	v5 =	vsub.f32 $1.500000000e+00, v5  }
0x1aa: {  	v10 =	vsub.f32 $1.000000000e+01, v10;
	v11 =	vmul.f32 v27, v11;
	v26 =	vmul.f32 v63, v16  }
0x1ab: {  	v29 =	vadd.f32 v19, v18;
	v15 =	vpop (erf);
	v1 =	vld [tilespmem:s0+$0x18F20];
	v3 =	vmul.f32 v5, v3;
	v5 =	vadd.f32 $1.000000000e+00, v14  }
0x1ac: {  	v38 =	vmul.f32 v2, v2;
	v8 =	vadd.f32 v12, v10;
	v24 =	vpop (erf);
	v13 =	vsub.f32 $1.500000000e+00, v26  }
0x1ad: {  	v40 =	vmul.f32 $2.500000000e-01, v2;
	v10 =	vadd.f32 v23, v24;
	v3 =	vmul.f32 v3, v5  }
0x1ae: {  	v6 =	vmul.f32 v8, v6;
	v8 =	vadd.f32 v62, v15;
	v12 =	vmul.f32 v63, v13;
	v15 =	vld.idx.msk [tilespmem:v25+s7+$0x0], $0xffff  }
0x1af: {  	v22 =	vmul.f32 $6.944444500e-03, v2;
	v10 =	vadd.f32 $-1.666666720e-01, v10;
	v3 =	vadd.f32 $-1.666666720e-01, v3  }
0x1b0: {  	v17 =	vld.idx.msk [tilespmem:v17+s7+$0x0], $0xffff;
	v6 =	vsub.f32 $1.000000000e+00, v6;
	v9 =	vmul.f32 v12, v61;
	v20 =	vmul.f32 v1, v1  }
0x1b1: {  	v11 =	vmul.f32 v29, v11;
	v45 =	vmul.f32 v40, v40;
	v10 =	vsub.f32 v10, v3  }
0x1b2: {  	v9 =	vmul.f32 v9, v12;
	v6 =	vnsel vm2, $0x0, v6;
	v28 =	vadd.f32 $1.000000000e+00, v20  }
0x1b3: {  	v35 =	vld [tilespmem:s0+$0x19F10];
	vm4 =	vle.f32 v4, $1.200000000e+01;
	v15 =	vmul.f32 $7.199822900e+00, v15;
	v6 =	vmul.f32 v10, v6  }
0x1b4: {  	v9 =	vsub.f32 $1.500000000e+00, v9;
	v31 =	vshra.s32 v28, $0x1;
	v32 =	vmul.f32 $5.000000000e-01, v28  }
0x1b5: {  	v37 =	vld [tilespmem:s0+$0x1AF10];
	v15 =	vmul.f32 v17, v15;
	v18 =	vsub.s32 $0x5F3759DF, v31;
	v3 =	vadd.f32 v6, v3  }
0x1b6: {  	v7 =	vadd.f32 $1.000000000e+00, v7;
	v9 =	vmul.f32 v9, v12;
	v34 =	vmul.f32 v18, v32  }
0x1b7: {  	vm6 =	vlt.f32 v2, $4.000000000e+00;
	v21 =	vmul.f32 $2.500000000e-01, v1;
	v3 =	vmul.f32 v3, v15  }
0x1b8: {  	v11 =	vsub.f32 $1.000000000e+00, v11;
	v36 =	vmul.f32 v18, v34;
	v6 =	vmul.f32 v9, v7  }
0x1b9: {  	v8 =	vadd.f32 $-1.666666720e-01, v8;
	v30 =	vmul.f32 v21, v21;
	v3 =	vnsel vm0, $0x0, v3  }
0x1ba: {  	v11 =	vnsel vm1, $0x0, v11;
	v7 =	vsub.f32 $1.500000000e+00, v36;
	v6 =	vadd.f32 $-1.666666720e-01, v6;
	[tilespmem:s0+$0x1BF00] =	vst v3  }
0x1bb: {  	(erf) = vrcp.f32 v1;
	v16 =	vmul.f32 $6.000000000e+00, v30;
	v9 =	vadd.f32 $1.000000000e+00, v38;
	v14 =	vld.idx.msk [tilespmem:v35+s7+$0x0], $0xffff  }
0x1bc: {  	v39 =	vmul.f32 $6.944444500e-03, v28;
	v7 =	vmul.f32 v18, v7;
	v8 =	vsub.f32 v8, v6  }
0x1bd: {  	v5 =	vmul.f32 $1.500000000e+01, v21;
	v41 =	vmul.f32 $5.000000000e-01, v9;
	v3 =	vshra.s32 v9, $0x1;
	v12 =	vld.idx.msk [tilespmem:v37+s7+$0x0], $0xffff  }
0x1be: {  	v18 =	vmul.f32 v7, v32;
	v8 =	vmul.f32 v8, v11;
	v42 =	vsub.s32 $0x5F3759DF, v3  }
0x1bf: {  	v5 =	vsub.f32 $1.000000000e+01, v5;
	v3 =	vmul.f32 $1.500000000e+01, v40;
	v43 =	vmul.f32 v42, v41  }
0x1c0: {  	v48 =	vld [tilespmem:s0+$0x19F20];
	vm8 =	vle.f32 v2, $1.200000000e+01;
	v18 =	vmul.f32 v18, v7;
	v14 =	vmul.f32 $7.199822900e+00, v14  }
0x1c1: {  	v5 =	vadd.f32 v16, v5;
	v46 =	vsub.f32 $1.000000000e+01, v3;
	v3 =	vld [tilespmem:s0+$0x18F40];
	v16 =	vmul.f32 v42, v43  }
0x1c2: {  	v18 =	vsub.f32 $1.500000000e+00, v18;
	v6 =	vadd.f32 v8, v6;
	v8 =	vld [tilespmem:s0+$0x1AF20];
	v12 =	vmul.f32 v12, v14  }
0x1c3: {  	v44 =	vmul.f32 $6.944444500e-03, v1;
	v33 =	vmul.f32 v30, v21;
	v16 =	vsub.f32 $1.500000000e+00, v16  }
0x1c4: {  	v47 =	vpop (erf);
	v10 =	vadd.f32 $1.000000000e+00, v39;
	v7 =	vmul.f32 v18, v7;
	v6 =	vmul.f32 v6, v12  }
0x1c5: {  	(erf) = vrcp.f32 v2;
	v17 =	vadd.f32 v44, v47;
	v11 =	vmul.f32 v42, v16  }
0x1c6: {  	v5 =	vmul.f32 v5, v33;
	v7 =	vmul.f32 v7, v10;
	v6 =	vnsel vm4, $0x0, v6  }
0x1c7: {  	v49 =	vadd.f32 $-1.666666720e-01, v17;
	v52 =	vmul.f32 v3, v3;
	v4 =	vmul.f32 v11, v41;
	[tilespmem:s0+$0x1BF10] =	vst v6  }
0x1c8: {  	v50 =	vmul.f32 $6.000000000e+00, v45;
	v5 =	vsub.f32 $1.000000000e+00, v5;
	v7 =	vadd.f32 $-1.666666720e-01, v7;
	v55 =	vld.idx.msk [tilespmem:v48+s7+$0x0], $0xffff  }
0x1c9: {  	vm5 =	vlt.f32 v1, $4.000000000e+00;
	v54 =	vadd.f32 $1.000000000e+00, v52;
	v4 =	vmul.f32 v4, v11  }
0x1ca: {  	v13 =	vmul.f32 v45, v40;
	v5 =	vnsel vm5, $0x0, v5;
	v57 =	vsub.f32 v49, v7;
	v8 =	vld.idx.msk [tilespmem:v8+s7+$0x0], $0xffff  }
0x1cb: {  	v12 =	vshra.s32 v54, $0x1;
	v6 =	vmul.f32 $6.944444500e-03, v9;
	v4 =	vsub.f32 $1.500000000e+00, v4  }
0x1cc: {  	v10 =	vmul.f32 $5.000000000e-01, v54;
	v12 =	vsub.s32 $0x5F3759DF, v12;
	v5 =	vmul.f32 v57, v5  }
0x1cd: {  	v59 =	vld [tilespmem:s0+$0x19F30];
	v6 =	vadd.f32 $1.000000000e+00, v6;
	v4 =	vmul.f32 v4, v11;
	v9 =	vmul.f32 $7.199822900e+00, v55  }
0x1ce: {  	v23 =	vpop (erf);
	v53 =	vadd.f32 v50, v46;
	(erf) = vrcp.f32 v3;
	v58 =	vmul.f32 v12, v10  }
0x1cf: {  	v5 =	vadd.f32 v5, v7;
	v7 =	vld [tilespmem:s0+$0x1AF30];
	v4 =	vmul.f32 v4, v6;
	v8 =	vmul.f32 v8, v9  }
0x1d0: {  	vm7 =	vle.f32 v1, $1.200000000e+01;
	v13 =	vmul.f32 v53, v13;
	v60 =	vmul.f32 $2.500000000e-01, v3  }
0x1d1: {  	v14 =	vmul.f32 v12, v58;
	v61 =	vadd.f32 $-1.666666720e-01, v4;
	v4 =	vld [tilespmem:s0+$0x18F50];
	v5 =	vmul.f32 v5, v8  }
0x1d2: {  	v51 =	vadd.f32 v22, v23;
	v62 =	vmul.f32 v60, v60;
	v63 =	vmul.f32 $1.500000000e+01, v60  }
0x1d3: {  	v21 =	vmul.f32 $6.944444500e-03, v3;
	v14 =	vsub.f32 $1.500000000e+00, v14;
	v5 =	vnsel vm7, $0x0, v5  }
0x1d4: {  	vm9 =	vlt.f32 v3, $4.000000000e+00;
	v1 =	vsub.f32 $1.000000000e+01, v63;
	v8 =	vmul.f32 $6.000000000e+00, v62;
	[tilespmem:s0+$0x1BF20] =	vst v5  }
0x1d5: {  	v13 =	vsub.f32 $1.000000000e+00, v13;
	v6 =	vadd.f32 $-1.666666720e-01, v51;
	v12 =	vmul.f32 v12, v14;
	v20 =	vld.idx.msk [tilespmem:v59+s7+$0x0], $0xffff  }
0x1d6: {  	vm10 =	vle.f32 v3, $1.200000000e+01;
	v1 =	vadd.f32 v8, v1;
	v8 =	vmul.f32 v4, v4  }
0x1d7: {  	v13 =	vnsel vm6, $0x0, v13;
	v6 =	vsub.f32 v6, v61;
	v5 =	vmul.f32 v12, v10;
	v7 =	vld.idx.msk [tilespmem:v7+s7+$0x0], $0xffff  }
0x1d8: {  	v56 =	vmul.f32 $6.944444500e-03, v54;
	v19 =	vmul.f32 v62, v60;
	v22 =	vpop (erf);
	v8 =	vadd.f32 $1.000000000e+00, v8  }
0x1d9: {  	v11 =	vadd.f32 v21, v22;
	v6 =	vmul.f32 v6, v13;
	v5 =	vmul.f32 v5, v12  }
0x1da: {  	v27 =	vld [tilespmem:s0+$0x19F40];
	v24 =	vshra.s32 v8, $0x1;
	v25 =	vmul.f32 $5.000000000e-01, v8;
	v10 =	vmul.f32 $7.199822900e+00, v20  }
0x1db: {  	(erf) = vrcp.f32 v4;
	v5 =	vsub.f32 $1.500000000e+00, v5;
	v14 =	vsub.s32 $0x5F3759DF, v24  }
0x1dc: {  	v29 =	vld [tilespmem:s0+$0x1AF40];
	v6 =	vadd.f32 v6, v61;
	v28 =	vmul.f32 v14, v25;
	v7 =	vmul.f32 v7, v10  }
0x1dd: {  	v17 =	vadd.f32 $1.000000000e+00, v56;
	v23 =	vmul.f32 $2.500000000e-01, v4;
	v5 =	vmul.f32 v5, v12  }
0x1de: {  	v11 =	vadd.f32 $-1.666666720e-01, v11;
	v9 =	vmul.f32 v14, v28;
	v6 =	vmul.f32 v6, v7  }
0x1df: {  	vm11 =	vlt.f32 v4, $4.000000000e+00;
	v1 =	vmul.f32 v1, v19;
	v26 =	vmul.f32 v23, v23  }
0x1e0: {  	v17 =	vmul.f32 v5, v17;
	v5 =	vld [tilespmem:s0+$0x18F60];
	v2 =	vsub.f32 $1.500000000e+00, v9;
	v6 =	vnsel vm8, $0x0, v6  }
0x1e1: {  	v30 =	vmul.f32 $1.500000000e+01, v23;
	v8 =	vmul.f32 $6.944444500e-03, v8;
	v1 =	vsub.f32 $1.000000000e+00, v1;
	[tilespmem:s0+$0x1BF30] =	vst v6  }
0x1e2: {  	v31 =	vmul.f32 $6.000000000e+00, v26;
	v33 =	vadd.f32 $-1.666666720e-01, v17;
	v2 =	vmul.f32 v14, v2;
	v34 =	vld.idx.msk [tilespmem:v27+s7+$0x0], $0xffff  }
0x1e3: {  	v32 =	vmul.f32 v26, v23;
	v1 =	vnsel vm9, $0x0, v1;
	v7 =	vsub.f32 $1.000000000e+01, v30  }
0x1e4: {  	v11 =	vsub.f32 v11, v33;
	v6 =	vmul.f32 $6.944444500e-03, v4;
	v37 =	vmul.f32 v2, v25;
	v10 =	vld.idx.msk [tilespmem:v29+s7+$0x0], $0xffff  }
0x1e5: {  	v8 =	vadd.f32 $1.000000000e+00, v8;
	v36 =	vmul.f32 v5, v5;
	v38 =	vmul.f32 $2.500000000e-01, v5  }
0x1e6: {  	v42 =	vld [tilespmem:s0+$0x19F50];
	v7 =	vadd.f32 v31, v7;
	v11 =	vmul.f32 v11, v1;
	v14 =	vmul.f32 v37, v2  }
0x1e7: {  	(erf) = vrcp.f32 v5;
	v1 =	vld [tilespmem:s0+$0x18F70];
	v9 =	vadd.f32 $1.000000000e+00, v36;
	v12 =	vmul.f32 $7.199822900e+00, v34  }
0x1e8: {  	v57 =	vmul.f32 $6.944444500e-03, v5;
	v11 =	vadd.f32 v11, v33;
	v14 =	vsub.f32 $1.500000000e+00, v14  }
0x1e9: {  	v44 =	vld [tilespmem:s0+$0x1AF50];
	v41 =	vshra.s32 v9, $0x1;
	v43 =	vmul.f32 $5.000000000e-01, v9;
	v10 =	vmul.f32 v10, v12  }
0x1ea: {  	v35 =	vpop (erf);
	v7 =	vmul.f32 v7, v32;
	v18 =	vsub.s32 $0x5F3759DF, v41;
	v2 =	vmul.f32 v14, v2  }
0x1eb: {  	v6 =	vadd.f32 v6, v35;
	v46 =	vmul.f32 v18, v43;
	v10 =	vmul.f32 v11, v10  }
0x1ec: {  	v39 =	vmul.f32 v38, v38;
	v7 =	vsub.f32 $1.000000000e+00, v7;
	v47 =	vmul.f32 v1, v1  }
0x1ed: {  	v14 =	vmul.f32 v18, v46;
	v2 =	vmul.f32 v2, v8;
	v3 =	vnsel vm10, $0x0, v10  }
0x1ee: {  	v40 =	vmul.f32 $1.500000000e+01, v38;
	v6 =	vadd.f32 $-1.666666720e-01, v6;
	v8 =	vadd.f32 $1.000000000e+00, v47;
	[tilespmem:s0+$0x1BF40] =	vst v3  }
0x1ef: {  	v9 =	vmul.f32 $6.944444500e-03, v9;
	v49 =	vsub.f32 $1.500000000e+00, v14;
	v2 =	vadd.f32 $-1.666666720e-01, v2;
	v3 =	vld.idx.msk [tilespmem:v42+s7+$0x0], $0xffff  }
0x1f0: {  	v15 =	vmul.f32 v39, v38;
	v50 =	vshra.s32 v8, $0x1;
	v51 =	vmul.f32 $5.000000000e-01, v8  }
0x1f1: {  	v52 =	vsub.s32 $0x5F3759DF, v50;
	v11 =	vmul.f32 v18, v49;
	v6 =	vsub.f32 v6, v2;
	v12 =	vld.idx.msk [tilespmem:v44+s7+$0x0], $0xffff  }
0x1f2: {  	v48 =	vmul.f32 $6.000000000e+00, v39;
	v7 =	vnsel vm11, $0x0, v7;
	v14 =	vmul.f32 v52, v51  }
0x1f3: {  	v45 =	vsub.f32 $1.000000000e+01, v40;
	v53 =	vmul.f32 v11, v43;
	v6 =	vmul.f32 v6, v7  }
0x1f4: {  	v55 =	vld [tilespmem:s0+$0x19F60];
	v7 =	vmul.f32 v52, v14;
	v3 =	vmul.f32 $7.199822900e+00, v3  }
0x1f5: {  	(erf) = vrcp.f32 v1;
	v10 =	vadd.f32 v48, v45;
	v54 =	vmul.f32 v53, v11  }
0x1f6: {  	v56 =	vld [tilespmem:s0+$0x1AF60];
	v2 =	vadd.f32 v6, v2;
	v6 =	vsub.f32 $1.500000000e+00, v7;
	v3 =	vmul.f32 v12, v3  }
0x1f7: {  	v10 =	vmul.f32 v10, v15;
	v7 =	vmul.f32 $2.500000000e-01, v1;
	v14 =	vsub.f32 $1.500000000e+00, v54  }
0x1f8: {  	vm12 =	vle.f32 v4, $1.200000000e+01;
	v6 =	vmul.f32 v52, v6;
	v2 =	vmul.f32 v2, v3  }
0x1f9: {  	v9 =	vadd.f32 $1.000000000e+00, v9;
	v58 =	vmul.f32 v7, v7;
	v11 =	vmul.f32 v14, v11  }
0x1fa: {  	v59 =	vmul.f32 $1.500000000e+01, v7;
	v4 =	vmul.f32 v6, v51;
	v3 =	vpop (erf);
	v2 =	vnsel vm12, $0x0, v2  }
0x1fb: {  	v10 =	vsub.f32 $1.000000000e+00, v10;
	v9 =	vmul.f32 v11, v9;
	v3 =	vadd.f32 v57, v3;
	[tilespmem:s0+$0x1BF50] =	vst v2  }
0x1fc: {  	v61 =	vmul.f32 $6.000000000e+00, v58;
	v11 =	vsub.f32 $1.000000000e+01, v59;
	v2 =	vmul.f32 v4, v6;
	v60 =	vld.idx.msk [tilespmem:v55+s7+$0x0], $0xffff  }
0x1fd: {  	v4 =	vmul.f32 $6.944444500e-03, v8;
	v8 =	vadd.f32 $-1.666666720e-01, v9;
	v3 =	vadd.f32 $-1.666666720e-01, v3  }
0x1fe: {  	vm13 =	vlt.f32 v5, $4.000000000e+00;
	v63 =	vld.idx.msk [tilespmem:v56+s7+$0x0], $0xffff;
	v2 =	vsub.f32 $1.500000000e+00, v2  }
0x1ff: {  	v10 =	vnsel vm13, $0x0, v10;
	v11 =	vadd.f32 v61, v11;
	v3 =	vsub.f32 v3, v8  }
0x200: {  	v4 =	vadd.f32 $1.000000000e+00, v4;
	v2 =	vmul.f32 v2, v6;
	v6 =	vmul.f32 v58, v7  }
0x201: {  	v3 =	vmul.f32 v3, v10;
	v9 =	vmul.f32 $7.199822900e+00, v60  }
0x202: {  	v2 =	vmul.f32 v2, v4;
	v4 =	vmul.f32 v11, v6  }
0x203: {  	v62 =	vmul.f32 $6.944444500e-03, v1;
	v3 =	vadd.f32 v3, v8;
	v6 =	vmul.f32 v63, v9  }
0x204: {  	v7 =	vpop (erf);
	v4 =	vsub.f32 $1.000000000e+00, v4  }
0x205: {  	vm14 =	vlt.f32 v1, $4.000000000e+00;
	v7 =	vadd.f32 v62, v7;
	v6 =	vmul.f32 v3, v6;
	v3 =	vld [tilespmem:s0+$0x19F70]  }
0x206: {  	vm15 =	vle.f32 v5, $1.200000000e+01;
	v5 =	vnsel vm14, $0x0, v4;
	v4 =	vld [tilespmem:s0+$0x1AF70]  }
0x207: {  	v7 =	vadd.f32 $-1.666666720e-01, v7;
	v2 =	vadd.f32 $-1.666666720e-01, v2;
	_ =	sdelay $0x1  }
0x208: {  	v7 =	vsub.f32 v7, v2;
	_ =	sdelay $0x1  }
0x209: {  	s1 =	simm.s32 $0x200;
	v6 =	vnsel vm15, $0x0, v6;
	v5 =	vmul.f32 v7, v5  }
.LBB2_10:
0x20a: {  	s5 =	sshra.s32 s1, $0x2;
	p0 =	sne.s32 s1, $0x1E00;
	s1 =	sadd.s32 $0x200, s1;
	[tilespmem:s0+$0x1BF60] =	vst v6  }
0x20b: {  	v3 =	vld.idx.msk [tilespmem:v3+s7+$0x0], $0xffff;
	v2 =	vadd.f32 v5, v2  }
0x20c: {  	v4 =	vld.idx.msk [tilespmem:v4+s7+$0x0], $0xffff;
	_ =	sdelay $0x4  }
0x20d: {  	v3 =	vmul.f32 $7.199822900e+00, v3;
	_ =	sdelay $0x1  }
0x20e: {  	v3 =	vmul.f32 v4, v3;
	_ =	sdelay $0x1  }
0x20f: {  	v2 =	vmul.f32 v2, v3  }
0x210: {  	vm0 =	vle.f32 v1, $1.200000000e+01  }
0x211: {  	v1 =	vnsel vm0, $0x0, v2  }
0x212: {  	s10 =	sadd.s32 $0x19F00, s0;
	s28 =	sadd.s32 $0x1BF00, s0;
	[tilespmem:s0+$0x1BF70] =	vst v1;
	s0 =	smov.u32 s5  }
0x213: {  	[spmem:s6] =	stream.indirect.scatter.add.f32 [tilespmem:s28], [sflag:$0x3], $0x1, s10, s24, $0xb8;
	[tilespmem:$0x1E600] =	vst v63  }
0x214: {  	v4 =	vld [tilespmem:s0+$0x18F10]  }
0x215: {  	v3 =	vld [tilespmem:s0+$0x18F00];
	_ =	sdelay $0x3  }
0x216: {  	v2 =	vld [tilespmem:s0+$0x19F00];
	v1 =	vmul.f32 v4, v4;
	(erf) = vrcp.f32 v4  }
0x217: {  	v5 =	vmul.f32 v3, v3;
	(erf) = vrcp.f32 v3  }
0x218: {  	v9 =	vmul.f32 $2.500000000e-01, v4;
	v7 =	vmul.f32 $2.500000000e-01, v3;
	v6 =	vld [tilespmem:s0+$0x1AF00];
	v8 =	vadd.f32 $1.000000000e+00, v1  }
0x219: {  	v1 =	vadd.f32 $1.000000000e+00, v5  }
0x21a: {  	v5 =	vmul.f32 v7, v7;
	v10 =	vmul.f32 $1.500000000e+01, v7;
	v11 =	vshra.s32 v8, $0x1  }
0x21b: {  	v12 =	vshra.s32 v1, $0x1;
	v13 =	vmul.f32 $5.000000000e-01, v1;
	v14 =	vmul.f32 $6.944444500e-03, v1  }
0x21c: {  	v1 =	vsub.f32 $1.000000000e+01, v10;
	v10 =	vmul.f32 $6.000000000e+00, v5;
	v12 =	vsub.s32 $0x5F3759DF, v12  }
0x21d: {  	v5 =	vmul.f32 v5, v7;
	v15 =	vmul.f32 v12, v13  }
0x21e: {  	v16 =	vmul.f32 $6.944444500e-03, v4;
	v7 =	vadd.f32 v10, v1;
	v10 =	vmul.f32 $5.000000000e-01, v8  }
0x21f: {  	v17 =	vmul.f32 $6.944444500e-03, v3;
	v11 =	vsub.s32 $0x5F3759DF, v11;
	v15 =	vmul.f32 v12, v15;
	v1 =	vld [tilespmem:s0+$0x18F20];
	v18 =	vpop (erf)  }
0x220: {  	v5 =	vmul.f32 v7, v5;
	v7 =	vmul.f32 v11, v10;
	v16 =	vadd.f32 v16, v18;
	v18 =	vpop (erf)  }
0x221: {  	v8 =	vmul.f32 $6.944444500e-03, v8;
	v15 =	vsub.f32 $1.500000000e+00, v15;
	v17 =	vadd.f32 v17, v18  }
0x222: {  	v5 =	vsub.f32 $1.000000000e+00, v5;
	v7 =	vmul.f32 v11, v7;
	v18 =	vmul.f32 v9, v9  }
0x223: {  	vm0 =	vle.f32 v3, $1.200000000e+01;
	v12 =	vmul.f32 v12, v15;
	v15 =	vmul.f32 $1.500000000e+01, v9  }
0x224: {  	v7 =	vsub.f32 $1.500000000e+00, v7;
	v19 =	vmul.f32 $6.000000000e+00, v18;
	v20 =	vmul.f32 v1, v1  }
0x225: {  	v22 =	vmul.f32 $2.500000000e-01, v1;
	v13 =	vmul.f32 v12, v13;
	v21 =	vld [tilespmem:s0+$0x19F10];
	v15 =	vsub.f32 $1.000000000e+01, v15  }
0x226: {  	v9 =	vmul.f32 v18, v9;
	v7 =	vmul.f32 v11, v7;
	v11 =	vadd.f32 $1.000000000e+00, v20  }
0x227: {  	v13 =	vmul.f32 v13, v12;
	v18 =	vld [tilespmem:s0+$0x1AF10];
	v15 =	vadd.f32 v19, v15;
	v19 =	vmul.f32 v22, v22  }
0x228: {  	v23 =	vmul.f32 $1.500000000e+01, v22;
	v10 =	vmul.f32 v7, v10;
	v20 =	vshra.s32 v11, $0x1  }
0x229: {  	v24 =	vmul.f32 $5.000000000e-01, v11;
	v13 =	vsub.f32 $1.500000000e+00, v13;
	v20 =	vsub.s32 $0x5F3759DF, v20  }
0x22a: {  	vm1 =	vlt.f32 v4, $4.000000000e+00;
	v10 =	vmul.f32 v10, v7;
	v22 =	vmul.f32 v19, v22  }
0x22b: {  	v12 =	vmul.f32 v13, v12;
	v13 =	vadd.f32 $1.000000000e+00, v14;
	v14 =	vsub.f32 $1.000000000e+01, v23  }
0x22c: {  	v19 =	vmul.f32 $6.000000000e+00, v19;
	v10 =	vsub.f32 $1.500000000e+00, v10;
	v23 =	vmul.f32 v20, v24  }
0x22d: {  	v8 =	vadd.f32 $1.000000000e+00, v8;
	v9 =	vmul.f32 v15, v9;
	v25 =	vld.idx.msk [tilespmem:v2+s7+$0x0], $0xffff;
	v2 =	vmul.f32 v12, v13  }
0x22e: {  	v7 =	vmul.f32 v10, v7;
	v10 =	vmul.f32 v20, v23;
	v12 =	vadd.f32 v19, v14;
	v6 =	vld.idx.msk [tilespmem:v6+s7+$0x0], $0xffff  }
0x22f: {  	v11 =	vmul.f32 $6.944444500e-03, v11;
	v13 =	vadd.f32 $-1.666666720e-01, v17;
	v14 =	vadd.f32 $-1.666666720e-01, v2;
	v2 =	vld [tilespmem:s0+$0x18F30]  }
0x230: {  	vm2 =	vlt.f32 v3, $4.000000000e+00;
	v3 =	vmul.f32 v7, v8;
	v7 =	vsub.f32 $1.500000000e+00, v10  }
0x231: {  	v10 =	vadd.f32 $-1.666666720e-01, v16;
	v8 =	vsub.f32 v13, v14;
	(erf) = vrcp.f32 v1  }
0x232: {  	v5 =	vnsel vm2, $0x0, v5;
	v13 =	vadd.f32 $-1.666666720e-01, v3;
	v7 =	vmul.f32 v20, v7  }
0x233: {  	v3 =	vmul.f32 $7.199822900e+00, v25;
	v5 =	vmul.f32 v8, v5;
	v8 =	vsub.f32 $1.000000000e+00, v9  }
0x234: {  	v9 =	vsub.f32 v10, v13;
	v10 =	vmul.f32 v2, v2;
	(erf) = vrcp.f32 v2  }
0x235: {  	v3 =	vmul.f32 v6, v3;
	v5 =	vadd.f32 v5, v14;
	v6 =	vnsel vm1, $0x0, v8  }
0x236: {  	v6 =	vmul.f32 v9, v6;
	v8 =	vadd.f32 $1.000000000e+00, v10;
	v9 =	vmul.f32 $2.500000000e-01, v2  }
0x237: {  	v10 =	vmul.f32 v12, v22;
	v3 =	vmul.f32 v5, v3;
	v5 =	vadd.f32 $1.000000000e+00, v11  }
0x238: {  	v11 =	vshra.s32 v8, $0x1;
	v12 =	vmul.f32 $5.000000000e-01, v8;
	v14 =	vmul.f32 $1.500000000e+01, v9  }
0x239: {  	v15 =	vmul.f32 $6.944444500e-03, v1;
	v3 =	vnsel vm0, $0x0, v3;
	v11 =	vsub.s32 $0x5F3759DF, v11  }
0x23a: {  	v16 =	vmul.f32 v9, v9;
	[tilespmem:s0+$0x1BF00] =	vst v3;
	v3 =	vmul.f32 v11, v12;
	v14 =	vsub.f32 $1.000000000e+01, v14;
	v17 =	vpop (erf)  }
0x23b: {  	v20 =	vmul.f32 v7, v24;
	v10 =	vsub.f32 $1.000000000e+00, v10;
	v19 =	vld.idx.msk [tilespmem:v21+s7+$0x0], $0xffff;
	v15 =	vadd.f32 v15, v17  }
0x23c: {  	v21 =	vmul.f32 $6.944444500e-03, v2;
	v17 =	vld.idx.msk [tilespmem:v18+s7+$0x0], $0xffff;
	v18 =	vmul.f32 v11, v3  }
0x23d: {  	v20 =	vmul.f32 v20, v7;
	v22 =	vmul.f32 $6.000000000e+00, v16;
	v15 =	vadd.f32 $-1.666666720e-01, v15;
	v3 =	vld [tilespmem:s0+$0x18F40];
	v23 =	vpop (erf)  }
0x23e: {  	v9 =	vmul.f32 v16, v9;
	v18 =	vsub.f32 $1.500000000e+00, v18;
	v21 =	vadd.f32 v21, v23  }
0x23f: {  	v16 =	vsub.f32 $1.500000000e+00, v20;
	v14 =	vadd.f32 v22, v14  }
0x240: {  	v11 =	vmul.f32 v11, v18  }
0x241: {  	v7 =	vmul.f32 v16, v7;
	v18 =	vmul.f32 $7.199822900e+00, v19;
	v19 =	vld [tilespmem:s0+$0x19F20]  }
0x242: {  	vm0 =	vle.f32 v4, $1.200000000e+01;
	v4 =	vmul.f32 v11, v12;
	v12 =	vmul.f32 v3, v3  }
0x243: {  	v6 =	vadd.f32 v6, v13;
	v16 =	vmul.f32 v17, v18;
	v13 =	vld [tilespmem:s0+$0x1AF20];
	(erf) = vrcp.f32 v3  }
0x244: {  	v5 =	vmul.f32 v7, v5;
	v4 =	vmul.f32 v4, v11;
	v7 =	vadd.f32 $1.000000000e+00, v12  }
0x245: {  	vm1 =	vlt.f32 v1, $4.000000000e+00;
	v8 =	vmul.f32 $6.944444500e-03, v8;
	v6 =	vmul.f32 v6, v16  }
0x246: {  	v5 =	vadd.f32 $-1.666666720e-01, v5;
	v4 =	vsub.f32 $1.500000000e+00, v4;
	v12 =	vshra.s32 v7, $0x1  }
0x247: {  	v6 =	vnsel vm0, $0x0, v6;
	v16 =	vmul.f32 $6.944444500e-03, v7;
	v12 =	vsub.s32 $0x5F3759DF, v12  }
0x248: {  	v7 =	vmul.f32 $5.000000000e-01, v7;
	[tilespmem:s0+$0x1BF10] =	vst v6;
	v4 =	vmul.f32 v4, v11;
	v6 =	vadd.f32 $1.000000000e+00, v8  }
0x249: {  	v9 =	vmul.f32 v14, v9;
	v14 =	vmul.f32 $2.500000000e-01, v3;
	v11 =	vsub.f32 v15, v5;
	v8 =	vld.idx.msk [tilespmem:v19+s7+$0x0], $0xffff  }
0x24a: {  	v10 =	vnsel vm1, $0x0, v10;
	v4 =	vmul.f32 v4, v6;
	v6 =	vmul.f32 v12, v7  }
0x24b: {  	v15 =	vmul.f32 $6.944444500e-03, v3;
	v10 =	vmul.f32 v11, v10;
	v11 =	vadd.f32 $-1.666666720e-01, v21;
	v13 =	vld.idx.msk [tilespmem:v13+s7+$0x0], $0xffff  }
0x24c: {  	v18 =	vmul.f32 $1.500000000e+01, v14;
	v17 =	vadd.f32 $-1.666666720e-01, v4;
	v4 =	vmul.f32 v14, v14;
	v19 =	vpop (erf)  }
0x24d: {  	v6 =	vmul.f32 v12, v6;
	v15 =	vadd.f32 v15, v19  }
0x24e: {  	v9 =	vsub.f32 $1.000000000e+00, v9;
	v11 =	vsub.f32 v11, v17;
	v19 =	vmul.f32 $6.000000000e+00, v4  }
0x24f: {  	vm0 =	vlt.f32 v2, $4.000000000e+00;
	v8 =	vmul.f32 $7.199822900e+00, v8;
	v6 =	vsub.f32 $1.500000000e+00, v6;
	v20 =	vld [tilespmem:s0+$0x19F30]  }
0x250: {  	v18 =	vsub.f32 $1.000000000e+01, v18;
	v9 =	vnsel vm0, $0x0, v9;
	v14 =	vmul.f32 v4, v14;
	v4 =	vld [tilespmem:s0+$0x18F50]  }
0x251: {  	v5 =	vadd.f32 v10, v5;
	v8 =	vmul.f32 v13, v8;
	v9 =	vmul.f32 v11, v9;
	v10 =	vld [tilespmem:s0+$0x1AF30]  }
0x252: {  	v6 =	vmul.f32 v12, v6;
	v11 =	vadd.f32 v19, v18  }
0x253: {  	v5 =	vmul.f32 v5, v8;
	v8 =	vadd.f32 v9, v17  }
0x254: {  	vm0 =	vle.f32 v1, $1.200000000e+01;
	v1 =	vmul.f32 v6, v7;
	v7 =	vmul.f32 v11, v14  }
0x255: {  	v5 =	vnsel vm0, $0x0, v5;
	v9 =	vmul.f32 v4, v4;
	(erf) = vrcp.f32 v4  }
0x256: {  	v1 =	vmul.f32 v1, v6;
	v11 =	vmul.f32 $2.500000000e-01, v4;
	[tilespmem:s0+$0x1BF20] =	vst v5;
	v5 =	vadd.f32 $1.000000000e+00, v16  }
0x257: {  	v7 =	vsub.f32 $1.000000000e+00, v7;
	v12 =	vld.idx.msk [tilespmem:v20+s7+$0x0], $0xffff;
	v9 =	vadd.f32 $1.000000000e+00, v9  }
0x258: {  	v1 =	vsub.f32 $1.500000000e+00, v1;
	v13 =	vmul.f32 v11, v11  }
0x259: {  	v10 =	vld.idx.msk [tilespmem:v10+s7+$0x0], $0xffff;
	v14 =	vshra.s32 v9, $0x1;
	v16 =	vmul.f32 $5.000000000e-01, v9;
	v9 =	vmul.f32 $6.944444500e-03, v9  }
0x25a: {  	v1 =	vmul.f32 v1, v6;
	v6 =	vadd.f32 $-1.666666720e-01, v15;
	v14 =	vsub.s32 $0x5F3759DF, v14  }
0x25b: {  	vm0 =	vlt.f32 v3, $4.000000000e+00;
	v17 =	vmul.f32 $1.500000000e+01, v11;
	v15 =	vmul.f32 v14, v16  }
0x25c: {  	v18 =	vmul.f32 $6.944444500e-03, v4;
	v11 =	vmul.f32 v13, v11  }
0x25d: {  	v7 =	vnsel vm0, $0x0, v7;
	v12 =	vmul.f32 $7.199822900e+00, v12;
	v19 =	vld [tilespmem:s0+$0x19F40];
	v15 =	vmul.f32 v14, v15  }
0x25e: {  	v17 =	vsub.f32 $1.000000000e+01, v17;
	v13 =	vmul.f32 $6.000000000e+00, v13;
	v1 =	vmul.f32 v1, v5;
	v5 =	vld [tilespmem:s0+$0x18F60];
	v20 =	vpop (erf)  }
0x25f: {  	v10 =	vmul.f32 v10, v12;
	v12 =	vld [tilespmem:s0+$0x1AF40];
	v15 =	vsub.f32 $1.500000000e+00, v15;
	v18 =	vadd.f32 v18, v20  }
0x260: {  	v13 =	vadd.f32 v13, v17;
	v1 =	vadd.f32 $-1.666666720e-01, v1  }
0x261: {  	v8 =	vmul.f32 v8, v10;
	v10 =	vmul.f32 v14, v15  }
0x262: {  	vm0 =	vle.f32 v2, $1.200000000e+01;
	v2 =	vsub.f32 v6, v1;
	v6 =	vmul.f32 v13, v11  }
0x263: {  	v8 =	vnsel vm0, $0x0, v8;
	v11 =	vmul.f32 v10, v16;
	v13 =	vmul.f32 v5, v5  }
0x264: {  	v6 =	vsub.f32 $1.000000000e+00, v6;
	[tilespmem:s0+$0x1BF30] =	vst v8;
	v8 =	vmul.f32 $2.500000000e-01, v5;
	(erf) = vrcp.f32 v5  }
0x265: {  	v2 =	vmul.f32 v2, v7;
	v14 =	vld.idx.msk [tilespmem:v19+s7+$0x0], $0xffff;
	v7 =	vmul.f32 v11, v10;
	v11 =	vadd.f32 $1.000000000e+00, v13  }
0x266: {  	v13 =	vmul.f32 v8, v8;
	v15 =	vmul.f32 $1.500000000e+01, v8  }
0x267: {  	v12 =	vld.idx.msk [tilespmem:v12+s7+$0x0], $0xffff;
	v7 =	vsub.f32 $1.500000000e+00, v7;
	v16 =	vshra.s32 v11, $0x1;
	v17 =	vmul.f32 $5.000000000e-01, v11  }
0x268: {  	v11 =	vmul.f32 $6.944444500e-03, v11;
	v16 =	vsub.s32 $0x5F3759DF, v16;
	v15 =	vsub.f32 $1.000000000e+01, v15  }
0x269: {  	v9 =	vadd.f32 $1.000000000e+00, v9;
	v7 =	vmul.f32 v7, v10;
	v10 =	vmul.f32 v16, v17  }
0x26a: {  	v2 =	vadd.f32 v2, v1;
	v8 =	vmul.f32 v13, v8;
	v1 =	vmul.f32 $6.000000000e+00, v13  }
0x26b: {  	v13 =	vmul.f32 $7.199822900e+00, v14;
	v14 =	vld [tilespmem:s0+$0x19F50];
	v7 =	vmul.f32 v7, v9  }
0x26c: {  	v9 =	vmul.f32 v16, v10;
	v10 =	vadd.f32 v1, v15;
	v1 =	vld [tilespmem:s0+$0x18F70]  }
0x26d: {  	v15 =	vadd.f32 $-1.666666720e-01, v18;
	v12 =	vmul.f32 v12, v13;
	v13 =	vld [tilespmem:s0+$0x1AF50];
	v7 =	vadd.f32 $-1.666666720e-01, v7;
	v18 =	vpop (erf)  }
0x26e: {  	vm0 =	vle.f32 v3, $1.200000000e+01;
	v3 =	vsub.f32 $1.500000000e+00, v9;
	v8 =	vmul.f32 v10, v8  }
0x26f: {  	vm1 =	vlt.f32 v4, $4.000000000e+00;
	v2 =	vmul.f32 v2, v12;
	v9 =	vsub.f32 v15, v7  }
0x270: {  	v6 =	vnsel vm1, $0x0, v6;
	v3 =	vmul.f32 v16, v3;
	v8 =	vsub.f32 $1.000000000e+00, v8  }
0x271: {  	v2 =	vnsel vm0, $0x0, v2;
	v6 =	vmul.f32 v9, v6;
	v9 =	vmul.f32 v1, v1  }
0x272: {  	[tilespmem:s0+$0x1BF40] =	vst v2;
	v2 =	vmul.f32 v3, v17;
	(erf) = vrcp.f32 v1  }
0x273: {  	v10 =	vld.idx.msk [tilespmem:v14+s7+$0x0], $0xffff;
	v6 =	vadd.f32 v6, v7;
	v7 =	vadd.f32 $1.000000000e+00, v9;
	v9 =	vmul.f32 $2.500000000e-01, v1  }
0x274: {  	v12 =	vmul.f32 $6.944444500e-03, v5;
	v2 =	vmul.f32 v2, v3  }
0x275: {  	v13 =	vld.idx.msk [tilespmem:v13+s7+$0x0], $0xffff;
	v14 =	vshra.s32 v7, $0x1;
	v15 =	vmul.f32 $5.000000000e-01, v7;
	v7 =	vmul.f32 $6.944444500e-03, v7  }
0x276: {  	v16 =	vmul.f32 v9, v9;
	v2 =	vsub.f32 $1.500000000e+00, v2;
	v14 =	vsub.s32 $0x5F3759DF, v14  }
0x277: {  	v19 =	vmul.f32 $1.500000000e+01, v9;
	v17 =	vmul.f32 v14, v15  }
0x278: {  	v2 =	vmul.f32 v2, v3;
	v3 =	vadd.f32 $1.000000000e+00, v11;
	v11 =	vmul.f32 $6.000000000e+00, v16  }
0x279: {  	v19 =	vsub.f32 $1.000000000e+01, v19;
	v10 =	vmul.f32 $7.199822900e+00, v10;
	v20 =	vld [tilespmem:s0+$0x19F60];
	v17 =	vmul.f32 v14, v17  }
0x27a: {  	v12 =	vadd.f32 v12, v18;
	v21 =	vld [tilespmem:s0+$0x1AF60];
	v2 =	vmul.f32 v2, v3;
	v3 =	vmul.f32 v16, v9  }
0x27b: {  	v9 =	vmul.f32 v13, v10;
	v13 =	vmul.f32 $6.944444500e-03, v1;
	v10 =	vsub.f32 $1.500000000e+00, v17;
	v16 =	vpop (erf)  }
0x27c: {  	vm0 =	vle.f32 v4, $1.200000000e+01;
	v4 =	vadd.f32 $-1.666666720e-01, v12;
	v2 =	vadd.f32 $-1.666666720e-01, v2  }
0x27d: {  	v6 =	vmul.f32 v6, v9;
	v9 =	vmul.f32 v14, v10;
	v10 =	vadd.f32 v13, v16  }
0x27e: {  	vm1 =	vlt.f32 v5, $4.000000000e+00;
	v11 =	vadd.f32 v11, v19;
	v4 =	vsub.f32 v4, v2  }
0x27f: {  	v8 =	vnsel vm1, $0x0, v8;
	v6 =	vnsel vm0, $0x0, v6;
	v12 =	vmul.f32 v9, v15  }
0x280: {  	v3 =	vmul.f32 v11, v3;
	[tilespmem:s0+$0x1BF50] =	vst v6;
	v4 =	vmul.f32 v4, v8  }
0x281: {  	v6 =	vld.idx.msk [tilespmem:v20+s7+$0x0], $0xffff;
	v8 =	vmul.f32 v12, v9  }
0x282: {  	v13 =	vsub.f32 $1.000000000e+00, v3;
	v11 =	vld.idx.msk [tilespmem:v21+s7+$0x0], $0xffff;
	v12 =	vadd.f32 v4, v2  }
0x283: {  	v2 =	vsub.f32 $1.500000000e+00, v8;
	_ =	sdelay $0x1  }
0x284: {  	v4 =	vadd.f32 $1.000000000e+00, v7;
	v2 =	vmul.f32 v2, v9;
	_ =	sdelay $0x1  }
0x285: {  	v6 =	vmul.f32 $7.199822900e+00, v6;
	v3 =	vld [tilespmem:s0+$0x19F70];
	v2 =	vmul.f32 v2, v4  }
0x286: {  	v4 =	vld [tilespmem:s0+$0x1AF70]  }
.Ltmp9:
0x287: {  	v7 =	vadd.f32 $-1.666666720e-01, v10;
	v6 =	vmul.f32 v11, v6;
	v2 =	vadd.f32 $-1.666666720e-01, v2;
	(pc) =	sbr.rel @p0 .LBB2_10-.Ltmp9, $4  }
0x288: {  	_ = 	snop  }
0x289: {  	vm0 =	vlt.f32 v1, $4.000000000e+00;
	v6 =	vmul.f32 v12, v6;
	v7 =	vsub.f32 v7, v2  }
0x28a: {  	vm1 =	vle.f32 v5, $1.200000000e+01;
	v5 =	vnsel vm0, $0x0, v13  }
0x28b: {  	v6 =	vnsel vm1, $0x0, v6;
	v5 =	vmul.f32 v7, v5  }
0x28c: {  	_ =	sdelay $0x2  }
0x28d: {  	[tilespmem:s0+$0x1BF60] =	vst v6  }
0x28e: {  	v3 =	vld.idx.msk [tilespmem:v3+s7+$0x0], $0xffff;
	_ =	sdelay $0x1  }
0x28f: {  	v4 =	vld.idx.msk [tilespmem:v4+s7+$0x0], $0xffff;
	_ =	sdelay $0x2  }
0x290: {  	v3 =	vmul.f32 $7.199822900e+00, v3;
	_ =	sdelay $0x1  }
0x291: {  	v2 =	vadd.f32 v5, v2;
	v3 =	vmul.f32 v4, v3;
	_ =	sdelay $0x1  }
0x292: {  	v2 =	vmul.f32 v2, v3  }
0x293: {  	vm0 =	vle.f32 v1, $1.200000000e+01  }
0x294: {  	v1 =	vnsel vm0, $0x0, v2  }
0x295: {  	s1 =	sadd.s32 $0x19F00, s0;
	s5 =	sadd.s32 $0x1BF00, s0;
	[tilespmem:s0+$0x1BF70] =	vst v1  }
0x296: {  	[spmem:s6] =	stream.indirect.scatter.add.f32 [tilespmem:s5], [sflag:$0x3], $0x1, s1, s24, $0xb8;
	[tilespmem:$0x1E600] =	vst v63  }
0x297: {  	_ =	swait.ge [sflag:s25], $0x80  }
0x298: {  	[sflag:s25] =	ssyncset.done $0x0  }
0x299: {  	[sflag:s25] =	ssyncadd.s32 $0xFFFFFF80  }
0x29a: {  	_ =	swait.ge [sflag:s25], $0x80  }
0x29b: {  	[sflag:s25] =	ssyncset.done $0x0  }
0x29c: {  	[sflag:s25] =	ssyncadd.s32 $0xFFFFFF80  }
0x29d: {  	_ =	swait.ge [sflag:s25], $0x80  }
0x29e: {  	[sflag:s25] =	ssyncset.done $0x0  }
0x29f: {  	[sflag:s25] =	ssyncadd.s32 $0xFFFFFF80  }
0x2a0: {  	_ =	swait.ge [sflag:s25], $0x80  }
0x2a1: {  	[sflag:s25] =	ssyncset.done $0x0  }
0x2a2: {  	[sflag:s25] =	ssyncadd.s32 $0xFFFFFF80  }
0x2a3: {  	_ =	swait.ge [sflag:s25], $0x80  }
0x2a4: {  	[sflag:s25] =	ssyncset.done $0x0  }
0x2a5: {  	[sflag:s25] =	ssyncadd.s32 $0xFFFFFF80  }
0x2a6: {  	_ =	swait.ge [sflag:s25], $0x80  }
0x2a7: {  	[sflag:s25] =	ssyncset.done $0x0  }
0x2a8: {  	[sflag:s25] =	ssyncadd.s32 $0xFFFFFF80  }
0x2a9: {  	_ =	swait.ge [sflag:s25], $0x80  }
0x2aa: {  	[sflag:s25] =	ssyncset.done $0x0  }
0x2ab: {  	[sflag:s25] =	ssyncadd.s32 $0xFFFFFF80  }
0x2ac: {  	_ =	swait.ge [sflag:s25], $0x80  }
0x2ad: {  	[sflag:s25] =	ssyncset.done $0x0  }
0x2ae: {  	[sflag:s25] =	ssyncadd.s32 $0xFFFFFF80  }
0x2af: {  	_ =	swait.ge [sflag:s25], $0x80  }
0x2b0: {  	[sflag:s25] =	ssyncset.done $0x0  }
0x2b1: {  	[sflag:s25] =	ssyncadd.s32 $0xFFFFFF80  }
0x2b2: {  	_ =	swait.ge [sflag:s25], $0x80  }
0x2b3: {  	[sflag:s25] =	ssyncset.done $0x0  }
0x2b4: {  	[sflag:s25] =	ssyncadd.s32 $0xFFFFFF80  }
0x2b5: {  	_ =	swait.ge [sflag:s25], $0x80  }
0x2b6: {  	[sflag:s25] =	ssyncset.done $0x0  }
0x2b7: {  	[sflag:s25] =	ssyncadd.s32 $0xFFFFFF80  }
0x2b8: {  	_ =	swait.ge [sflag:s25], $0x80  }
0x2b9: {  	[sflag:s25] =	ssyncset.done $0x0  }
0x2ba: {  	[sflag:s25] =	ssyncadd.s32 $0xFFFFFF80  }
0x2bb: {  	_ =	swait.ge [sflag:s25], $0x80  }
0x2bc: {  	[sflag:s25] =	ssyncset.done $0x0  }
0x2bd: {  	[sflag:s25] =	ssyncadd.s32 $0xFFFFFF80  }
0x2be: {  	_ =	swait.ge [sflag:s25], $0x80  }
0x2bf: {  	[sflag:s25] =	ssyncset.done $0x0  }
0x2c0: {  	[sflag:s25] =	ssyncadd.s32 $0xFFFFFF80  }
0x2c1: {  	_ =	swait.ge [sflag:s25], $0x80  }
.Ltmp10:
0x2c2: {  	[sflag:s25] =	ssyncset.done $0x0;
	(pc) =	sbr.rel .LBB2_12-.Ltmp10, $4  }
0x2c3: {  	[sflag:s25] =	ssyncadd.s32 $0xFFFFFF80  }
0x2c4: {  	_ =	swait.ge [sflag:s25], $0x80  }
0x2c5: {  	[sflag:s25] =	ssyncset.done $0x0  }
0x2c6: {  	[sflag:s25] =	ssyncadd.s32 $0xFFFFFF80  }
.LBB2_14:
0x2c7: {  	_ =	sfence.sel $0x180000  }
0x2c8: {  	[bflag:$0x0] =	sbarrier.arrive $0xFFFF  }
0x2c9: {  	_ =	strace $0x90000047  }
0x2ca: {  	s0 =	stileid.u32;
	[bflag:$0x2] =	sbarrier.arrive $0xFFFF  }
0x2cb: {  	p0 =	sne.s32 s0, $0x0;
	s0 =	rddreg [dreg:$0x6]  }
0x2cc: {  	s0 =	sadd.s32 @!p0 $0x100000, s0  }
0x2cd: {  	[sflag:s0] =	ssyncadd.tile.s32 @!p0 $0x1;
	_ =	shalt  }
.Lfunc_end2:
_tile_overlayer_lowered:
.L_overlay_start_2:
0x2ce: {  	(tag) =	ssettag $0x2  }
0x2cf: {  	s0 =	rddreg [dreg:$0x0];
	s2 =	stileid.u32  }
0x2d0: {  	s1 =	rddreg [dreg:$0x1];
	p0 =	sne.s32 s2, $0x0  }
0x2d1: {  	s3 =	rddreg [dreg:$0x2];
	[bflag:$0x3] =	sbarrier.arrive $0xFFFF;
	s2 =	simm.s32 @!p0 $0x1C04  }
0x2d2: {  	[timem:s3], [sflag:s2] =	dma.local @!p0 [hbm:s0], s1  }
0x2d3: {  	s0 =	simm.s32 @!p0 $0x4  }
0x2d4: {  	_ =	swait.ge @!p0 [sflag:s0], s1  }
0x2d5: {  	s1 =	ssub.s32 @!p0 $0x0, s1;
	[sflag:s0] =	ssyncset.done @!p0 $0x0  }
0x2d6: {  	[sflag:s0] =	ssyncadd.s32 @!p0 s1  }
0x2d7: {  	[bflag:$0x3] =	sbarrier.arrive $0xFFFF  }
0x2d8: {  	_ =	shalt  }

</sc_bundles>
